<compile_context>
chip_gen: v7x
topology: tpu7x:2x2x1
jax: 0.10.2.dev20260603
libtpu: 0.0.44.dev20260713+nightly
codegen_flags: <defaults>
</compile_context>

<pallas_src>
import functools

import jax
import jax.numpy as jnp
from jax import lax
from jax.experimental import pallas as pl
from jax.experimental.pallas import tpu as pltpu
from jax.experimental.pallas import tpu_sc as plsc

N = 10000
E = 320000
D = 128
NC = 2
NS = 16
NW = NC * NS
NP = 10240
K = 80
CPT = 128
EP = K * CPT
EPAD = EP * NW - E
SPT = NP // NS
RB = 1024
L = 16

_mesh = plsc.VectorSubcoreMesh(core_axis_name="c", subcore_axis_name="s")
_sc_params = pltpu.CompilerParams(needs_layout_passes=False)


def _deg_body(dst_hbm, deg_hbm, idx_v, cnt_v):
    c = lax.axis_index("c")
    s = lax.axis_index("s")
    wid = c * NS + s

    def zero(i, _):
        cnt_v[pl.ds(i * L, L)] = jnp.zeros((L,), jnp.float32)
        return 0

    lax.fori_loop(0, NP // L, zero, 0)

    pltpu.sync_copy(dst_hbm.at[pl.ds(wid * EP, EP)], idx_v)

    ones = jnp.ones((L,), jnp.float32)

    def count(i, _):
        idx = idx_v[pl.ds(i * L, L)]
        plsc.addupdate_scatter(cnt_v, [idx], ones)
        return 0

    lax.fori_loop(0, EP // L, count, 0)
    pltpu.sync_copy(cnt_v, deg_hbm.at[pl.ds(wid * NP, NP)])


@functools.partial(
    pl.kernel,
    out_type=jax.ShapeDtypeStruct((NW * NP,), jnp.float32),
    mesh=_mesh,
    compiler_params=_sc_params,
    scratch_types=[
        pltpu.VMEM((EP,), jnp.int32),
        pltpu.VMEM((NP,), jnp.float32),
    ],
)
def _deg_sc(dst_hbm, deg_hbm, idx_v, cnt_v):
    _deg_body(dst_hbm, deg_hbm, idx_v, cnt_v)


NBUF = 3
SLK = NBUF - 2
NGRP = (CPT + SLK + NBUF - 1) // NBUF


def _agg_body(hs_hbm, pk_hbm, zeros_hbm, acc0_hbm, acc1_hbm,
              pk_v, sbufs, dbufs, bufs, acc_sh, sg, ss):
    c = lax.axis_index("c")
    s = lax.axis_index("s")
    wid = c * NS + s

    pltpu.sync_copy(pk_hbm.at[pl.ds(wid * EP, EP)], pk_v)

    rows = pl.ds(s * SPT, SPT)

    @pl.when(c == 0)
    def _():
        pltpu.sync_copy(hs_hbm.at[rows], acc_sh.at[rows])

    @pl.when(c == 1)
    def _():
        pltpu.sync_copy(zeros_hbm.at[rows], acc_sh.at[rows])

    plsc.subcore_barrier()

    def unpack(j, b):
        for q in range(K // L):
            p = pk_v[pl.ds(j * K + q * L, L)]
            sbufs[b][pl.ds(q * L, L)] = lax.shift_right_logical(p, 14)
            dbufs[b][pl.ds(q * L, L)] = lax.bitwise_and(p, 16383)

    def gather_start(j, b):
        unpack(j, b)
        pltpu.async_copy(hs_hbm.at[sbufs[b]], bufs[b], sg[b])

    def gather_wait(b):
        pltpu.make_async_copy(hs_hbm.at[pl.ds(0, K)], bufs[b], sg[b]).wait()

    def scatter_start(j, b):
        pltpu.async_copy(bufs[b], acc_sh.at[dbufs[b]], ss[b], add=True)

    def scatter_wait(b):
        pltpu.make_async_copy(bufs[b], acc_sh.at[pl.ds(0, K)], ss[b]).wait()

    for b in range(2):
        gather_start(b, b)

    def group(g, _):
        for b in range(NBUF):
            i = g * NBUF + b
            nb = (b + 2) % NBUF

            @pl.when(i < CPT)
            def _():
                gather_wait(b)
                scatter_start(i, b)

            @pl.when(jnp.logical_and(i >= SLK, i < CPT + SLK))
            def _():
                scatter_wait(nb)

            @pl.when(i + 2 < CPT)
            def _():
                gather_start(i + 2, nb)

        return 0

    lax.fori_loop(0, NGRP, group, 0)
    plsc.subcore_barrier()

    @pl.when(c == 0)
    def _():
        pltpu.sync_copy(acc_sh.at[rows], acc0_hbm.at[rows])

    @pl.when(c == 1)
    def _():
        pltpu.sync_copy(acc_sh.at[rows], acc1_hbm.at[rows])


@functools.partial(
    pl.kernel,
    out_type=(jax.ShapeDtypeStruct((NP, D), jnp.float32),
              jax.ShapeDtypeStruct((NP, D), jnp.float32)),
    mesh=_mesh,
    compiler_params=_sc_params,
    scratch_types=[
        pltpu.VMEM((EP,), jnp.int32),
        [pltpu.VMEM((K,), jnp.int32)] * NBUF,
        [pltpu.VMEM((K,), jnp.int32)] * NBUF,
        [pltpu.VMEM((K, D), jnp.float32)] * NBUF,
        pltpu.VMEM_SHARED((NP, D), jnp.float32),
        [pltpu.SemaphoreType.DMA] * NBUF,
        [pltpu.SemaphoreType.DMA] * NBUF,
    ],
)
def _agg_sc(hs_hbm, pk_hbm, zeros_hbm, acc0_hbm, acc1_hbm,
            pk_v, sbufs, dbufs, bufs, acc_sh, sg, ss):
    _agg_body(hs_hbm, pk_hbm, zeros_hbm, acc0_hbm, acc1_hbm,
              pk_v, sbufs, dbufs, bufs, acc_sh, sg, ss)


def _degsum_body(deg_ref, o_ref):
    o_ref[...] = lax.rsqrt(jnp.sum(deg_ref[...], axis=0, keepdims=True) + 1.0)


_degsum_tc = pl.pallas_call(
    _degsum_body, grid=(1,),
    in_specs=[pl.BlockSpec((NW, NP), lambda i: (0, 0))],
    out_specs=pl.BlockSpec((1, NP), lambda i: (0, 0)),
    out_shape=jax.ShapeDtypeStruct((1, NP), jnp.float32))


def _mm(a, w):
    return lax.dot_general(a, w, (((1,), (0,)), ((), ())),
                           preferred_element_type=jnp.float32,
                           precision=lax.Precision.HIGHEST)


def _prologue_body(x_ref, w_ref, dis_ref, o_ref):
    o_ref[...] = _mm(x_ref[...], w_ref[...]) * dis_ref[...]


def _combine_body(a0_ref, a1_ref, dis_ref, b_ref, w_ref, o_ref):
    dis = dis_ref[...]
    t = (a0_ref[...] + a1_ref[...]) * dis + b_ref[...]
    xk = jnp.maximum(t, 0.0)
    o_ref[...] = _mm(xk, w_ref[...]) * dis


def _final_body(a0_ref, a1_ref, dis_ref, b_ref, o_ref):
    o_ref[...] = (a0_ref[...] + a1_ref[...]) * dis_ref[...] + b_ref[...]


_row_spec = pl.BlockSpec((RB, D), lambda i: (i, 0))
_dis_spec = pl.BlockSpec((RB, 1), lambda i: (i, 0))
_w_spec = pl.BlockSpec((D, D), lambda i: (0, 0))
_b_spec = pl.BlockSpec((1, D), lambda i: (0, 0))
_out_f32 = jax.ShapeDtypeStruct((NP, D), jnp.float32)
_grid = (NP // RB,)

_prologue_tc = pl.pallas_call(
    _prologue_body, grid=_grid,
    in_specs=[_row_spec, _w_spec, _dis_spec],
    out_specs=_row_spec, out_shape=_out_f32)

_combine_tc = pl.pallas_call(
    _combine_body, grid=_grid,
    in_specs=[_row_spec, _row_spec, _dis_spec, _b_spec, _w_spec],
    out_specs=_row_spec, out_shape=_out_f32)

FRB = 1000

_final_tc = pl.pallas_call(
    _final_body, grid=(N // FRB,),
    in_specs=[pl.BlockSpec((FRB, D), lambda i: (i, 0)),
              pl.BlockSpec((FRB, D), lambda i: (i, 0)),
              pl.BlockSpec((FRB, 1), lambda i: (i, 0)),
              _b_spec],
    out_specs=pl.BlockSpec((FRB, D), lambda i: (i, 0)),
    out_shape=jax.ShapeDtypeStruct((N, D), jnp.float32))


def kernel(x, edge_index, W1, b1, W2, b2, W3, b3):
    pad_idx = (N + (jnp.arange(EPAD, dtype=jnp.int32) & 127))
    src = jnp.concatenate([edge_index[0], pad_idx])
    dst = jnp.concatenate([edge_index[1], pad_idx])
    packed = (src << 14) | dst
    x_p = jnp.pad(x, ((0, NP - N), (0, 0)))
    zeros = jnp.zeros((NP, D), jnp.float32)
    b1r = b1.reshape(1, D)
    b2r = b2.reshape(1, D)
    b3r = b3.reshape(1, D)

    deg = _deg_sc(dst)
    dis = _degsum_tc(deg.reshape(NW, NP)).reshape(NP, 1)

    hs1 = _prologue_tc(x_p, W1, dis)
    a0, a1 = _agg_sc(hs1, packed, zeros)
    hs2 = _combine_tc(a0, a1, dis, b1r, W2)
    a0, a1 = _agg_sc(hs2, packed, zeros)
    hs3 = _combine_tc(a0, a1, dis, b2r, W3)
    a0, a1 = _agg_sc(hs3, packed, zeros)
    return _final_tc(a0, a1, dis, b3r)

# --- scband reference (transcript-rebuilt; emitter-appended) ---
"""Pipeline reference for scband-enhanced-gcn-6777458393772 (READ-ONLY COPY).

The authoritative reference and input builder live on the scoring server;
editing this copy changes nothing except your own understanding.
"""

import jax, jax.numpy as jnp
import numpy as np

N = 10000
E = 320000
D_IN = 128
D_HID = 128
D_OUT = 128


def gcn_conv(x, src, dst, W, b):
    # PyG GCNConv (normalize=True, add_self_loops=True):
    # out = D^{-1/2} (A + I) D^{-1/2} X W + b
    n = x.shape[0]
    loop = jnp.arange(n, dtype=src.dtype)
    s = jnp.concatenate([src, loop])
    d = jnp.concatenate([dst, loop])
    h = x @ W
    deg = jnp.zeros((n,), dtype=x.dtype).at[d].add(1.0)
    deg_inv_sqrt = jnp.where(deg > 0, jax.lax.rsqrt(deg), 0.0)
    norm = deg_inv_sqrt[s] * deg_inv_sqrt[d]
    msg = norm[:, None] * h[s]
    out = jnp.zeros_like(h).at[d].add(msg)
    return out + b


def setup_inputs(seed: int = 0) -> dict:
    key = jax.random.key(seed)
    ks = jax.random.split(key, 8)
    x = jax.random.normal(ks[0], (N, D_IN), dtype=jnp.float32)
    edge_index = jax.random.randint(ks[1], (2, E), 0, N, dtype=jnp.int32)
    W1 = jax.random.normal(ks[2], (D_IN, D_HID), dtype=jnp.float32) * (1.0 / np.sqrt(D_IN))
    b1 = jnp.zeros((D_HID,), dtype=jnp.float32)
    W2 = jax.random.normal(ks[3], (D_HID, D_HID), dtype=jnp.float32) * (1.0 / np.sqrt(D_HID))
    b2 = jnp.zeros((D_HID,), dtype=jnp.float32)
    W3 = jax.random.normal(ks[4], (D_HID, D_OUT), dtype=jnp.float32) * (1.0 / np.sqrt(D_HID))
    b3 = jnp.zeros((D_OUT,), dtype=jnp.float32)
    return {"x": x, "edge_index": edge_index, "W1": W1, "b1": b1, "W2": W2, "b2": b2, "W3": W3, "b3": b3}


def reference(x, edge_index, W1, b1, W2, b2, W3, b3):
    src = edge_index[0]
    dst = edge_index[1]
    h = gcn_conv(x, src, dst, W1, b1)
    h = jax.nn.relu(h)
    # dropout p=0.5 is identity in eval mode
    h = gcn_conv(h, src, dst, W2, b2)
    h = jax.nn.relu(h)
    h = gcn_conv(h, src, dst, W3, b3)
    return h

if __name__ == "__main__":
    import jax
    _d = setup_inputs()
    print(jax.jit(kernel)(*tuple(_d.values())))

</pallas_src>

<mosaic_0001>
#map = affine_map<(d0, d1) -> (0, 0)>
#map1 = affine_map<(d0, d1) -> (0)>
module attributes {stable_mosaic.version = 14 : i64} {
  func.func @_agg_sc(%arg0: i32, %arg1: i32, %arg2: memref<10240x128xf32, #tpu.memory_space<hbm>>, %arg3: memref<327680xi32, #tpu.memory_space<hbm>>, %arg4: memref<10240x128xf32, #tpu.memory_space<hbm>>, %arg5: memref<10240x128xf32, #tpu.memory_space<hbm>>, %arg6: memref<10240x128xf32, #tpu.memory_space<hbm>>, %arg7: memref<10240xi32, #tpu.memory_space<vmem>>, %arg8: memref<80xi32, #tpu.memory_space<vmem>>, %arg9: memref<80xi32, #tpu.memory_space<vmem>>, %arg10: memref<80xi32, #tpu.memory_space<vmem>>, %arg11: memref<80xi32, #tpu.memory_space<vmem>>, %arg12: memref<80xi32, #tpu.memory_space<vmem>>, %arg13: memref<80xi32, #tpu.memory_space<vmem>>, %arg14: memref<80x128xf32, #tpu.memory_space<vmem>>, %arg15: memref<80x128xf32, #tpu.memory_space<vmem>>, %arg16: memref<80x128xf32, #tpu.memory_space<vmem>>, %arg17: memref<10240x128xf32, #tpu.memory_space<vmem_shared>>, %arg18: memref<!tpu.dma_semaphore, #tpu.memory_space<semaphore_mem>>, %arg19: memref<!tpu.dma_semaphore, #tpu.memory_space<semaphore_mem>>, %arg20: memref<!tpu.dma_semaphore, #tpu.memory_space<semaphore_mem>>, %arg21: memref<!tpu.dma_semaphore, #tpu.memory_space<semaphore_mem>>, %arg22: memref<!tpu.dma_semaphore, #tpu.memory_space<semaphore_mem>>, %arg23: memref<!tpu.dma_semaphore, #tpu.memory_space<semaphore_mem>>) attributes {dimension_semantics = [#tpu.dimension_semantics<core_parallel>, #tpu.dimension_semantics<subcore_parallel>], iteration_bounds = array<i64: 2, 16>, scalar_prefetch = 0 : i64, scratch_operands = 17 : i64, tpu.core_type = #tpu.core_type<sc_vector_subcore>, window_params = [{transform_indices = #map}, {transform_indices = #map1}, {transform_indices = #map}, {transform_indices = #map}, {transform_indices = #map}]} {
    %mul3A = arith.constant 16 : i32
    %mul3A_0 = arith.muli %arg0, %mul3A : i32
    %add3A = arith.addi %mul3A_0, %arg1 : i32
    %mul3A_1 = arith.constant 10240 : i32
    %mul3A_2 = arith.muli %add3A, %mul3A_1 : i32
    "tpu.region"() ({
      %run_scoped3A = tpu.sem_alloc : memref<!tpu.dma_semaphore, #tpu.memory_space<semaphore_mem>>
      %dma_start3A_150 = tpu.memref_slice %arg3[%mul3A_2] : memref<327680xi32, #tpu.memory_space<hbm>> -> memref<10240xi32, #tpu.memory_space<hbm>>
      %dma_start3A_151 = tpu.memref_slice %arg3[%mul3A_2] : memref<327680xi32, #tpu.memory_space<hbm>> -> memref<10240xi32, #tpu.memory_space<hbm>>
      tpu.enqueue_dma source(%dma_start3A_151 : memref<10240xi32, #tpu.memory_space<hbm>>) target(%arg7 : memref<10240xi32, #tpu.memory_space<vmem>>) target_semaphore(%run_scoped3A : memref<!tpu.dma_semaphore, #tpu.memory_space<semaphore_mem>>)
      %dma_wait3A = tpu.memref_slice %arg3[%mul3A_2] : memref<327680xi32, #tpu.memory_space<hbm>> -> memref<10240xi32, #tpu.memory_space<hbm>>
      %dma_wait3A_152 = tpu.memref_slice %arg3[%mul3A_2] : memref<327680xi32, #tpu.memory_space<hbm>> -> memref<10240xi32, #tpu.memory_space<hbm>>
      tpu.wait_dma2 semaphore(%run_scoped3A : memref<!tpu.dma_semaphore, #tpu.memory_space<semaphore_mem>>) src(%dma_wait3A_152 : memref<10240xi32, #tpu.memory_space<hbm>>) dst(%arg7 : memref<10240xi32, #tpu.memory_space<vmem>>)
      tpu.yield
    }) : () -> ()
    %mul3A_3 = arith.constant 640 : i32
    %mul3A_4 = arith.muli %arg1, %mul3A_3 : i32
    %eq3A = arith.constant 0 : i32
    %eq3A_5 = arith.cmpi eq, %arg0, %eq3A : i32
    %convert_element_type3A = arith.extui %eq3A_5 : i1 to i32
    %cond3A = arith.constant 0 : i32
    %cond3A_6 = arith.cmpi ne, %convert_element_type3A, %cond3A : i32
    scf.if %cond3A_6 {
      "tpu.region"() ({
        %run_scoped3A = tpu.sem_alloc : memref<!tpu.dma_semaphore, #tpu.memory_space<semaphore_mem>>
        %dma_start3A_150 = arith.constant 0 : i32
        %dma_start3A_151 = tpu.memref_slice %arg17[%mul3A_4, %dma_start3A_150] : memref<10240x128xf32, #tpu.memory_space<vmem_shared>> -> memref<640x128xf32, #tpu.memory_space<vmem_shared>>
        %dma_start3A_152 = arith.constant 0 : i32
        %dma_start3A_153 = tpu.memref_slice %arg2[%mul3A_4, %dma_start3A_152] : memref<10240x128xf32, #tpu.memory_space<hbm>> -> memref<640x128xf32, #tpu.memory_space<hbm>>
        tpu.enqueue_dma source(%dma_start3A_153 : memref<640x128xf32, #tpu.memory_space<hbm>>) target(%dma_start3A_151 : memref<640x128xf32, #tpu.memory_space<vmem_shared>>) target_semaphore(%run_scoped3A : memref<!tpu.dma_semaphore, #tpu.memory_space<semaphore_mem>>)
        %dma_wait3A = arith.constant 0 : i32
        %dma_wait3A_154 = tpu.memref_slice %arg17[%mul3A_4, %dma_wait3A] : memref<10240x128xf32, #tpu.memory_space<vmem_shared>> -> memref<640x128xf32, #tpu.memory_space<vmem_shared>>
        %dma_wait3A_155 = arith.constant 0 : i32
        %dma_wait3A_156 = tpu.memref_slice %arg2[%mul3A_4, %dma_wait3A_155] : memref<10240x128xf32, #tpu.memory_space<hbm>> -> memref<640x128xf32, #tpu.memory_space<hbm>>
        tpu.wait_dma2 semaphore(%run_scoped3A : memref<!tpu.dma_semaphore, #tpu.memory_space<semaphore_mem>>) src(%dma_wait3A_156 : memref<640x128xf32, #tpu.memory_space<hbm>>) dst(%dma_wait3A_154 : memref<640x128xf32, #tpu.memory_space<vmem_shared>>)
        tpu.yield
      }) : () -> ()
    } else {
    }
    %eq3A_7 = arith.constant 1 : i32
    %eq3A_8 = arith.cmpi eq, %arg0, %eq3A_7 : i32
    %convert_element_type3A_9 = arith.extui %eq3A_8 : i1 to i32
    %cond3A_10 = arith.constant 0 : i32
    %cond3A_11 = arith.cmpi ne, %convert_element_type3A_9, %cond3A_10 : i32
    scf.if %cond3A_11 {
      "tpu.region"() ({
        %run_scoped3A = tpu.sem_alloc : memref<!tpu.dma_semaphore, #tpu.memory_space<semaphore_mem>>
        %dma_start3A_150 = arith.constant 0 : i32
        %dma_start3A_151 = tpu.memref_slice %arg17[%mul3A_4, %dma_start3A_150] : memref<10240x128xf32, #tpu.memory_space<vmem_shared>> -> memref<640x128xf32, #tpu.memory_space<vmem_shared>>
        %dma_start3A_152 = arith.constant 0 : i32
        %dma_start3A_153 = tpu.memref_slice %arg4[%mul3A_4, %dma_start3A_152] : memref<10240x128xf32, #tpu.memory_space<hbm>> -> memref<640x128xf32, #tpu.memory_space<hbm>>
        tpu.enqueue_dma source(%dma_start3A_153 : memref<640x128xf32, #tpu.memory_space<hbm>>) target(%dma_start3A_151 : memref<640x128xf32, #tpu.memory_space<vmem_shared>>) target_semaphore(%run_scoped3A : memref<!tpu.dma_semaphore, #tpu.memory_space<semaphore_mem>>)
        %dma_wait3A = arith.constant 0 : i32
        %dma_wait3A_154 = tpu.memref_slice %arg17[%mul3A_4, %dma_wait3A] : memref<10240x128xf32, #tpu.memory_space<vmem_shared>> -> memref<640x128xf32, #tpu.memory_space<vmem_shared>>
        %dma_wait3A_155 = arith.constant 0 : i32
        %dma_wait3A_156 = tpu.memref_slice %arg4[%mul3A_4, %dma_wait3A_155] : memref<10240x128xf32, #tpu.memory_space<hbm>> -> memref<640x128xf32, #tpu.memory_space<hbm>>
        tpu.wait_dma2 semaphore(%run_scoped3A : memref<!tpu.dma_semaphore, #tpu.memory_space<semaphore_mem>>) src(%dma_wait3A_156 : memref<640x128xf32, #tpu.memory_space<hbm>>) dst(%dma_wait3A_154 : memref<640x128xf32, #tpu.memory_space<vmem_shared>>)
        tpu.yield
      }) : () -> ()
    } else {
    }
    %barrier3A = arith.constant 0 : index
    tpu.barrier barrier_id(%barrier3A)
    %get3A = arith.constant 0 : index
    %get3A_12 = tpu.vector_load %arg7[%get3A] {strides = array<i32>} : memref<10240xi32, #tpu.memory_space<vmem>>, vector<16xi32>,
    %shift_right_logical3A = arith.constant 14 : i32
    %shift_right_logical3A_13 = vector.broadcast %shift_right_logical3A : i32 to vector<16xi32>
    %shift_right_logical3A_14 = arith.shrui %get3A_12, %shift_right_logical3A_13 : vector<16xi32>
    %swap3A = arith.constant 0 : index
    %swap3A_15 = tpu.vector_load %arg8[%swap3A] {strides = array<i32>} : memref<80xi32, #tpu.memory_space<vmem>>, vector<16xi32>,
    tpu.vector_store %arg8[%swap3A], %shift_right_logical3A_14 {strides = array<i32>} : memref<80xi32, #tpu.memory_space<vmem>>, vector<16xi32>,
    %and3A = arith.constant 16383 : i32
    %and3A_16 = vector.broadcast %and3A : i32 to vector<16xi32>
    %and3A_17 = arith.andi %get3A_12, %and3A_16 : vector<16xi32>
    %swap3A_18 = arith.constant 0 : index
    %swap3A_19 = tpu.vector_load %arg11[%swap3A_18] {strides = array<i32>} : memref<80xi32, #tpu.memory_space<vmem>>, vector<16xi32>,
    tpu.vector_store %arg11[%swap3A_18], %and3A_17 {strides = array<i32>} : memref<80xi32, #tpu.memory_space<vmem>>, vector<16xi32>,
    %get3A_20 = arith.constant 16 : index
    %get3A_21 = tpu.vector_load %arg7[%get3A_20] {strides = array<i32>} : memref<10240xi32, #tpu.memory_space<vmem>>, vector<16xi32>,
    %shift_right_logical3A_22 = arith.constant 14 : i32
    %shift_right_logical3A_23 = vector.broadcast %shift_right_logical3A_22 : i32 to vector<16xi32>
    %shift_right_logical3A_24 = arith.shrui %get3A_21, %shift_right_logical3A_23 : vector<16xi32>
    %swap3A_25 = arith.constant 16 : index
    %swap3A_26 = tpu.vector_load %arg8[%swap3A_25] {strides = array<i32>} : memref<80xi32, #tpu.memory_space<vmem>>, vector<16xi32>,
    tpu.vector_store %arg8[%swap3A_25], %shift_right_logical3A_24 {strides = array<i32>} : memref<80xi32, #tpu.memory_space<vmem>>, vector<16xi32>,
    %and3A_27 = arith.constant 16383 : i32
    %and3A_28 = vector.broadcast %and3A_27 : i32 to vector<16xi32>
    %and3A_29 = arith.andi %get3A_21, %and3A_28 : vector<16xi32>
    %swap3A_30 = arith.constant 16 : index
    %swap3A_31 = tpu.vector_load %arg11[%swap3A_30] {strides = array<i32>} : memref<80xi32, #tpu.memory_space<vmem>>, vector<16xi32>,
    tpu.vector_store %arg11[%swap3A_30], %and3A_29 {strides = array<i32>} : memref<80xi32, #tpu.memory_space<vmem>>, vector<16xi32>,
    %get3A_32 = arith.constant 32 : index
    %get3A_33 = tpu.vector_load %arg7[%get3A_32] {strides = array<i32>} : memref<10240xi32, #tpu.memory_space<vmem>>, vector<16xi32>,
    %shift_right_logical3A_34 = arith.constant 14 : i32
    %shift_right_logical3A_35 = vector.broadcast %shift_right_logical3A_34 : i32 to vector<16xi32>
    %shift_right_logical3A_36 = arith.shrui %get3A_33, %shift_right_logical3A_35 : vector<16xi32>
    %swap3A_37 = arith.constant 32 : index
    %swap3A_38 = tpu.vector_load %arg8[%swap3A_37] {strides = array<i32>} : memref<80xi32, #tpu.memory_space<vmem>>, vector<16xi32>,
    tpu.vector_store %arg8[%swap3A_37], %shift_right_logical3A_36 {strides = array<i32>} : memref<80xi32, #tpu.memory_space<vmem>>, vector<16xi32>,
    %and3A_39 = arith.constant 16383 : i32
    %and3A_40 = vector.broadcast %and3A_39 : i32 to vector<16xi32>
    %and3A_41 = arith.andi %get3A_33, %and3A_40 : vector<16xi32>
    %swap3A_42 = arith.constant 32 : index
    %swap3A_43 = tpu.vector_load %arg11[%swap3A_42] {strides = array<i32>} : memref<80xi32, #tpu.memory_space<vmem>>, vector<16xi32>,
    tpu.vector_store %arg11[%swap3A_42], %and3A_41 {strides = array<i32>} : memref<80xi32, #tpu.memory_space<vmem>>, vector<16xi32>,
    %get3A_44 = arith.constant 48 : index
    %get3A_45 = tpu.vector_load %arg7[%get3A_44] {strides = array<i32>} : memref<10240xi32, #tpu.memory_space<vmem>>, vector<16xi32>,
    %shift_right_logical3A_46 = arith.constant 14 : i32
    %shift_right_logical3A_47 = vector.broadcast %shift_right_logical3A_46 : i32 to vector<16xi32>
    %shift_right_logical3A_48 = arith.shrui %get3A_45, %shift_right_logical3A_47 : vector<16xi32>
    %swap3A_49 = arith.constant 48 : index
    %swap3A_50 = tpu.vector_load %arg8[%swap3A_49] {strides = array<i32>} : memref<80xi32, #tpu.memory_space<vmem>>, vector<16xi32>,
    tpu.vector_store %arg8[%swap3A_49], %shift_right_logical3A_48 {strides = array<i32>} : memref<80xi32, #tpu.memory_space<vmem>>, vector<16xi32>,
    %and3A_51 = arith.constant 16383 : i32
    %and3A_52 = vector.broadcast %and3A_51 : i32 to vector<16xi32>
    %and3A_53 = arith.andi %get3A_45, %and3A_52 : vector<16xi32>
    %swap3A_54 = arith.constant 48 : index
    %swap3A_55 = tpu.vector_load %arg11[%swap3A_54] {strides = array<i32>} : memref<80xi32, #tpu.memory_space<vmem>>, vector<16xi32>,
    tpu.vector_store %arg11[%swap3A_54], %and3A_53 {strides = array<i32>} : memref<80xi32, #tpu.memory_space<vmem>>, vector<16xi32>,
    %get3A_56 = arith.constant 64 : index
    %get3A_57 = tpu.vector_load %arg7[%get3A_56] {strides = array<i32>} : memref<10240xi32, #tpu.memory_space<vmem>>, vector<16xi32>,
    %shift_right_logical3A_58 = arith.constant 14 : i32
    %shift_right_logical3A_59 = vector.broadcast %shift_right_logical3A_58 : i32 to vector<16xi32>
    %shift_right_logical3A_60 = arith.shrui %get3A_57, %shift_right_logical3A_59 : vector<16xi32>
    %swap3A_61 = arith.constant 64 : index
    %swap3A_62 = tpu.vector_load %arg8[%swap3A_61] {strides = array<i32>} : memref<80xi32, #tpu.memory_space<vmem>>, vector<16xi32>,
    tpu.vector_store %arg8[%swap3A_61], %shift_right_logical3A_60 {strides = array<i32>} : memref<80xi32, #tpu.memory_space<vmem>>, vector<16xi32>,
    %and3A_63 = arith.constant 16383 : i32
    %and3A_64 = vector.broadcast %and3A_63 : i32 to vector<16xi32>
    %and3A_65 = arith.andi %get3A_57, %and3A_64 : vector<16xi32>
    %swap3A_66 = arith.constant 64 : index
    %swap3A_67 = tpu.vector_load %arg11[%swap3A_66] {strides = array<i32>} : memref<80xi32, #tpu.memory_space<vmem>>, vector<16xi32>,
    tpu.vector_store %arg11[%swap3A_66], %and3A_65 {strides = array<i32>} : memref<80xi32, #tpu.memory_space<vmem>>, vector<16xi32>,
    %dma_start3A = arith.constant 0 : i32
    %dma_start3A_68 = arith.constant 0 : i32
    %dma_start3A_69 = tpu.memref_slice %arg2[%dma_start3A, %dma_start3A_68] : memref<10240x128xf32, #tpu.memory_space<hbm>> -> memref<10240x128xf32, #tpu.memory_space<hbm>>
    tpu.enqueue_indirect_dma source(%dma_start3A_69 : memref<10240x128xf32, #tpu.memory_space<hbm>>) target(%arg14 : memref<80x128xf32, #tpu.memory_space<vmem>>) offsets(%arg8 : memref<80xi32, #tpu.memory_space<vmem>>) semaphore(%arg18 : memref<!tpu.dma_semaphore, #tpu.memory_space<semaphore_mem>>)
    %get3A_70 = arith.constant 80 : index
    %get3A_71 = tpu.vector_load %arg7[%get3A_70] {strides = array<i32>} : memref<10240xi32, #tpu.memory_space<vmem>>, vector<16xi32>,
    %shift_right_logical3A_72 = arith.constant 14 : i32
    %shift_right_logical3A_73 = vector.broadcast %shift_right_logical3A_72 : i32 to vector<16xi32>
    %shift_right_logical3A_74 = arith.shrui %get3A_71, %shift_right_logical3A_73 : vector<16xi32>
    %swap3A_75 = arith.constant 0 : index
    %swap3A_76 = tpu.vector_load %arg9[%swap3A_75] {strides = array<i32>} : memref<80xi32, #tpu.memory_space<vmem>>, vector<16xi32>,
    tpu.vector_store %arg9[%swap3A_75], %shift_right_logical3A_74 {strides = array<i32>} : memref<80xi32, #tpu.memory_space<vmem>>, vector<16xi32>,
    %and3A_77 = arith.constant 16383 : i32
    %and3A_78 = vector.broadcast %and3A_77 : i32 to vector<16xi32>
    %and3A_79 = arith.andi %get3A_71, %and3A_78 : vector<16xi32>
    %swap3A_80 = arith.constant 0 : index
    %swap3A_81 = tpu.vector_load %arg12[%swap3A_80] {strides = array<i32>} : memref<80xi32, #tpu.memory_space<vmem>>, vector<16xi32>,
    tpu.vector_store %arg12[%swap3A_80], %and3A_79 {strides = array<i32>} : memref<80xi32, #tpu.memory_space<vmem>>, vector<16xi32>,
    %get3A_82 = arith.constant 96 : index
    %get3A_83 = tpu.vector_load %arg7[%get3A_82] {strides = array<i32>} : memref<10240xi32, #tpu.memory_space<vmem>>, vector<16xi32>,
    %shift_right_logical3A_84 = arith.constant 14 : i32
    %shift_right_logical3A_85 = vector.broadcast %shift_right_logical3A_84 : i32 to vector<16xi32>
    %shift_right_logical3A_86 = arith.shrui %get3A_83, %shift_right_logical3A_85 : vector<16xi32>
    %swap3A_87 = arith.constant 16 : index
    %swap3A_88 = tpu.vector_load %arg9[%swap3A_87] {strides = array<i32>} : memref<80xi32, #tpu.memory_space<vmem>>, vector<16xi32>,
    tpu.vector_store %arg9[%swap3A_87], %shift_right_logical3A_86 {strides = array<i32>} : memref<80xi32, #tpu.memory_space<vmem>>, vector<16xi32>,
    %and3A_89 = arith.constant 16383 : i32
    %and3A_90 = vector.broadcast %and3A_89 : i32 to vector<16xi32>
    %and3A_91 = arith.andi %get3A_83, %and3A_90 : vector<16xi32>
    %swap3A_92 = arith.constant 16 : index
    %swap3A_93 = tpu.vector_load %arg12[%swap3A_92] {strides = array<i32>} : memref<80xi32, #tpu.memory_space<vmem>>, vector<16xi32>,
    tpu.vector_store %arg12[%swap3A_92], %and3A_91 {strides = array<i32>} : memref<80xi32, #tpu.memory_space<vmem>>, vector<16xi32>,
    %get3A_94 = arith.constant 112 : index
    %get3A_95 = tpu.vector_load %arg7[%get3A_94] {strides = array<i32>} : memref<10240xi32, #tpu.memory_space<vmem>>, vector<16xi32>,
    %shift_right_logical3A_96 = arith.constant 14 : i32
    %shift_right_logical3A_97 = vector.broadcast %shift_right_logical3A_96 : i32 to vector<16xi32>
    %shift_right_logical3A_98 = arith.shrui %get3A_95, %shift_right_logical3A_97 : vector<16xi32>
    %swap3A_99 = arith.constant 32 : index
    %swap3A_100 = tpu.vector_load %arg9[%swap3A_99] {strides = array<i32>} : memref<80xi32, #tpu.memory_space<vmem>>, vector<16xi32>,
    tpu.vector_store %arg9[%swap3A_99], %shift_right_logical3A_98 {strides = array<i32>} : memref<80xi32, #tpu.memory_space<vmem>>, vector<16xi32>,
    %and3A_101 = arith.constant 16383 : i32
    %and3A_102 = vector.broadcast %and3A_101 : i32 to vector<16xi32>
    %and3A_103 = arith.andi %get3A_95, %and3A_102 : vector<16xi32>
    %swap3A_104 = arith.constant 32 : index
    %swap3A_105 = tpu.vector_load %arg12[%swap3A_104] {strides = array<i32>} : memref<80xi32, #tpu.memory_space<vmem>>, vector<16xi32>,
    tpu.vector_store %arg12[%swap3A_104], %and3A_103 {strides = array<i32>} : memref<80xi32, #tpu.memory_space<vmem>>, vector<16xi32>,
    %get3A_106 = arith.constant 128 : index
    %get3A_107 = tpu.vector_load %arg7[%get3A_106] {strides = array<i32>} : memref<10240xi32, #tpu.memory_space<vmem>>, vector<16xi32>,
    %shift_right_logical3A_108 = arith.constant 14 : i32
    %shift_right_logical3A_109 = vector.broadcast %shift_right_logical3A_108 : i32 to vector<16xi32>
    %shift_right_logical3A_110 = arith.shrui %get3A_107, %shift_right_logical3A_109 : vector<16xi32>
    %swap3A_111 = arith.constant 48 : index
    %swap3A_112 = tpu.vector_load %arg9[%swap3A_111] {strides = array<i32>} : memref<80xi32, #tpu.memory_space<vmem>>, vector<16xi32>,
    tpu.vector_store %arg9[%swap3A_111], %shift_right_logical3A_110 {strides = array<i32>} : memref<80xi32, #tpu.memory_space<vmem>>, vector<16xi32>,
    %and3A_113 = arith.constant 16383 : i32
    %and3A_114 = vector.broadcast %and3A_113 : i32 to vector<16xi32>
    %and3A_115 = arith.andi %get3A_107, %and3A_114 : vector<16xi32>
    %swap3A_116 = arith.constant 48 : index
    %swap3A_117 = tpu.vector_load %arg12[%swap3A_116] {strides = array<i32>} : memref<80xi32, #tpu.memory_space<vmem>>, vector<16xi32>,
    tpu.vector_store %arg12[%swap3A_116], %and3A_115 {strides = array<i32>} : memref<80xi32, #tpu.memory_space<vmem>>, vector<16xi32>,
    %get3A_118 = arith.constant 144 : index
    %get3A_119 = tpu.vector_load %arg7[%get3A_118] {strides = array<i32>} : memref<10240xi32, #tpu.memory_space<vmem>>, vector<16xi32>,
    %shift_right_logical3A_120 = arith.constant 14 : i32
    %shift_right_logical3A_121 = vector.broadcast %shift_right_logical3A_120 : i32 to vector<16xi32>
    %shift_right_logical3A_122 = arith.shrui %get3A_119, %shift_right_logical3A_121 : vector<16xi32>
    %swap3A_123 = arith.constant 64 : index
    %swap3A_124 = tpu.vector_load %arg9[%swap3A_123] {strides = array<i32>} : memref<80xi32, #tpu.memory_space<vmem>>, vector<16xi32>,
    tpu.vector_store %arg9[%swap3A_123], %shift_right_logical3A_122 {strides = array<i32>} : memref<80xi32, #tpu.memory_space<vmem>>, vector<16xi32>,
    %and3A_125 = arith.constant 16383 : i32
    %and3A_126 = vector.broadcast %and3A_125 : i32 to vector<16xi32>
    %and3A_127 = arith.andi %get3A_119, %and3A_126 : vector<16xi32>
    %swap3A_128 = arith.constant 64 : index
    %swap3A_129 = tpu.vector_load %arg12[%swap3A_128] {strides = array<i32>} : memref<80xi32, #tpu.memory_space<vmem>>, vector<16xi32>,
    tpu.vector_store %arg12[%swap3A_128], %and3A_127 {strides = array<i32>} : memref<80xi32, #tpu.memory_space<vmem>>, vector<16xi32>,
    %dma_start3A_130 = arith.constant 0 : i32
    %dma_start3A_131 = arith.constant 0 : i32
    %dma_start3A_132 = tpu.memref_slice %arg2[%dma_start3A_130, %dma_start3A_131] : memref<10240x128xf32, #tpu.memory_space<hbm>> -> memref<10240x128xf32, #tpu.memory_space<hbm>>
    tpu.enqueue_indirect_dma source(%dma_start3A_132 : memref<10240x128xf32, #tpu.memory_space<hbm>>) target(%arg15 : memref<80x128xf32, #tpu.memory_space<vmem>>) offsets(%arg9 : memref<80xi32, #tpu.memory_space<vmem>>) semaphore(%arg19 : memref<!tpu.dma_semaphore, #tpu.memory_space<semaphore_mem>>)
    %scan3A = arith.constant 0 : i32
    %scan3A_133 = arith.constant 0 : i32
    %scan3A_134 = arith.constant 43 : i32
    %scan3A_135 = arith.addi %scan3A_133, %scan3A_134 : i32
    %scan3A_136 = arith.constant 1 : i32
    %scan3A_137 = scf.for %scan3A_150 = %scan3A_133 to %scan3A_135 step %scan3A_136 iter_args(%scan3A_151 = %scan3A) -> (i32)  : i32 {
      %mul3A_152 = arith.constant 3 : i32
      %mul3A_153 = arith.muli %scan3A_150, %mul3A_152 : i32
      %add3A_154 = arith.constant 0 : i32
      %add3A_155 = arith.addi %mul3A_153, %add3A_154 : i32
      %lt3A = arith.constant 128 : i32
      %lt3A_156 = arith.cmpi slt, %add3A_155, %lt3A : i32
      %convert_element_type3A_157 = arith.extui %lt3A_156 : i1 to i32
      %cond3A_158 = arith.constant 0 : i32
      %cond3A_159 = arith.cmpi ne, %convert_element_type3A_157, %cond3A_158 : i32
      scf.if %cond3A_159 {
        %dma_wait3A = arith.constant 0 : i32
        %dma_wait3A_223 = arith.constant 0 : i32
        %dma_wait3A_224 = tpu.memref_slice %arg2[%dma_wait3A, %dma_wait3A_223] : memref<10240x128xf32, #tpu.memory_space<hbm>> -> memref<80x128xf32, #tpu.memory_space<hbm>>
        %dma_wait3A_225 = arith.constant 0 : i32
        %dma_wait3A_226 = arith.constant 0 : i32
        %dma_wait3A_227 = tpu.memref_slice %arg2[%dma_wait3A_225, %dma_wait3A_226] : memref<10240x128xf32, #tpu.memory_space<hbm>> -> memref<80x128xf32, #tpu.memory_space<hbm>>
        tpu.wait_dma2 semaphore(%arg18 : memref<!tpu.dma_semaphore, #tpu.memory_space<semaphore_mem>>) src(%dma_wait3A_227 : memref<80x128xf32, #tpu.memory_space<hbm>>) dst(%arg14 : memref<80x128xf32, #tpu.memory_space<vmem>>)
        %dma_start3A_228 = arith.constant 0 : i32
        %dma_start3A_229 = arith.constant 0 : i32
        %dma_start3A_230 = tpu.memref_slice %arg17[%dma_start3A_228, %dma_start3A_229] : memref<10240x128xf32, #tpu.memory_space<vmem_shared>> -> memref<10240x128xf32, #tpu.memory_space<vmem_shared>>
        tpu.enqueue_indirect_dma source(%arg14 : memref<80x128xf32, #tpu.memory_space<vmem>>) target(%dma_start3A_230 : memref<10240x128xf32, #tpu.memory_space<vmem_shared>>) offsets(%arg11 : memref<80xi32, #tpu.memory_space<vmem>>) semaphore(%arg21 : memref<!tpu.dma_semaphore, #tpu.memory_space<semaphore_mem>>) {add = true}
      } else {
      }
      %ge3A = arith.constant 1 : i32
      %ge3A_160 = arith.cmpi sge, %add3A_155, %ge3A : i32
      %lt3A_161 = arith.constant 129 : i32
      %lt3A_162 = arith.cmpi slt, %add3A_155, %lt3A_161 : i32
      %and3A_163 = arith.andi %ge3A_160, %lt3A_162 : i1
      %convert_element_type3A_164 = arith.extui %and3A_163 : i1 to i32
      %cond3A_165 = arith.constant 0 : i32
      %cond3A_166 = arith.cmpi ne, %convert_element_type3A_164, %cond3A_165 : i32
      scf.if %cond3A_166 {
        %dma_wait3A = arith.constant 0 : i32
        %dma_wait3A_223 = arith.constant 0 : i32
        %dma_wait3A_224 = tpu.memref_slice %arg17[%dma_wait3A, %dma_wait3A_223] : memref<10240x128xf32, #tpu.memory_space<vmem_shared>> -> memref<80x128xf32, #tpu.memory_space<vmem_shared>>
        %dma_wait3A_225 = arith.constant 0 : i32
        %dma_wait3A_226 = arith.constant 0 : i32
        %dma_wait3A_227 = tpu.memref_slice %arg17[%dma_wait3A_225, %dma_wait3A_226] : memref<10240x128xf32, #tpu.memory_space<vmem_shared>> -> memref<80x128xf32, #tpu.memory_space<vmem_shared>>
        tpu.wait_dma2 semaphore(%arg23 : memref<!tpu.dma_semaphore, #tpu.memory_space<semaphore_mem>>) src(%arg16 : memref<80x128xf32, #tpu.memory_space<vmem>>) dst(%dma_wait3A_227 : memref<80x128xf32, #tpu.memory_space<vmem_shared>>)
      } else {
      }
      %add3A_167 = arith.constant 2 : i32
      %add3A_168 = arith.addi %add3A_155, %add3A_167 : i32
      %lt3A_169 = arith.constant 128 : i32
      %lt3A_170 = arith.cmpi slt, %add3A_168, %lt3A_169 : i32
      %convert_element_type3A_171 = arith.extui %lt3A_170 : i1 to i32
      %cond3A_172 = arith.constant 0 : i32
      %cond3A_173 = arith.cmpi ne, %convert_element_type3A_171, %cond3A_172 : i32
      scf.if %cond3A_173 {
        %add3A_223 = arith.constant 2 : i32
        %add3A_224 = arith.addi %add3A_155, %add3A_223 : i32
        %mul3A_225 = arith.constant 80 : i32
        %mul3A_226 = arith.muli %add3A_224, %mul3A_225 : i32
        %add3A_227 = arith.constant 0 : i32
        %add3A_228 = arith.addi %mul3A_226, %add3A_227 : i32
        %get3A_229 = arith.index_cast %add3A_228 : i32 to index
        %get3A_230 = tpu.vector_load %arg7[%get3A_229] {strides = array<i32>} : memref<10240xi32, #tpu.memory_space<vmem>>, vector<16xi32>,
        %shift_right_logical3A_231 = arith.constant 14 : i32
        %shift_right_logical3A_232 = vector.broadcast %shift_right_logical3A_231 : i32 to vector<16xi32>
        %shift_right_logical3A_233 = arith.shrui %get3A_230, %shift_right_logical3A_232 : vector<16xi32>
        %swap3A_234 = arith.constant 0 : index
        %swap3A_235 = tpu.vector_load %arg10[%swap3A_234] {strides = array<i32>} : memref<80xi32, #tpu.memory_space<vmem>>, vector<16xi32>,
        tpu.vector_store %arg10[%swap3A_234], %shift_right_logical3A_233 {strides = array<i32>} : memref<80xi32, #tpu.memory_space<vmem>>, vector<16xi32>,
        %and3A_236 = arith.constant 16383 : i32
        %and3A_237 = vector.broadcast %and3A_236 : i32 to vector<16xi32>
        %and3A_238 = arith.andi %get3A_230, %and3A_237 : vector<16xi32>
        %swap3A_239 = arith.constant 0 : index
        %swap3A_240 = tpu.vector_load %arg13[%swap3A_239] {strides = array<i32>} : memref<80xi32, #tpu.memory_space<vmem>>, vector<16xi32>,
        tpu.vector_store %arg13[%swap3A_239], %and3A_238 {strides = array<i32>} : memref<80xi32, #tpu.memory_space<vmem>>, vector<16xi32>,
        %mul3A_241 = arith.constant 80 : i32
        %mul3A_242 = arith.muli %add3A_224, %mul3A_241 : i32
        %add3A_243 = arith.constant 16 : i32
        %add3A_244 = arith.addi %mul3A_242, %add3A_243 : i32
        %get3A_245 = arith.index_cast %add3A_244 : i32 to index
        %get3A_246 = tpu.vector_load %arg7[%get3A_245] {strides = array<i32>} : memref<10240xi32, #tpu.memory_space<vmem>>, vector<16xi32>,
        %shift_right_logical3A_247 = arith.constant 14 : i32
        %shift_right_logical3A_248 = vector.broadcast %shift_right_logical3A_247 : i32 to vector<16xi32>
        %shift_right_logical3A_249 = arith.shrui %get3A_246, %shift_right_logical3A_248 : vector<16xi32>
        %swap3A_250 = arith.constant 16 : index
        %swap3A_251 = tpu.vector_load %arg10[%swap3A_250] {strides = array<i32>} : memref<80xi32, #tpu.memory_space<vmem>>, vector<16xi32>,
        tpu.vector_store %arg10[%swap3A_250], %shift_right_logical3A_249 {strides = array<i32>} : memref<80xi32, #tpu.memory_space<vmem>>, vector<16xi32>,
        %and3A_252 = arith.constant 16383 : i32
        %and3A_253 = vector.broadcast %and3A_252 : i32 to vector<16xi32>
        %and3A_254 = arith.andi %get3A_246, %and3A_253 : vector<16xi32>
        %swap3A_255 = arith.constant 16 : index
        %swap3A_256 = tpu.vector_load %arg13[%swap3A_255] {strides = array<i32>} : memref<80xi32, #tpu.memory_space<vmem>>, vector<16xi32>,
        tpu.vector_store %arg13[%swap3A_255], %and3A_254 {strides = array<i32>} : memref<80xi32, #tpu.memory_space<vmem>>, vector<16xi32>,
        %mul3A_257 = arith.constant 80 : i32
        %mul3A_258 = arith.muli %add3A_224, %mul3A_257 : i32
        %add3A_259 = arith.constant 32 : i32
        %add3A_260 = arith.addi %mul3A_258, %add3A_259 : i32
        %get3A_261 = arith.index_cast %add3A_260 : i32 to index
        %get3A_262 = tpu.vector_load %arg7[%get3A_261] {strides = array<i32>} : memref<10240xi32, #tpu.memory_space<vmem>>, vector<16xi32>,
        %shift_right_logical3A_263 = arith.constant 14 : i32
        %shift_right_logical3A_264 = vector.broadcast %shift_right_logical3A_263 : i32 to vector<16xi32>
        %shift_right_logical3A_265 = arith.shrui %get3A_262, %shift_right_logical3A_264 : vector<16xi32>
        %swap3A_266 = arith.constant 32 : index
        %swap3A_267 = tpu.vector_load %arg10[%swap3A_266] {strides = array<i32>} : memref<80xi32, #tpu.memory_space<vmem>>, vector<16xi32>,
        tpu.vector_store %arg10[%swap3A_266], %shift_right_logical3A_265 {strides = array<i32>} : memref<80xi32, #tpu.memory_space<vmem>>, vector<16xi32>,
        %and3A_268 = arith.constant 16383 : i32
        %and3A_269 = vector.broadcast %and3A_268 : i32 to vector<16xi32>
        %and3A_270 = arith.andi %get3A_262, %and3A_269 : vector<16xi32>
        %swap3A_271 = arith.constant 32 : index
        %swap3A_272 = tpu.vector_load %arg13[%swap3A_271] {strides = array<i32>} : memref<80xi32, #tpu.memory_space<vmem>>, vector<16xi32>,
        tpu.vector_store %arg13[%swap3A_271], %and3A_270 {strides = array<i32>} : memref<80xi32, #tpu.memory_space<vmem>>, vector<16xi32>,
        %mul3A_273 = arith.constant 80 : i32
        %mul3A_274 = arith.muli %add3A_224, %mul3A_273 : i32
        %add3A_275 = arith.constant 48 : i32
        %add3A_276 = arith.addi %mul3A_274, %add3A_275 : i32
        %get3A_277 = arith.index_cast %add3A_276 : i32 to index
        %get3A_278 = tpu.vector_load %arg7[%get3A_277] {strides = array<i32>} : memref<10240xi32, #tpu.memory_space<vmem>>, vector<16xi32>,
        %shift_right_logical3A_279 = arith.constant 14 : i32
        %shift_right_logical3A_280 = vector.broadcast %shift_right_logical3A_279 : i32 to vector<16xi32>
        %shift_right_logical3A_281 = arith.shrui %get3A_278, %shift_right_logical3A_280 : vector<16xi32>
        %swap3A_282 = arith.constant 48 : index
        %swap3A_283 = tpu.vector_load %arg10[%swap3A_282] {strides = array<i32>} : memref<80xi32, #tpu.memory_space<vmem>>, vector<16xi32>,
        tpu.vector_store %arg10[%swap3A_282], %shift_right_logical3A_281 {strides = array<i32>} : memref<80xi32, #tpu.memory_space<vmem>>, vector<16xi32>,
        %and3A_284 = arith.constant 16383 : i32
        %and3A_285 = vector.broadcast %and3A_284 : i32 to vector<16xi32>
        %and3A_286 = arith.andi %get3A_278, %and3A_285 : vector<16xi32>
        %swap3A_287 = arith.constant 48 : index
        %swap3A_288 = tpu.vector_load %arg13[%swap3A_287] {strides = array<i32>} : memref<80xi32, #tpu.memory_space<vmem>>, vector<16xi32>,
        tpu.vector_store %arg13[%swap3A_287], %and3A_286 {strides = array<i32>} : memref<80xi32, #tpu.memory_space<vmem>>, vector<16xi32>,
        %mul3A_289 = arith.constant 80 : i32
        %mul3A_290 = arith.muli %add3A_224, %mul3A_289 : i32
        %add3A_291 = arith.constant 64 : i32
        %add3A_292 = arith.addi %mul3A_290, %add3A_291 : i32
        %get3A_293 = arith.index_cast %add3A_292 : i32 to index
        %get3A_294 = tpu.vector_load %arg7[%get3A_293] {strides = array<i32>} : memref<10240xi32, #tpu.memory_space<vmem>>, vector<16xi32>,
        %shift_right_logical3A_295 = arith.constant 14 : i32
        %shift_right_logical3A_296 = vector.broadcast %shift_right_logical3A_295 : i32 to vector<16xi32>
        %shift_right_logical3A_297 = arith.shrui %get3A_294, %shift_right_logical3A_296 : vector<16xi32>
        %swap3A_298 = arith.constant 64 : index
        %swap3A_299 = tpu.vector_load %arg10[%swap3A_298] {strides = array<i32>} : memref<80xi32, #tpu.memory_space<vmem>>, vector<16xi32>,
        tpu.vector_store %arg10[%swap3A_298], %shift_right_logical3A_297 {strides = array<i32>} : memref<80xi32, #tpu.memory_space<vmem>>, vector<16xi32>,
        %and3A_300 = arith.constant 16383 : i32
        %and3A_301 = vector.broadcast %and3A_300 : i32 to vector<16xi32>
        %and3A_302 = arith.andi %get3A_294, %and3A_301 : vector<16xi32>
        %swap3A_303 = arith.constant 64 : index
        %swap3A_304 = tpu.vector_load %arg13[%swap3A_303] {strides = array<i32>} : memref<80xi32, #tpu.memory_space<vmem>>, vector<16xi32>,
        tpu.vector_store %arg13[%swap3A_303], %and3A_302 {strides = array<i32>} : memref<80xi32, #tpu.memory_space<vmem>>, vector<16xi32>,
        %dma_start3A_305 = arith.constant 0 : i32
        %dma_start3A_306 = arith.constant 0 : i32
        %dma_start3A_307 = tpu.memref_slice %arg2[%dma_start3A_305, %dma_start3A_306] : memref<10240x128xf32, #tpu.memory_space<hbm>> -> memref<10240x128xf32, #tpu.memory_space<hbm>>
        tpu.enqueue_indirect_dma source(%dma_start3A_307 : memref<10240x128xf32, #tpu.memory_space<hbm>>) target(%arg16 : memref<80x128xf32, #tpu.memory_space<vmem>>) offsets(%arg10 : memref<80xi32, #tpu.memory_space<vmem>>) semaphore(%arg20 : memref<!tpu.dma_semaphore, #tpu.memory_space<semaphore_mem>>)
      } else {
      }
      %mul3A_174 = arith.constant 3 : i32
      %mul3A_175 = arith.muli %scan3A_150, %mul3A_174 : i32
      %add3A_176 = arith.constant 1 : i32
      %add3A_177 = arith.addi %mul3A_175, %add3A_176 : i32
      %lt3A_178 = arith.constant 128 : i32
      %lt3A_179 = arith.cmpi slt, %add3A_177, %lt3A_178 : i32
      %convert_element_type3A_180 = arith.extui %lt3A_179 : i1 to i32
      %cond3A_181 = arith.constant 0 : i32
      %cond3A_182 = arith.cmpi ne, %convert_element_type3A_180, %cond3A_181 : i32
      scf.if %cond3A_182 {
        %dma_wait3A = arith.constant 0 : i32
        %dma_wait3A_223 = arith.constant 0 : i32
        %dma_wait3A_224 = tpu.memref_slice %arg2[%dma_wait3A, %dma_wait3A_223] : memref<10240x128xf32, #tpu.memory_space<hbm>> -> memref<80x128xf32, #tpu.memory_space<hbm>>
        %dma_wait3A_225 = arith.constant 0 : i32
        %dma_wait3A_226 = arith.constant 0 : i32
        %dma_wait3A_227 = tpu.memref_slice %arg2[%dma_wait3A_225, %dma_wait3A_226] : memref<10240x128xf32, #tpu.memory_space<hbm>> -> memref<80x128xf32, #tpu.memory_space<hbm>>
        tpu.wait_dma2 semaphore(%arg19 : memref<!tpu.dma_semaphore, #tpu.memory_space<semaphore_mem>>) src(%dma_wait3A_227 : memref<80x128xf32, #tpu.memory_space<hbm>>) dst(%arg15 : memref<80x128xf32, #tpu.memory_space<vmem>>)
        %dma_start3A_228 = arith.constant 0 : i32
        %dma_start3A_229 = arith.constant 0 : i32
        %dma_start3A_230 = tpu.memref_slice %arg17[%dma_start3A_228, %dma_start3A_229] : memref<10240x128xf32, #tpu.memory_space<vmem_shared>> -> memref<10240x128xf32, #tpu.memory_space<vmem_shared>>
        tpu.enqueue_indirect_dma source(%arg15 : memref<80x128xf32, #tpu.memory_space<vmem>>) target(%dma_start3A_230 : memref<10240x128xf32, #tpu.memory_space<vmem_shared>>) offsets(%arg12 : memref<80xi32, #tpu.memory_space<vmem>>) semaphore(%arg22 : memref<!tpu.dma_semaphore, #tpu.memory_space<semaphore_mem>>) {add = true}
      } else {
      }
      %ge3A_183 = arith.constant 1 : i32
      %ge3A_184 = arith.cmpi sge, %add3A_177, %ge3A_183 : i32
      %lt3A_185 = arith.constant 129 : i32
      %lt3A_186 = arith.cmpi slt, %add3A_177, %lt3A_185 : i32
      %and3A_187 = arith.andi %ge3A_184, %lt3A_186 : i1
      %convert_element_type3A_188 = arith.extui %and3A_187 : i1 to i32
      %cond3A_189 = arith.constant 0 : i32
      %cond3A_190 = arith.cmpi ne, %convert_element_type3A_188, %cond3A_189 : i32
      scf.if %cond3A_190 {
        %dma_wait3A = arith.constant 0 : i32
        %dma_wait3A_223 = arith.constant 0 : i32
        %dma_wait3A_224 = tpu.memref_slice %arg17[%dma_wait3A, %dma_wait3A_223] : memref<10240x128xf32, #tpu.memory_space<vmem_shared>> -> memref<80x128xf32, #tpu.memory_space<vmem_shared>>
        %dma_wait3A_225 = arith.constant 0 : i32
        %dma_wait3A_226 = arith.constant 0 : i32
        %dma_wait3A_227 = tpu.memref_slice %arg17[%dma_wait3A_225, %dma_wait3A_226] : memref<10240x128xf32, #tpu.memory_space<vmem_shared>> -> memref<80x128xf32, #tpu.memory_space<vmem_shared>>
        tpu.wait_dma2 semaphore(%arg21 : memref<!tpu.dma_semaphore, #tpu.memory_space<semaphore_mem>>) src(%arg14 : memref<80x128xf32, #tpu.memory_space<vmem>>) dst(%dma_wait3A_227 : memref<80x128xf32, #tpu.memory_space<vmem_shared>>)
      } else {
      }
      %add3A_191 = arith.constant 2 : i32
      %add3A_192 = arith.addi %add3A_177, %add3A_191 : i32
      %lt3A_193 = arith.constant 128 : i32
      %lt3A_194 = arith.cmpi slt, %add3A_192, %lt3A_193 : i32
      %convert_element_type3A_195 = arith.extui %lt3A_194 : i1 to i32
      %cond3A_196 = arith.constant 0 : i32
      %cond3A_197 = arith.cmpi ne, %convert_element_type3A_195, %cond3A_196 : i32
      scf.if %cond3A_197 {
        %add3A_223 = arith.constant 2 : i32
        %add3A_224 = arith.addi %add3A_177, %add3A_223 : i32
        %mul3A_225 = arith.constant 80 : i32
        %mul3A_226 = arith.muli %add3A_224, %mul3A_225 : i32
        %add3A_227 = arith.constant 0 : i32
        %add3A_228 = arith.addi %mul3A_226, %add3A_227 : i32
        %get3A_229 = arith.index_cast %add3A_228 : i32 to index
        %get3A_230 = tpu.vector_load %arg7[%get3A_229] {strides = array<i32>} : memref<10240xi32, #tpu.memory_space<vmem>>, vector<16xi32>,
        %shift_right_logical3A_231 = arith.constant 14 : i32
        %shift_right_logical3A_232 = vector.broadcast %shift_right_logical3A_231 : i32 to vector<16xi32>
        %shift_right_logical3A_233 = arith.shrui %get3A_230, %shift_right_logical3A_232 : vector<16xi32>
        %swap3A_234 = arith.constant 0 : index
        %swap3A_235 = tpu.vector_load %arg8[%swap3A_234] {strides = array<i32>} : memref<80xi32, #tpu.memory_space<vmem>>, vector<16xi32>,
        tpu.vector_store %arg8[%swap3A_234], %shift_right_logical3A_233 {strides = array<i32>} : memref<80xi32, #tpu.memory_space<vmem>>, vector<16xi32>,
        %and3A_236 = arith.constant 16383 : i32
        %and3A_237 = vector.broadcast %and3A_236 : i32 to vector<16xi32>
        %and3A_238 = arith.andi %get3A_230, %and3A_237 : vector<16xi32>
        %swap3A_239 = arith.constant 0 : index
        %swap3A_240 = tpu.vector_load %arg11[%swap3A_239] {strides = array<i32>} : memref<80xi32, #tpu.memory_space<vmem>>, vector<16xi32>,
        tpu.vector_store %arg11[%swap3A_239], %and3A_238 {strides = array<i32>} : memref<80xi32, #tpu.memory_space<vmem>>, vector<16xi32>,
        %mul3A_241 = arith.constant 80 : i32
        %mul3A_242 = arith.muli %add3A_224, %mul3A_241 : i32
        %add3A_243 = arith.constant 16 : i32
        %add3A_244 = arith.addi %mul3A_242, %add3A_243 : i32
        %get3A_245 = arith.index_cast %add3A_244 : i32 to index
        %get3A_246 = tpu.vector_load %arg7[%get3A_245] {strides = array<i32>} : memref<10240xi32, #tpu.memory_space<vmem>>, vector<16xi32>,
        %shift_right_logical3A_247 = arith.constant 14 : i32
        %shift_right_logical3A_248 = vector.broadcast %shift_right_logical3A_247 : i32 to vector<16xi32>
        %shift_right_logical3A_249 = arith.shrui %get3A_246, %shift_right_logical3A_248 : vector<16xi32>
        %swap3A_250 = arith.constant 16 : index
        %swap3A_251 = tpu.vector_load %arg8[%swap3A_250] {strides = array<i32>} : memref<80xi32, #tpu.memory_space<vmem>>, vector<16xi32>,
        tpu.vector_store %arg8[%swap3A_250], %shift_right_logical3A_249 {strides = array<i32>} : memref<80xi32, #tpu.memory_space<vmem>>, vector<16xi32>,
        %and3A_252 = arith.constant 16383 : i32
        %and3A_253 = vector.broadcast %and3A_252 : i32 to vector<16xi32>
        %and3A_254 = arith.andi %get3A_246, %and3A_253 : vector<16xi32>
        %swap3A_255 = arith.constant 16 : index
        %swap3A_256 = tpu.vector_load %arg11[%swap3A_255] {strides = array<i32>} : memref<80xi32, #tpu.memory_space<vmem>>, vector<16xi32>,
        tpu.vector_store %arg11[%swap3A_255], %and3A_254 {strides = array<i32>} : memref<80xi32, #tpu.memory_space<vmem>>, vector<16xi32>,
        %mul3A_257 = arith.constant 80 : i32
        %mul3A_258 = arith.muli %add3A_224, %mul3A_257 : i32
        %add3A_259 = arith.constant 32 : i32
        %add3A_260 = arith.addi %mul3A_258, %add3A_259 : i32
        %get3A_261 = arith.index_cast %add3A_260 : i32 to index
        %get3A_262 = tpu.vector_load %arg7[%get3A_261] {strides = array<i32>} : memref<10240xi32, #tpu.memory_space<vmem>>, vector<16xi32>,
        %shift_right_logical3A_263 = arith.constant 14 : i32
        %shift_right_logical3A_264 = vector.broadcast %shift_right_logical3A_263 : i32 to vector<16xi32>
        %shift_right_logical3A_265 = arith.shrui %get3A_262, %shift_right_logical3A_264 : vector<16xi32>
        %swap3A_266 = arith.constant 32 : index
        %swap3A_267 = tpu.vector_load %arg8[%swap3A_266] {strides = array<i32>} : memref<80xi32, #tpu.memory_space<vmem>>, vector<16xi32>,
        tpu.vector_store %arg8[%swap3A_266], %shift_right_logical3A_265 {strides = array<i32>} : memref<80xi32, #tpu.memory_space<vmem>>, vector<16xi32>,
        %and3A_268 = arith.constant 16383 : i32
        %and3A_269 = vector.broadcast %and3A_268 : i32 to vector<16xi32>
        %and3A_270 = arith.andi %get3A_262, %and3A_269 : vector<16xi32>
        %swap3A_271 = arith.constant 32 : index
        %swap3A_272 = tpu.vector_load %arg11[%swap3A_271] {strides = array<i32>} : memref<80xi32, #tpu.memory_space<vmem>>, vector<16xi32>,
        tpu.vector_store %arg11[%swap3A_271], %and3A_270 {strides = array<i32>} : memref<80xi32, #tpu.memory_space<vmem>>, vector<16xi32>,
        %mul3A_273 = arith.constant 80 : i32
        %mul3A_274 = arith.muli %add3A_224, %mul3A_273 : i32
        %add3A_275 = arith.constant 48 : i32
        %add3A_276 = arith.addi %mul3A_274, %add3A_275 : i32
        %get3A_277 = arith.index_cast %add3A_276 : i32 to index
        %get3A_278 = tpu.vector_load %arg7[%get3A_277] {strides = array<i32>} : memref<10240xi32, #tpu.memory_space<vmem>>, vector<16xi32>,
        %shift_right_logical3A_279 = arith.constant 14 : i32
        %shift_right_logical3A_280 = vector.broadcast %shift_right_logical3A_279 : i32 to vector<16xi32>
        %shift_right_logical3A_281 = arith.shrui %get3A_278, %shift_right_logical3A_280 : vector<16xi32>
        %swap3A_282 = arith.constant 48 : index
        %swap3A_283 = tpu.vector_load %arg8[%swap3A_282] {strides = array<i32>} : memref<80xi32, #tpu.memory_space<vmem>>, vector<16xi32>,
        tpu.vector_store %arg8[%swap3A_282], %shift_right_logical3A_281 {strides = array<i32>} : memref<80xi32, #tpu.memory_space<vmem>>, vector<16xi32>,
        %and3A_284 = arith.constant 16383 : i32
        %and3A_285 = vector.broadcast %and3A_284 : i32 to vector<16xi32>
        %and3A_286 = arith.andi %get3A_278, %and3A_285 : vector<16xi32>
        %swap3A_287 = arith.constant 48 : index
        %swap3A_288 = tpu.vector_load %arg11[%swap3A_287] {strides = array<i32>} : memref<80xi32, #tpu.memory_space<vmem>>, vector<16xi32>,
        tpu.vector_store %arg11[%swap3A_287], %and3A_286 {strides = array<i32>} : memref<80xi32, #tpu.memory_space<vmem>>, vector<16xi32>,
        %mul3A_289 = arith.constant 80 : i32
        %mul3A_290 = arith.muli %add3A_224, %mul3A_289 : i32
        %add3A_291 = arith.constant 64 : i32
        %add3A_292 = arith.addi %mul3A_290, %add3A_291 : i32
        %get3A_293 = arith.index_cast %add3A_292 : i32 to index
        %get3A_294 = tpu.vector_load %arg7[%get3A_293] {strides = array<i32>} : memref<10240xi32, #tpu.memory_space<vmem>>, vector<16xi32>,
        %shift_right_logical3A_295 = arith.constant 14 : i32
        %shift_right_logical3A_296 = vector.broadcast %shift_right_logical3A_295 : i32 to vector<16xi32>
        %shift_right_logical3A_297 = arith.shrui %get3A_294, %shift_right_logical3A_296 : vector<16xi32>
        %swap3A_298 = arith.constant 64 : index
        %swap3A_299 = tpu.vector_load %arg8[%swap3A_298] {strides = array<i32>} : memref<80xi32, #tpu.memory_space<vmem>>, vector<16xi32>,
        tpu.vector_store %arg8[%swap3A_298], %shift_right_logical3A_297 {strides = array<i32>} : memref<80xi32, #tpu.memory_space<vmem>>, vector<16xi32>,
        %and3A_300 = arith.constant 16383 : i32
        %and3A_301 = vector.broadcast %and3A_300 : i32 to vector<16xi32>
        %and3A_302 = arith.andi %get3A_294, %and3A_301 : vector<16xi32>
        %swap3A_303 = arith.constant 64 : index
        %swap3A_304 = tpu.vector_load %arg11[%swap3A_303] {strides = array<i32>} : memref<80xi32, #tpu.memory_space<vmem>>, vector<16xi32>,
        tpu.vector_store %arg11[%swap3A_303], %and3A_302 {strides = array<i32>} : memref<80xi32, #tpu.memory_space<vmem>>, vector<16xi32>,
        %dma_start3A_305 = arith.constant 0 : i32
        %dma_start3A_306 = arith.constant 0 : i32
        %dma_start3A_307 = tpu.memref_slice %arg2[%dma_start3A_305, %dma_start3A_306] : memref<10240x128xf32, #tpu.memory_space<hbm>> -> memref<10240x128xf32, #tpu.memory_space<hbm>>
        tpu.enqueue_indirect_dma source(%dma_start3A_307 : memref<10240x128xf32, #tpu.memory_space<hbm>>) target(%arg14 : memref<80x128xf32, #tpu.memory_space<vmem>>) offsets(%arg8 : memref<80xi32, #tpu.memory_space<vmem>>) semaphore(%arg18 : memref<!tpu.dma_semaphore, #tpu.memory_space<semaphore_mem>>)
      } else {
      }
      %mul3A_198 = arith.constant 3 : i32
      %mul3A_199 = arith.muli %scan3A_150, %mul3A_198 : i32
      %add3A_200 = arith.constant 2 : i32
      %add3A_201 = arith.addi %mul3A_199, %add3A_200 : i32
      %lt3A_202 = arith.constant 128 : i32
      %lt3A_203 = arith.cmpi slt, %add3A_201, %lt3A_202 : i32
      %convert_element_type3A_204 = arith.extui %lt3A_203 : i1 to i32
      %cond3A_205 = arith.constant 0 : i32
      %cond3A_206 = arith.cmpi ne, %convert_element_type3A_204, %cond3A_205 : i32
      scf.if %cond3A_206 {
        %dma_wait3A = arith.constant 0 : i32
        %dma_wait3A_223 = arith.constant 0 : i32
        %dma_wait3A_224 = tpu.memref_slice %arg2[%dma_wait3A, %dma_wait3A_223] : memref<10240x128xf32, #tpu.memory_space<hbm>> -> memref<80x128xf32, #tpu.memory_space<hbm>>
        %dma_wait3A_225 = arith.constant 0 : i32
        %dma_wait3A_226 = arith.constant 0 : i32
        %dma_wait3A_227 = tpu.memref_slice %arg2[%dma_wait3A_225, %dma_wait3A_226] : memref<10240x128xf32, #tpu.memory_space<hbm>> -> memref<80x128xf32, #tpu.memory_space<hbm>>
        tpu.wait_dma2 semaphore(%arg20 : memref<!tpu.dma_semaphore, #tpu.memory_space<semaphore_mem>>) src(%dma_wait3A_227 : memref<80x128xf32, #tpu.memory_space<hbm>>) dst(%arg16 : memref<80x128xf32, #tpu.memory_space<vmem>>)
        %dma_start3A_228 = arith.constant 0 : i32
        %dma_start3A_229 = arith.constant 0 : i32
        %dma_start3A_230 = tpu.memref_slice %arg17[%dma_start3A_228, %dma_start3A_229] : memref<10240x128xf32, #tpu.memory_space<vmem_shared>> -> memref<10240x128xf32, #tpu.memory_space<vmem_shared>>
        tpu.enqueue_indirect_dma source(%arg16 : memref<80x128xf32, #tpu.memory_space<vmem>>) target(%dma_start3A_230 : memref<10240x128xf32, #tpu.memory_space<vmem_shared>>) offsets(%arg13 : memref<80xi32, #tpu.memory_space<vmem>>) semaphore(%arg23 : memref<!tpu.dma_semaphore, #tpu.memory_space<semaphore_mem>>) {add = true}
      } else {
      }
      %ge3A_207 = arith.constant 1 : i32
      %ge3A_208 = arith.cmpi sge, %add3A_201, %ge3A_207 : i32
      %lt3A_209 = arith.constant 129 : i32
      %lt3A_210 = arith.cmpi slt, %add3A_201, %lt3A_209 : i32
      %and3A_211 = arith.andi %ge3A_208, %lt3A_210 : i1
      %convert_element_type3A_212 = arith.extui %and3A_211 : i1 to i32
      %cond3A_213 = arith.constant 0 : i32
      %cond3A_214 = arith.cmpi ne, %convert_element_type3A_212, %cond3A_213 : i32
      scf.if %cond3A_214 {
        %dma_wait3A = arith.constant 0 : i32
        %dma_wait3A_223 = arith.constant 0 : i32
        %dma_wait3A_224 = tpu.memref_slice %arg17[%dma_wait3A, %dma_wait3A_223] : memref<10240x128xf32, #tpu.memory_space<vmem_shared>> -> memref<80x128xf32, #tpu.memory_space<vmem_shared>>
        %dma_wait3A_225 = arith.constant 0 : i32
        %dma_wait3A_226 = arith.constant 0 : i32
        %dma_wait3A_227 = tpu.memref_slice %arg17[%dma_wait3A_225, %dma_wait3A_226] : memref<10240x128xf32, #tpu.memory_space<vmem_shared>> -> memref<80x128xf32, #tpu.memory_space<vmem_shared>>
        tpu.wait_dma2 semaphore(%arg22 : memref<!tpu.dma_semaphore, #tpu.memory_space<semaphore_mem>>) src(%arg15 : memref<80x128xf32, #tpu.memory_space<vmem>>) dst(%dma_wait3A_227 : memref<80x128xf32, #tpu.memory_space<vmem_shared>>)
      } else {
      }
      %add3A_215 = arith.constant 2 : i32
      %add3A_216 = arith.addi %add3A_201, %add3A_215 : i32
      %lt3A_217 = arith.constant 128 : i32
      %lt3A_218 = arith.cmpi slt, %add3A_216, %lt3A_217 : i32
      %convert_element_type3A_219 = arith.extui %lt3A_218 : i1 to i32
      %cond3A_220 = arith.constant 0 : i32
      %cond3A_221 = arith.cmpi ne, %convert_element_type3A_219, %cond3A_220 : i32
      scf.if %cond3A_221 {
        %add3A_223 = arith.constant 2 : i32
        %add3A_224 = arith.addi %add3A_201, %add3A_223 : i32
        %mul3A_225 = arith.constant 80 : i32
        %mul3A_226 = arith.muli %add3A_224, %mul3A_225 : i32
        %add3A_227 = arith.constant 0 : i32
        %add3A_228 = arith.addi %mul3A_226, %add3A_227 : i32
        %get3A_229 = arith.index_cast %add3A_228 : i32 to index
        %get3A_230 = tpu.vector_load %arg7[%get3A_229] {strides = array<i32>} : memref<10240xi32, #tpu.memory_space<vmem>>, vector<16xi32>,
        %shift_right_logical3A_231 = arith.constant 14 : i32
        %shift_right_logical3A_232 = vector.broadcast %shift_right_logical3A_231 : i32 to vector<16xi32>
        %shift_right_logical3A_233 = arith.shrui %get3A_230, %shift_right_logical3A_232 : vector<16xi32>
        %swap3A_234 = arith.constant 0 : index
        %swap3A_235 = tpu.vector_load %arg9[%swap3A_234] {strides = array<i32>} : memref<80xi32, #tpu.memory_space<vmem>>, vector<16xi32>,
        tpu.vector_store %arg9[%swap3A_234], %shift_right_logical3A_233 {strides = array<i32>} : memref<80xi32, #tpu.memory_space<vmem>>, vector<16xi32>,
        %and3A_236 = arith.constant 16383 : i32
        %and3A_237 = vector.broadcast %and3A_236 : i32 to vector<16xi32>
        %and3A_238 = arith.andi %get3A_230, %and3A_237 : vector<16xi32>
        %swap3A_239 = arith.constant 0 : index
        %swap3A_240 = tpu.vector_load %arg12[%swap3A_239] {strides = array<i32>} : memref<80xi32, #tpu.memory_space<vmem>>, vector<16xi32>,
        tpu.vector_store %arg12[%swap3A_239], %and3A_238 {strides = array<i32>} : memref<80xi32, #tpu.memory_space<vmem>>, vector<16xi32>,
        %mul3A_241 = arith.constant 80 : i32
        %mul3A_242 = arith.muli %add3A_224, %mul3A_241 : i32
        %add3A_243 = arith.constant 16 : i32
        %add3A_244 = arith.addi %mul3A_242, %add3A_243 : i32
        %get3A_245 = arith.index_cast %add3A_244 : i32 to index
        %get3A_246 = tpu.vector_load %arg7[%get3A_245] {strides = array<i32>} : memref<10240xi32, #tpu.memory_space<vmem>>, vector<16xi32>,
        %shift_right_logical3A_247 = arith.constant 14 : i32
        %shift_right_logical3A_248 = vector.broadcast %shift_right_logical3A_247 : i32 to vector<16xi32>
        %shift_right_logical3A_249 = arith.shrui %get3A_246, %shift_right_logical3A_248 : vector<16xi32>
        %swap3A_250 = arith.constant 16 : index
        %swap3A_251 = tpu.vector_load %arg9[%swap3A_250] {strides = array<i32>} : memref<80xi32, #tpu.memory_space<vmem>>, vector<16xi32>,
        tpu.vector_store %arg9[%swap3A_250], %shift_right_logical3A_249 {strides = array<i32>} : memref<80xi32, #tpu.memory_space<vmem>>, vector<16xi32>,
        %and3A_252 = arith.constant 16383 : i32
        %and3A_253 = vector.broadcast %and3A_252 : i32 to vector<16xi32>
        %and3A_254 = arith.andi %get3A_246, %and3A_253 : vector<16xi32>
        %swap3A_255 = arith.constant 16 : index
        %swap3A_256 = tpu.vector_load %arg12[%swap3A_255] {strides = array<i32>} : memref<80xi32, #tpu.memory_space<vmem>>, vector<16xi32>,
        tpu.vector_store %arg12[%swap3A_255], %and3A_254 {strides = array<i32>} : memref<80xi32, #tpu.memory_space<vmem>>, vector<16xi32>,
        %mul3A_257 = arith.constant 80 : i32
        %mul3A_258 = arith.muli %add3A_224, %mul3A_257 : i32
        %add3A_259 = arith.constant 32 : i32
        %add3A_260 = arith.addi %mul3A_258, %add3A_259 : i32
        %get3A_261 = arith.index_cast %add3A_260 : i32 to index
        %get3A_262 = tpu.vector_load %arg7[%get3A_261] {strides = array<i32>} : memref<10240xi32, #tpu.memory_space<vmem>>, vector<16xi32>,
        %shift_right_logical3A_263 = arith.constant 14 : i32
        %shift_right_logical3A_264 = vector.broadcast %shift_right_logical3A_263 : i32 to vector<16xi32>
        %shift_right_logical3A_265 = arith.shrui %get3A_262, %shift_right_logical3A_264 : vector<16xi32>
        %swap3A_266 = arith.constant 32 : index
        %swap3A_267 = tpu.vector_load %arg9[%swap3A_266] {strides = array<i32>} : memref<80xi32, #tpu.memory_space<vmem>>, vector<16xi32>,
        tpu.vector_store %arg9[%swap3A_266], %shift_right_logical3A_265 {strides = array<i32>} : memref<80xi32, #tpu.memory_space<vmem>>, vector<16xi32>,
        %and3A_268 = arith.constant 16383 : i32
        %and3A_269 = vector.broadcast %and3A_268 : i32 to vector<16xi32>
        %and3A_270 = arith.andi %get3A_262, %and3A_269 : vector<16xi32>
        %swap3A_271 = arith.constant 32 : index
        %swap3A_272 = tpu.vector_load %arg12[%swap3A_271] {strides = array<i32>} : memref<80xi32, #tpu.memory_space<vmem>>, vector<16xi32>,
        tpu.vector_store %arg12[%swap3A_271], %and3A_270 {strides = array<i32>} : memref<80xi32, #tpu.memory_space<vmem>>, vector<16xi32>,
        %mul3A_273 = arith.constant 80 : i32
        %mul3A_274 = arith.muli %add3A_224, %mul3A_273 : i32
        %add3A_275 = arith.constant 48 : i32
        %add3A_276 = arith.addi %mul3A_274, %add3A_275 : i32
        %get3A_277 = arith.index_cast %add3A_276 : i32 to index
        %get3A_278 = tpu.vector_load %arg7[%get3A_277] {strides = array<i32>} : memref<10240xi32, #tpu.memory_space<vmem>>, vector<16xi32>,
        %shift_right_logical3A_279 = arith.constant 14 : i32
        %shift_right_logical3A_280 = vector.broadcast %shift_right_logical3A_279 : i32 to vector<16xi32>
        %shift_right_logical3A_281 = arith.shrui %get3A_278, %shift_right_logical3A_280 : vector<16xi32>
        %swap3A_282 = arith.constant 48 : index
        %swap3A_283 = tpu.vector_load %arg9[%swap3A_282] {strides = array<i32>} : memref<80xi32, #tpu.memory_space<vmem>>, vector<16xi32>,
        tpu.vector_store %arg9[%swap3A_282], %shift_right_logical3A_281 {strides = array<i32>} : memref<80xi32, #tpu.memory_space<vmem>>, vector<16xi32>,
        %and3A_284 = arith.constant 16383 : i32
        %and3A_285 = vector.broadcast %and3A_284 : i32 to vector<16xi32>
        %and3A_286 = arith.andi %get3A_278, %and3A_285 : vector<16xi32>
        %swap3A_287 = arith.constant 48 : index
        %swap3A_288 = tpu.vector_load %arg12[%swap3A_287] {strides = array<i32>} : memref<80xi32, #tpu.memory_space<vmem>>, vector<16xi32>,
        tpu.vector_store %arg12[%swap3A_287], %and3A_286 {strides = array<i32>} : memref<80xi32, #tpu.memory_space<vmem>>, vector<16xi32>,
        %mul3A_289 = arith.constant 80 : i32
        %mul3A_290 = arith.muli %add3A_224, %mul3A_289 : i32
        %add3A_291 = arith.constant 64 : i32
        %add3A_292 = arith.addi %mul3A_290, %add3A_291 : i32
        %get3A_293 = arith.index_cast %add3A_292 : i32 to index
        %get3A_294 = tpu.vector_load %arg7[%get3A_293] {strides = array<i32>} : memref<10240xi32, #tpu.memory_space<vmem>>, vector<16xi32>,
        %shift_right_logical3A_295 = arith.constant 14 : i32
        %shift_right_logical3A_296 = vector.broadcast %shift_right_logical3A_295 : i32 to vector<16xi32>
        %shift_right_logical3A_297 = arith.shrui %get3A_294, %shift_right_logical3A_296 : vector<16xi32>
        %swap3A_298 = arith.constant 64 : index
        %swap3A_299 = tpu.vector_load %arg9[%swap3A_298] {strides = array<i32>} : memref<80xi32, #tpu.memory_space<vmem>>, vector<16xi32>,
        tpu.vector_store %arg9[%swap3A_298], %shift_right_logical3A_297 {strides = array<i32>} : memref<80xi32, #tpu.memory_space<vmem>>, vector<16xi32>,
        %and3A_300 = arith.constant 16383 : i32
        %and3A_301 = vector.broadcast %and3A_300 : i32 to vector<16xi32>
        %and3A_302 = arith.andi %get3A_294, %and3A_301 : vector<16xi32>
        %swap3A_303 = arith.constant 64 : index
        %swap3A_304 = tpu.vector_load %arg12[%swap3A_303] {strides = array<i32>} : memref<80xi32, #tpu.memory_space<vmem>>, vector<16xi32>,
        tpu.vector_store %arg12[%swap3A_303], %and3A_302 {strides = array<i32>} : memref<80xi32, #tpu.memory_space<vmem>>, vector<16xi32>,
        %dma_start3A_305 = arith.constant 0 : i32
        %dma_start3A_306 = arith.constant 0 : i32
        %dma_start3A_307 = tpu.memref_slice %arg2[%dma_start3A_305, %dma_start3A_306] : memref<10240x128xf32, #tpu.memory_space<hbm>> -> memref<10240x128xf32, #tpu.memory_space<hbm>>
        tpu.enqueue_indirect_dma source(%dma_start3A_307 : memref<10240x128xf32, #tpu.memory_space<hbm>>) target(%arg15 : memref<80x128xf32, #tpu.memory_space<vmem>>) offsets(%arg9 : memref<80xi32, #tpu.memory_space<vmem>>) semaphore(%arg19 : memref<!tpu.dma_semaphore, #tpu.memory_space<semaphore_mem>>)
      } else {
      }
      %scan3A_222 = arith.constant 0 : i32
      scf.yield %scan3A_222 : i32
    }
    %scan3A_138 = arith.constant 43 : i32
    %barrier3A_139 = arith.constant 0 : index
    tpu.barrier barrier_id(%barrier3A_139)
    %eq3A_140 = arith.constant 0 : i32
    %eq3A_141 = arith.cmpi eq, %arg0, %eq3A_140 : i32
    %convert_element_type3A_142 = arith.extui %eq3A_141 : i1 to i32
    %cond3A_143 = arith.constant 0 : i32
    %cond3A_144 = arith.cmpi ne, %convert_element_type3A_142, %cond3A_143 : i32
    scf.if %cond3A_144 {
      "tpu.region"() ({
        %run_scoped3A = tpu.sem_alloc : memref<!tpu.dma_semaphore, #tpu.memory_space<semaphore_mem>>
        %dma_start3A_150 = arith.constant 0 : i32
        %dma_start3A_151 = tpu.memref_slice %arg5[%mul3A_4, %dma_start3A_150] : memref<10240x128xf32, #tpu.memory_space<hbm>> -> memref<640x128xf32, #tpu.memory_space<hbm>>
        %dma_start3A_152 = arith.constant 0 : i32
        %dma_start3A_153 = tpu.memref_slice %arg17[%mul3A_4, %dma_start3A_152] : memref<10240x128xf32, #tpu.memory_space<vmem_shared>> -> memref<640x128xf32, #tpu.memory_space<vmem_shared>>
        tpu.enqueue_dma source(%dma_start3A_153 : memref<640x128xf32, #tpu.memory_space<vmem_shared>>) target(%dma_start3A_151 : memref<640x128xf32, #tpu.memory_space<hbm>>) target_semaphore(%run_scoped3A : memref<!tpu.dma_semaphore, #tpu.memory_space<semaphore_mem>>)
        %dma_wait3A = arith.constant 0 : i32
        %dma_wait3A_154 = tpu.memref_slice %arg5[%mul3A_4, %dma_wait3A] : memref<10240x128xf32, #tpu.memory_space<hbm>> -> memref<640x128xf32, #tpu.memory_space<hbm>>
        %dma_wait3A_155 = arith.constant 0 : i32
        %dma_wait3A_156 = tpu.memref_slice %arg17[%mul3A_4, %dma_wait3A_155] : memref<10240x128xf32, #tpu.memory_space<vmem_shared>> -> memref<640x128xf32, #tpu.memory_space<vmem_shared>>
        tpu.wait_dma2 semaphore(%run_scoped3A : memref<!tpu.dma_semaphore, #tpu.memory_space<semaphore_mem>>) src(%dma_wait3A_156 : memref<640x128xf32, #tpu.memory_space<vmem_shared>>) dst(%dma_wait3A_154 : memref<640x128xf32, #tpu.memory_space<hbm>>)
        tpu.yield
      }) : () -> ()
    } else {
    }
    %eq3A_145 = arith.constant 1 : i32
    %eq3A_146 = arith.cmpi eq, %arg0, %eq3A_145 : i32
    %convert_element_type3A_147 = arith.extui %eq3A_146 : i1 to i32
    %cond3A_148 = arith.constant 0 : i32
    %cond3A_149 = arith.cmpi ne, %convert_element_type3A_147, %cond3A_148 : i32
    scf.if %cond3A_149 {
      "tpu.region"() ({
        %run_scoped3A = tpu.sem_alloc : memref<!tpu.dma_semaphore, #tpu.memory_space<semaphore_mem>>
        %dma_start3A_150 = arith.constant 0 : i32
        %dma_start3A_151 = tpu.memref_slice %arg6[%mul3A_4, %dma_start3A_150] : memref<10240x128xf32, #tpu.memory_space<hbm>> -> memref<640x128xf32, #tpu.memory_space<hbm>>
        %dma_start3A_152 = arith.constant 0 : i32
        %dma_start3A_153 = tpu.memref_slice %arg17[%mul3A_4, %dma_start3A_152] : memref<10240x128xf32, #tpu.memory_space<vmem_shared>> -> memref<640x128xf32, #tpu.memory_space<vmem_shared>>
        tpu.enqueue_dma source(%dma_start3A_153 : memref<640x128xf32, #tpu.memory_space<vmem_shared>>) target(%dma_start3A_151 : memref<640x128xf32, #tpu.memory_space<hbm>>) target_semaphore(%run_scoped3A : memref<!tpu.dma_semaphore, #tpu.memory_space<semaphore_mem>>)
        %dma_wait3A = arith.constant 0 : i32
        %dma_wait3A_154 = tpu.memref_slice %arg6[%mul3A_4, %dma_wait3A] : memref<10240x128xf32, #tpu.memory_space<hbm>> -> memref<640x128xf32, #tpu.memory_space<hbm>>
        %dma_wait3A_155 = arith.constant 0 : i32
        %dma_wait3A_156 = tpu.memref_slice %arg17[%mul3A_4, %dma_wait3A_155] : memref<10240x128xf32, #tpu.memory_space<vmem_shared>> -> memref<640x128xf32, #tpu.memory_space<vmem_shared>>
        tpu.wait_dma2 semaphore(%run_scoped3A : memref<!tpu.dma_semaphore, #tpu.memory_space<semaphore_mem>>) src(%dma_wait3A_156 : memref<640x128xf32, #tpu.memory_space<vmem_shared>>) dst(%dma_wait3A_154 : memref<640x128xf32, #tpu.memory_space<hbm>>)
        tpu.yield
      }) : () -> ()
    } else {
    }
    return
  }
}

#map = affine_map<(d0, d1) -> (0)>
module attributes {stable_mosaic.version = 14 : i64} {
  func.func @_deg_sc(%arg0: i32, %arg1: i32, %arg2: memref<327680xi32, #tpu.memory_space<hbm>>, %arg3: memref<327680xf32, #tpu.memory_space<hbm>>, %arg4: memref<10240xi32, #tpu.memory_space<vmem>>, %arg5: memref<10240xf32, #tpu.memory_space<vmem>>) attributes {dimension_semantics = [#tpu.dimension_semantics<core_parallel>, #tpu.dimension_semantics<subcore_parallel>], iteration_bounds = array<i64: 2, 16>, scalar_prefetch = 0 : i64, scratch_operands = 2 : i64, tpu.core_type = #tpu.core_type<sc_vector_subcore>, window_params = [{transform_indices = #map}, {transform_indices = #map}]} {
    %mul3A = arith.constant 16 : i32
    %mul3A_0 = arith.muli %arg0, %mul3A : i32
    %add3A = arith.addi %mul3A_0, %arg1 : i32
    %scan3A = arith.constant 0 : i32
    %scan3A_1 = arith.constant 0 : i32
    %scan3A_2 = arith.constant 640 : i32
    %scan3A_3 = arith.addi %scan3A_1, %scan3A_2 : i32
    %scan3A_4 = arith.constant 1 : i32
    %scan3A_5 = scf.for %scan3A_19 = %scan3A_1 to %scan3A_3 step %scan3A_4 iter_args(%scan3A_20 = %scan3A) -> (i32)  : i32 {
      %broadcast_in_dim3A_21 = arith.constant 0.000000e+00 : f32
      %broadcast_in_dim3A_22 = vector.broadcast %broadcast_in_dim3A_21 : f32 to vector<16xf32>
      %mul3A_23 = arith.constant 16 : i32
      %mul3A_24 = arith.muli %scan3A_19, %mul3A_23 : i32
      %swap3A = arith.index_cast %mul3A_24 : i32 to index
      %swap3A_25 = tpu.vector_load %arg5[%swap3A] {strides = array<i32>} : memref<10240xf32, #tpu.memory_space<vmem>>, vector<16xf32>,
      tpu.vector_store %arg5[%swap3A], %broadcast_in_dim3A_22 {strides = array<i32>} : memref<10240xf32, #tpu.memory_space<vmem>>, vector<16xf32>,
      %scan3A_26 = arith.constant 0 : i32
      scf.yield %scan3A_26 : i32
    }
    %scan3A_6 = arith.constant 640 : i32
    %mul3A_7 = arith.constant 10240 : i32
    %mul3A_8 = arith.muli %add3A, %mul3A_7 : i32
    "tpu.region"() ({
      %run_scoped3A = tpu.sem_alloc : memref<!tpu.dma_semaphore, #tpu.memory_space<semaphore_mem>>
      %dma_start3A = tpu.memref_slice %arg2[%mul3A_8] : memref<327680xi32, #tpu.memory_space<hbm>> -> memref<10240xi32, #tpu.memory_space<hbm>>
      %dma_start3A_19 = tpu.memref_slice %arg2[%mul3A_8] : memref<327680xi32, #tpu.memory_space<hbm>> -> memref<10240xi32, #tpu.memory_space<hbm>>
      tpu.enqueue_dma source(%dma_start3A_19 : memref<10240xi32, #tpu.memory_space<hbm>>) target(%arg4 : memref<10240xi32, #tpu.memory_space<vmem>>) target_semaphore(%run_scoped3A : memref<!tpu.dma_semaphore, #tpu.memory_space<semaphore_mem>>)
      %dma_wait3A = tpu.memref_slice %arg2[%mul3A_8] : memref<327680xi32, #tpu.memory_space<hbm>> -> memref<10240xi32, #tpu.memory_space<hbm>>
      %dma_wait3A_20 = tpu.memref_slice %arg2[%mul3A_8] : memref<327680xi32, #tpu.memory_space<hbm>> -> memref<10240xi32, #tpu.memory_space<hbm>>
      tpu.wait_dma2 semaphore(%run_scoped3A : memref<!tpu.dma_semaphore, #tpu.memory_space<semaphore_mem>>) src(%dma_wait3A_20 : memref<10240xi32, #tpu.memory_space<hbm>>) dst(%arg4 : memref<10240xi32, #tpu.memory_space<vmem>>)
      tpu.yield
    }) : () -> ()
    %broadcast_in_dim3A = arith.constant 1.000000e+00 : f32
    %broadcast_in_dim3A_9 = vector.broadcast %broadcast_in_dim3A : f32 to vector<16xf32>
    %scan3A_10 = arith.constant 0 : i32
    %scan3A_11 = arith.constant 0 : i32
    %scan3A_12 = arith.constant 640 : i32
    %scan3A_13 = arith.addi %scan3A_11, %scan3A_12 : i32
    %scan3A_14 = arith.constant 1 : i32
    %scan3A_15 = scf.for %scan3A_19 = %scan3A_11 to %scan3A_13 step %scan3A_14 iter_args(%scan3A_20 = %scan3A_10) -> (i32)  : i32 {
      %mul3A_21 = arith.constant 16 : i32
      %mul3A_22 = arith.muli %scan3A_19, %mul3A_21 : i32
      %get3A = arith.index_cast %mul3A_22 : i32 to index
      %get3A_23 = tpu.vector_load %arg4[%get3A] {strides = array<i32>} : memref<10240xi32, #tpu.memory_space<vmem>>, vector<16xi32>,
      tpu.vector_store_idx %arg5[%get3A_23], %broadcast_in_dim3A_9 {add = true} : memref<10240xf32, #tpu.memory_space<vmem>>[vector<16xi32>], vector<16xf32>,
      %scan3A_24 = arith.constant 0 : i32
      scf.yield %scan3A_24 : i32
    }
    %scan3A_16 = arith.constant 640 : i32
    %mul3A_17 = arith.constant 10240 : i32
    %mul3A_18 = arith.muli %add3A, %mul3A_17 : i32
    "tpu.region"() ({
      %run_scoped3A = tpu.sem_alloc : memref<!tpu.dma_semaphore, #tpu.memory_space<semaphore_mem>>
      %dma_start3A = tpu.memref_slice %arg3[%mul3A_18] : memref<327680xf32, #tpu.memory_space<hbm>> -> memref<10240xf32, #tpu.memory_space<hbm>>
      %dma_start3A_19 = tpu.memref_slice %arg3[%mul3A_18] : memref<327680xf32, #tpu.memory_space<hbm>> -> memref<10240xf32, #tpu.memory_space<hbm>>
      tpu.enqueue_dma source(%arg5 : memref<10240xf32, #tpu.memory_space<vmem>>) target(%dma_start3A_19 : memref<10240xf32, #tpu.memory_space<hbm>>) target_semaphore(%run_scoped3A : memref<!tpu.dma_semaphore, #tpu.memory_space<semaphore_mem>>)
      %dma_wait3A = tpu.memref_slice %arg3[%mul3A_18] : memref<327680xf32, #tpu.memory_space<hbm>> -> memref<10240xf32, #tpu.memory_space<hbm>>
      %dma_wait3A_20 = tpu.memref_slice %arg3[%mul3A_18] : memref<327680xf32, #tpu.memory_space<hbm>> -> memref<10240xf32, #tpu.memory_space<hbm>>
      tpu.wait_dma2 semaphore(%run_scoped3A : memref<!tpu.dma_semaphore, #tpu.memory_space<semaphore_mem>>) src(%arg5 : memref<10240xf32, #tpu.memory_space<vmem>>) dst(%dma_wait3A_20 : memref<10240xf32, #tpu.memory_space<hbm>>)
      tpu.yield
    }) : () -> ()
    return
  }
}

#map = affine_map<(d0, d1) -> (0, 0)>
#map1 = affine_map<(d0, d1) -> (0)>
module attributes {stable_mosaic.version = 14 : i64} {
  func.func @_agg_sc(%arg0: i32, %arg1: i32, %arg2: memref<10240x128xf32, #tpu.memory_space<hbm>>, %arg3: memref<327680xi32, #tpu.memory_space<hbm>>, %arg4: memref<10240x128xf32, #tpu.memory_space<hbm>>, %arg5: memref<10240x128xf32, #tpu.memory_space<hbm>>, %arg6: memref<10240x128xf32, #tpu.memory_space<hbm>>, %arg7: memref<10240xi32, #tpu.memory_space<vmem>>, %arg8: memref<80xi32, #tpu.memory_space<vmem>>, %arg9: memref<80xi32, #tpu.memory_space<vmem>>, %arg10: memref<80xi32, #tpu.memory_space<vmem>>, %arg11: memref<80xi32, #tpu.memory_space<vmem>>, %arg12: memref<80xi32, #tpu.memory_space<vmem>>, %arg13: memref<80xi32, #tpu.memory_space<vmem>>, %arg14: memref<80x128xf32, #tpu.memory_space<vmem>>, %arg15: memref<80x128xf32, #tpu.memory_space<vmem>>, %arg16: memref<80x128xf32, #tpu.memory_space<vmem>>, %arg17: memref<10240x128xf32, #tpu.memory_space<vmem_shared>>, %arg18: memref<!tpu.dma_semaphore, #tpu.memory_space<semaphore_mem>>, %arg19: memref<!tpu.dma_semaphore, #tpu.memory_space<semaphore_mem>>, %arg20: memref<!tpu.dma_semaphore, #tpu.memory_space<semaphore_mem>>, %arg21: memref<!tpu.dma_semaphore, #tpu.memory_space<semaphore_mem>>, %arg22: memref<!tpu.dma_semaphore, #tpu.memory_space<semaphore_mem>>, %arg23: memref<!tpu.dma_semaphore, #tpu.memory_space<semaphore_mem>>) attributes {dimension_semantics = [#tpu.dimension_semantics<core_parallel>, #tpu.dimension_semantics<subcore_parallel>], iteration_bounds = array<i64: 2, 16>, scalar_prefetch = 0 : i64, scratch_operands = 17 : i64, tpu.core_type = #tpu.core_type<sc_vector_subcore>, window_params = [{transform_indices = #map}, {transform_indices = #map1}, {transform_indices = #map}, {transform_indices = #map}, {transform_indices = #map}]} {
    %mul3A = arith.constant 16 : i32
    %mul3A_0 = arith.muli %arg0, %mul3A : i32
    %add3A = arith.addi %mul3A_0, %arg1 : i32
    %mul3A_1 = arith.constant 10240 : i32
    %mul3A_2 = arith.muli %add3A, %mul3A_1 : i32
    "tpu.region"() ({
      %run_scoped3A = tpu.sem_alloc : memref<!tpu.dma_semaphore, #tpu.memory_space<semaphore_mem>>
      %dma_start3A_150 = tpu.memref_slice %arg3[%mul3A_2] : memref<327680xi32, #tpu.memory_space<hbm>> -> memref<10240xi32, #tpu.memory_space<hbm>>
      %dma_start3A_151 = tpu.memref_slice %arg3[%mul3A_2] : memref<327680xi32, #tpu.memory_space<hbm>> -> memref<10240xi32, #tpu.memory_space<hbm>>
      tpu.enqueue_dma source(%dma_start3A_151 : memref<10240xi32, #tpu.memory_space<hbm>>) target(%arg7 : memref<10240xi32, #tpu.memory_space<vmem>>) target_semaphore(%run_scoped3A : memref<!tpu.dma_semaphore, #tpu.memory_space<semaphore_mem>>)
      %dma_wait3A = tpu.memref_slice %arg3[%mul3A_2] : memref<327680xi32, #tpu.memory_space<hbm>> -> memref<10240xi32, #tpu.memory_space<hbm>>
      %dma_wait3A_152 = tpu.memref_slice %arg3[%mul3A_2] : memref<327680xi32, #tpu.memory_space<hbm>> -> memref<10240xi32, #tpu.memory_space<hbm>>
      tpu.wait_dma2 semaphore(%run_scoped3A : memref<!tpu.dma_semaphore, #tpu.memory_space<semaphore_mem>>) src(%dma_wait3A_152 : memref<10240xi32, #tpu.memory_space<hbm>>) dst(%arg7 : memref<10240xi32, #tpu.memory_space<vmem>>)
      tpu.yield
    }) : () -> ()
    %mul3A_3 = arith.constant 640 : i32
    %mul3A_4 = arith.muli %arg1, %mul3A_3 : i32
    %eq3A = arith.constant 0 : i32
    %eq3A_5 = arith.cmpi eq, %arg0, %eq3A : i32
    %convert_element_type3A = arith.extui %eq3A_5 : i1 to i32
    %cond3A = arith.constant 0 : i32
    %cond3A_6 = arith.cmpi ne, %convert_element_type3A, %cond3A : i32
    scf.if %cond3A_6 {
      "tpu.region"() ({
        %run_scoped3A = tpu.sem_alloc : memref<!tpu.dma_semaphore, #tpu.memory_space<semaphore_mem>>
        %dma_start3A_150 = arith.constant 0 : i32
        %dma_start3A_151 = tpu.memref_slice %arg17[%mul3A_4, %dma_start3A_150] : memref<10240x128xf32, #tpu.memory_space<vmem_shared>> -> memref<640x128xf32, #tpu.memory_space<vmem_shared>>
        %dma_start3A_152 = arith.constant 0 : i32
        %dma_start3A_153 = tpu.memref_slice %arg2[%mul3A_4, %dma_start3A_152] : memref<10240x128xf32, #tpu.memory_space<hbm>> -> memref<640x128xf32, #tpu.memory_space<hbm>>
        tpu.enqueue_dma source(%dma_start3A_153 : memref<640x128xf32, #tpu.memory_space<hbm>>) target(%dma_start3A_151 : memref<640x128xf32, #tpu.memory_space<vmem_shared>>) target_semaphore(%run_scoped3A : memref<!tpu.dma_semaphore, #tpu.memory_space<semaphore_mem>>)
        %dma_wait3A = arith.constant 0 : i32
        %dma_wait3A_154 = tpu.memref_slice %arg17[%mul3A_4, %dma_wait3A] : memref<10240x128xf32, #tpu.memory_space<vmem_shared>> -> memref<640x128xf32, #tpu.memory_space<vmem_shared>>
        %dma_wait3A_155 = arith.constant 0 : i32
        %dma_wait3A_156 = tpu.memref_slice %arg2[%mul3A_4, %dma_wait3A_155] : memref<10240x128xf32, #tpu.memory_space<hbm>> -> memref<640x128xf32, #tpu.memory_space<hbm>>
        tpu.wait_dma2 semaphore(%run_scoped3A : memref<!tpu.dma_semaphore, #tpu.memory_space<semaphore_mem>>) src(%dma_wait3A_156 : memref<640x128xf32, #tpu.memory_space<hbm>>) dst(%dma_wait3A_154 : memref<640x128xf32, #tpu.memory_space<vmem_shared>>)
        tpu.yield
      }) : () -> ()
    } else {
    }
    %eq3A_7 = arith.constant 1 : i32
    %eq3A_8 = arith.cmpi eq, %arg0, %eq3A_7 : i32
    %convert_element_type3A_9 = arith.extui %eq3A_8 : i1 to i32
    %cond3A_10 = arith.constant 0 : i32
    %cond3A_11 = arith.cmpi ne, %convert_element_type3A_9, %cond3A_10 : i32
    scf.if %cond3A_11 {
      "tpu.region"() ({
        %run_scoped3A = tpu.sem_alloc : memref<!tpu.dma_semaphore, #tpu.memory_space<semaphore_mem>>
        %dma_start3A_150 = arith.constant 0 : i32
        %dma_start3A_151 = tpu.memref_slice %arg17[%mul3A_4, %dma_start3A_150] : memref<10240x128xf32, #tpu.memory_space<vmem_shared>> -> memref<640x128xf32, #tpu.memory_space<vmem_shared>>
        %dma_start3A_152 = arith.constant 0 : i32
        %dma_start3A_153 = tpu.memref_slice %arg4[%mul3A_4, %dma_start3A_152] : memref<10240x128xf32, #tpu.memory_space<hbm>> -> memref<640x128xf32, #tpu.memory_space<hbm>>
        tpu.enqueue_dma source(%dma_start3A_153 : memref<640x128xf32, #tpu.memory_space<hbm>>) target(%dma_start3A_151 : memref<640x128xf32, #tpu.memory_space<vmem_shared>>) target_semaphore(%run_scoped3A : memref<!tpu.dma_semaphore, #tpu.memory_space<semaphore_mem>>)
        %dma_wait3A = arith.constant 0 : i32
        %dma_wait3A_154 = tpu.memref_slice %arg17[%mul3A_4, %dma_wait3A] : memref<10240x128xf32, #tpu.memory_space<vmem_shared>> -> memref<640x128xf32, #tpu.memory_space<vmem_shared>>
        %dma_wait3A_155 = arith.constant 0 : i32
        %dma_wait3A_156 = tpu.memref_slice %arg4[%mul3A_4, %dma_wait3A_155] : memref<10240x128xf32, #tpu.memory_space<hbm>> -> memref<640x128xf32, #tpu.memory_space<hbm>>
        tpu.wait_dma2 semaphore(%run_scoped3A : memref<!tpu.dma_semaphore, #tpu.memory_space<semaphore_mem>>) src(%dma_wait3A_156 : memref<640x128xf32, #tpu.memory_space<hbm>>) dst(%dma_wait3A_154 : memref<640x128xf32, #tpu.memory_space<vmem_shared>>)
        tpu.yield
      }) : () -> ()
    } else {
    }
    %barrier3A = arith.constant 0 : index
    tpu.barrier barrier_id(%barrier3A)
    %get3A = arith.constant 0 : index
    %get3A_12 = tpu.vector_load %arg7[%get3A] {strides = array<i32>} : memref<10240xi32, #tpu.memory_space<vmem>>, vector<16xi32>,
    %shift_right_logical3A = arith.constant 14 : i32
    %shift_right_logical3A_13 = vector.broadcast %shift_right_logical3A : i32 to vector<16xi32>
    %shift_right_logical3A_14 = arith.shrui %get3A_12, %shift_right_logical3A_13 : vector<16xi32>
    %swap3A = arith.constant 0 : index
    %swap3A_15 = tpu.vector_load %arg8[%swap3A] {strides = array<i32>} : memref<80xi32, #tpu.memory_space<vmem>>, vector<16xi32>,
    tpu.vector_store %arg8[%swap3A], %shift_right_logical3A_14 {strides = array<i32>} : memref<80xi32, #tpu.memory_space<vmem>>, vector<16xi32>,
    %and3A = arith.constant 16383 : i32
    %and3A_16 = vector.broadcast %and3A : i32 to vector<16xi32>
    %and3A_17 = arith.andi %get3A_12, %and3A_16 : vector<16xi32>
    %swap3A_18 = arith.constant 0 : index
    %swap3A_19 = tpu.vector_load %arg11[%swap3A_18] {strides = array<i32>} : memref<80xi32, #tpu.memory_space<vmem>>, vector<16xi32>,
    tpu.vector_store %arg11[%swap3A_18], %and3A_17 {strides = array<i32>} : memref<80xi32, #tpu.memory_space<vmem>>, vector<16xi32>,
    %get3A_20 = arith.constant 16 : index
    %get3A_21 = tpu.vector_load %arg7[%get3A_20] {strides = array<i32>} : memref<10240xi32, #tpu.memory_space<vmem>>, vector<16xi32>,
    %shift_right_logical3A_22 = arith.constant 14 : i32
    %shift_right_logical3A_23 = vector.broadcast %shift_right_logical3A_22 : i32 to vector<16xi32>
    %shift_right_logical3A_24 = arith.shrui %get3A_21, %shift_right_logical3A_23 : vector<16xi32>
    %swap3A_25 = arith.constant 16 : index
    %swap3A_26 = tpu.vector_load %arg8[%swap3A_25] {strides = array<i32>} : memref<80xi32, #tpu.memory_space<vmem>>, vector<16xi32>,
    tpu.vector_store %arg8[%swap3A_25], %shift_right_logical3A_24 {strides = array<i32>} : memref<80xi32, #tpu.memory_space<vmem>>, vector<16xi32>,
    %and3A_27 = arith.constant 16383 : i32
    %and3A_28 = vector.broadcast %and3A_27 : i32 to vector<16xi32>
    %and3A_29 = arith.andi %get3A_21, %and3A_28 : vector<16xi32>
    %swap3A_30 = arith.constant 16 : index
    %swap3A_31 = tpu.vector_load %arg11[%swap3A_30] {strides = array<i32>} : memref<80xi32, #tpu.memory_space<vmem>>, vector<16xi32>,
    tpu.vector_store %arg11[%swap3A_30], %and3A_29 {strides = array<i32>} : memref<80xi32, #tpu.memory_space<vmem>>, vector<16xi32>,
    %get3A_32 = arith.constant 32 : index
    %get3A_33 = tpu.vector_load %arg7[%get3A_32] {strides = array<i32>} : memref<10240xi32, #tpu.memory_space<vmem>>, vector<16xi32>,
    %shift_right_logical3A_34 = arith.constant 14 : i32
    %shift_right_logical3A_35 = vector.broadcast %shift_right_logical3A_34 : i32 to vector<16xi32>
    %shift_right_logical3A_36 = arith.shrui %get3A_33, %shift_right_logical3A_35 : vector<16xi32>
    %swap3A_37 = arith.constant 32 : index
    %swap3A_38 = tpu.vector_load %arg8[%swap3A_37] {strides = array<i32>} : memref<80xi32, #tpu.memory_space<vmem>>, vector<16xi32>,
    tpu.vector_store %arg8[%swap3A_37], %shift_right_logical3A_36 {strides = array<i32>} : memref<80xi32, #tpu.memory_space<vmem>>, vector<16xi32>,
    %and3A_39 = arith.constant 16383 : i32
    %and3A_40 = vector.broadcast %and3A_39 : i32 to vector<16xi32>
    %and3A_41 = arith.andi %get3A_33, %and3A_40 : vector<16xi32>
    %swap3A_42 = arith.constant 32 : index
    %swap3A_43 = tpu.vector_load %arg11[%swap3A_42] {strides = array<i32>} : memref<80xi32, #tpu.memory_space<vmem>>, vector<16xi32>,
    tpu.vector_store %arg11[%swap3A_42], %and3A_41 {strides = array<i32>} : memref<80xi32, #tpu.memory_space<vmem>>, vector<16xi32>,
    %get3A_44 = arith.constant 48 : index
    %get3A_45 = tpu.vector_load %arg7[%get3A_44] {strides = array<i32>} : memref<10240xi32, #tpu.memory_space<vmem>>, vector<16xi32>,
    %shift_right_logical3A_46 = arith.constant 14 : i32
    %shift_right_logical3A_47 = vector.broadcast %shift_right_logical3A_46 : i32 to vector<16xi32>
    %shift_right_logical3A_48 = arith.shrui %get3A_45, %shift_right_logical3A_47 : vector<16xi32>
    %swap3A_49 = arith.constant 48 : index
    %swap3A_50 = tpu.vector_load %arg8[%swap3A_49] {strides = array<i32>} : memref<80xi32, #tpu.memory_space<vmem>>, vector<16xi32>,
    tpu.vector_store %arg8[%swap3A_49], %shift_right_logical3A_48 {strides = array<i32>} : memref<80xi32, #tpu.memory_space<vmem>>, vector<16xi32>,
    %and3A_51 = arith.constant 16383 : i32
    %and3A_52 = vector.broadcast %and3A_51 : i32 to vector<16xi32>
    %and3A_53 = arith.andi %get3A_45, %and3A_52 : vector<16xi32>
    %swap3A_54 = arith.constant 48 : index
    %swap3A_55 = tpu.vector_load %arg11[%swap3A_54] {strides = array<i32>} : memref<80xi32, #tpu.memory_space<vmem>>, vector<16xi32>,
    tpu.vector_store %arg11[%swap3A_54], %and3A_53 {strides = array<i32>} : memref<80xi32, #tpu.memory_space<vmem>>, vector<16xi32>,
    %get3A_56 = arith.constant 64 : index
    %get3A_57 = tpu.vector_load %arg7[%get3A_56] {strides = array<i32>} : memref<10240xi32, #tpu.memory_space<vmem>>, vector<16xi32>,
    %shift_right_logical3A_58 = arith.constant 14 : i32
    %shift_right_logical3A_59 = vector.broadcast %shift_right_logical3A_58 : i32 to vector<16xi32>
    %shift_right_logical3A_60 = arith.shrui %get3A_57, %shift_right_logical3A_59 : vector<16xi32>
    %swap3A_61 = arith.constant 64 : index
    %swap3A_62 = tpu.vector_load %arg8[%swap3A_61] {strides = array<i32>} : memref<80xi32, #tpu.memory_space<vmem>>, vector<16xi32>,
    tpu.vector_store %arg8[%swap3A_61], %shift_right_logical3A_60 {strides = array<i32>} : memref<80xi32, #tpu.memory_space<vmem>>, vector<16xi32>,
    %and3A_63 = arith.constant 16383 : i32
    %and3A_64 = vector.broadcast %and3A_63 : i32 to vector<16xi32>
    %and3A_65 = arith.andi %get3A_57, %and3A_64 : vector<16xi32>
    %swap3A_66 = arith.constant 64 : index
    %swap3A_67 = tpu.vector_load %arg11[%swap3A_66] {strides = array<i32>} : memref<80xi32, #tpu.memory_space<vmem>>, vector<16xi32>,
    tpu.vector_store %arg11[%swap3A_66], %and3A_65 {strides = array<i32>} : memref<80xi32, #tpu.memory_space<vmem>>, vector<16xi32>,
    %dma_start3A = arith.constant 0 : i32
    %dma_start3A_68 = arith.constant 0 : i32
    %dma_start3A_69 = tpu.memref_slice %arg2[%dma_start3A, %dma_start3A_68] : memref<10240x128xf32, #tpu.memory_space<hbm>> -> memref<10240x128xf32, #tpu.memory_space<hbm>>
    tpu.enqueue_indirect_dma source(%dma_start3A_69 : memref<10240x128xf32, #tpu.memory_space<hbm>>) target(%arg14 : memref<80x128xf32, #tpu.memory_space<vmem>>) offsets(%arg8 : memref<80xi32, #tpu.memory_space<vmem>>) semaphore(%arg18 : memref<!tpu.dma_semaphore, #tpu.memory_space<semaphore_mem>>)
    %get3A_70 = arith.constant 80 : index
    %get3A_71 = tpu.vector_load %arg7[%get3A_70] {strides = array<i32>} : memref<10240xi32, #tpu.memory_space<vmem>>, vector<16xi32>,
    %shift_right_logical3A_72 = arith.constant 14 : i32
    %shift_right_logical3A_73 = vector.broadcast %shift_right_logical3A_72 : i32 to vector<16xi32>
    %shift_right_logical3A_74 = arith.shrui %get3A_71, %shift_right_logical3A_73 : vector<16xi32>
    %swap3A_75 = arith.constant 0 : index
    %swap3A_76 = tpu.vector_load %arg9[%swap3A_75] {strides = array<i32>} : memref<80xi32, #tpu.memory_space<vmem>>, vector<16xi32>,
    tpu.vector_store %arg9[%swap3A_75], %shift_right_logical3A_74 {strides = array<i32>} : memref<80xi32, #tpu.memory_space<vmem>>, vector<16xi32>,
    %and3A_77 = arith.constant 16383 : i32
    %and3A_78 = vector.broadcast %and3A_77 : i32 to vector<16xi32>
    %and3A_79 = arith.andi %get3A_71, %and3A_78 : vector<16xi32>
    %swap3A_80 = arith.constant 0 : index
    %swap3A_81 = tpu.vector_load %arg12[%swap3A_80] {strides = array<i32>} : memref<80xi32, #tpu.memory_space<vmem>>, vector<16xi32>,
    tpu.vector_store %arg12[%swap3A_80], %and3A_79 {strides = array<i32>} : memref<80xi32, #tpu.memory_space<vmem>>, vector<16xi32>,
    %get3A_82 = arith.constant 96 : index
    %get3A_83 = tpu.vector_load %arg7[%get3A_82] {strides = array<i32>} : memref<10240xi32, #tpu.memory_space<vmem>>, vector<16xi32>,
    %shift_right_logical3A_84 = arith.constant 14 : i32
    %shift_right_logical3A_85 = vector.broadcast %shift_right_logical3A_84 : i32 to vector<16xi32>
    %shift_right_logical3A_86 = arith.shrui %get3A_83, %shift_right_logical3A_85 : vector<16xi32>
    %swap3A_87 = arith.constant 16 : index
    %swap3A_88 = tpu.vector_load %arg9[%swap3A_87] {strides = array<i32>} : memref<80xi32, #tpu.memory_space<vmem>>, vector<16xi32>,
    tpu.vector_store %arg9[%swap3A_87], %shift_right_logical3A_86 {strides = array<i32>} : memref<80xi32, #tpu.memory_space<vmem>>, vector<16xi32>,
    %and3A_89 = arith.constant 16383 : i32
    %and3A_90 = vector.broadcast %and3A_89 : i32 to vector<16xi32>
    %and3A_91 = arith.andi %get3A_83, %and3A_90 : vector<16xi32>
    %swap3A_92 = arith.constant 16 : index
    %swap3A_93 = tpu.vector_load %arg12[%swap3A_92] {strides = array<i32>} : memref<80xi32, #tpu.memory_space<vmem>>, vector<16xi32>,
    tpu.vector_store %arg12[%swap3A_92], %and3A_91 {strides = array<i32>} : memref<80xi32, #tpu.memory_space<vmem>>, vector<16xi32>,
    %get3A_94 = arith.constant 112 : index
    %get3A_95 = tpu.vector_load %arg7[%get3A_94] {strides = array<i32>} : memref<10240xi32, #tpu.memory_space<vmem>>, vector<16xi32>,
    %shift_right_logical3A_96 = arith.constant 14 : i32
    %shift_right_logical3A_97 = vector.broadcast %shift_right_logical3A_96 : i32 to vector<16xi32>
    %shift_right_logical3A_98 = arith.shrui %get3A_95, %shift_right_logical3A_97 : vector<16xi32>
    %swap3A_99 = arith.constant 32 : index
    %swap3A_100 = tpu.vector_load %arg9[%swap3A_99] {strides = array<i32>} : memref<80xi32, #tpu.memory_space<vmem>>, vector<16xi32>,
    tpu.vector_store %arg9[%swap3A_99], %shift_right_logical3A_98 {strides = array<i32>} : memref<80xi32, #tpu.memory_space<vmem>>, vector<16xi32>,
    %and3A_101 = arith.constant 16383 : i32
    %and3A_102 = vector.broadcast %and3A_101 : i32 to vector<16xi32>
    %and3A_103 = arith.andi %get3A_95, %and3A_102 : vector<16xi32>
    %swap3A_104 = arith.constant 32 : index
    %swap3A_105 = tpu.vector_load %arg12[%swap3A_104] {strides = array<i32>} : memref<80xi32, #tpu.memory_space<vmem>>, vector<16xi32>,
    tpu.vector_store %arg12[%swap3A_104], %and3A_103 {strides = array<i32>} : memref<80xi32, #tpu.memory_space<vmem>>, vector<16xi32>,
    %get3A_106 = arith.constant 128 : index
    %get3A_107 = tpu.vector_load %arg7[%get3A_106] {strides = array<i32>} : memref<10240xi32, #tpu.memory_space<vmem>>, vector<16xi32>,
    %shift_right_logical3A_108 = arith.constant 14 : i32
    %shift_right_logical3A_109 = vector.broadcast %shift_right_logical3A_108 : i32 to vector<16xi32>
    %shift_right_logical3A_110 = arith.shrui %get3A_107, %shift_right_logical3A_109 : vector<16xi32>
    %swap3A_111 = arith.constant 48 : index
    %swap3A_112 = tpu.vector_load %arg9[%swap3A_111] {strides = array<i32>} : memref<80xi32, #tpu.memory_space<vmem>>, vector<16xi32>,
    tpu.vector_store %arg9[%swap3A_111], %shift_right_logical3A_110 {strides = array<i32>} : memref<80xi32, #tpu.memory_space<vmem>>, vector<16xi32>,
    %and3A_113 = arith.constant 16383 : i32
    %and3A_114 = vector.broadcast %and3A_113 : i32 to vector<16xi32>
    %and3A_115 = arith.andi %get3A_107, %and3A_114 : vector<16xi32>
    %swap3A_116 = arith.constant 48 : index
    %swap3A_117 = tpu.vector_load %arg12[%swap3A_116] {strides = array<i32>} : memref<80xi32, #tpu.memory_space<vmem>>, vector<16xi32>,
    tpu.vector_store %arg12[%swap3A_116], %and3A_115 {strides = array<i32>} : memref<80xi32, #tpu.memory_space<vmem>>, vector<16xi32>,
    %get3A_118 = arith.constant 144 : index
    %get3A_119 = tpu.vector_load %arg7[%get3A_118] {strides = array<i32>} : memref<10240xi32, #tpu.memory_space<vmem>>, vector<16xi32>,
    %shift_right_logical3A_120 = arith.constant 14 : i32
    %shift_right_logical3A_121 = vector.broadcast %shift_right_logical3A_120 : i32 to vector<16xi32>
    %shift_right_logical3A_122 = arith.shrui %get3A_119, %shift_right_logical3A_121 : vector<16xi32>
    %swap3A_123 = arith.constant 64 : index
    %swap3A_124 = tpu.vector_load %arg9[%swap3A_123] {strides = array<i32>} : memref<80xi32, #tpu.memory_space<vmem>>, vector<16xi32>,
    tpu.vector_store %arg9[%swap3A_123], %shift_right_logical3A_122 {strides = array<i32>} : memref<80xi32, #tpu.memory_space<vmem>>, vector<16xi32>,
    %and3A_125 = arith.constant 16383 : i32
    %and3A_126 = vector.broadcast %and3A_125 : i32 to vector<16xi32>
    %and3A_127 = arith.andi %get3A_119, %and3A_126 : vector<16xi32>
    %swap3A_128 = arith.constant 64 : index
    %swap3A_129 = tpu.vector_load %arg12[%swap3A_128] {strides = array<i32>} : memref<80xi32, #tpu.memory_space<vmem>>, vector<16xi32>,
    tpu.vector_store %arg12[%swap3A_128], %and3A_127 {strides = array<i32>} : memref<80xi32, #tpu.memory_space<vmem>>, vector<16xi32>,
    %dma_start3A_130 = arith.constant 0 : i32
    %dma_start3A_131 = arith.constant 0 : i32
    %dma_start3A_132 = tpu.memref_slice %arg2[%dma_start3A_130, %dma_start3A_131] : memref<10240x128xf32, #tpu.memory_space<hbm>> -> memref<10240x128xf32, #tpu.memory_space<hbm>>
    tpu.enqueue_indirect_dma source(%dma_start3A_132 : memref<10240x128xf32, #tpu.memory_space<hbm>>) target(%arg15 : memref<80x128xf32, #tpu.memory_space<vmem>>) offsets(%arg9 : memref<80xi32, #tpu.memory_space<vmem>>) semaphore(%arg19 : memref<!tpu.dma_semaphore, #tpu.memory_space<semaphore_mem>>)
    %scan3A = arith.constant 0 : i32
    %scan3A_133 = arith.constant 0 : i32
    %scan3A_134 = arith.constant 43 : i32
    %scan3A_135 = arith.addi %scan3A_133, %scan3A_134 : i32
    %scan3A_136 = arith.constant 1 : i32
    %scan3A_137 = scf.for %scan3A_150 = %scan3A_133 to %scan3A_135 step %scan3A_136 iter_args(%scan3A_151 = %scan3A) -> (i32)  : i32 {
      %mul3A_152 = arith.constant 3 : i32
      %mul3A_153 = arith.muli %scan3A_150, %mul3A_152 : i32
      %add3A_154 = arith.constant 0 : i32
      %add3A_155 = arith.addi %mul3A_153, %add3A_154 : i32
      %lt3A = arith.constant 128 : i32
      %lt3A_156 = arith.cmpi slt, %add3A_155, %lt3A : i32
      %convert_element_type3A_157 = arith.extui %lt3A_156 : i1 to i32
      %cond3A_158 = arith.constant 0 : i32
      %cond3A_159 = arith.cmpi ne, %convert_element_type3A_157, %cond3A_158 : i32
      scf.if %cond3A_159 {
        %dma_wait3A = arith.constant 0 : i32
        %dma_wait3A_223 = arith.constant 0 : i32
        %dma_wait3A_224 = tpu.memref_slice %arg2[%dma_wait3A, %dma_wait3A_223] : memref<10240x128xf32, #tpu.memory_space<hbm>> -> memref<80x128xf32, #tpu.memory_space<hbm>>
        %dma_wait3A_225 = arith.constant 0 : i32
        %dma_wait3A_226 = arith.constant 0 : i32
        %dma_wait3A_227 = tpu.memref_slice %arg2[%dma_wait3A_225, %dma_wait3A_226] : memref<10240x128xf32, #tpu.memory_space<hbm>> -> memref<80x128xf32, #tpu.memory_space<hbm>>
        tpu.wait_dma2 semaphore(%arg18 : memref<!tpu.dma_semaphore, #tpu.memory_space<semaphore_mem>>) src(%dma_wait3A_227 : memref<80x128xf32, #tpu.memory_space<hbm>>) dst(%arg14 : memref<80x128xf32, #tpu.memory_space<vmem>>)
        %dma_start3A_228 = arith.constant 0 : i32
        %dma_start3A_229 = arith.constant 0 : i32
        %dma_start3A_230 = tpu.memref_slice %arg17[%dma_start3A_228, %dma_start3A_229] : memref<10240x128xf32, #tpu.memory_space<vmem_shared>> -> memref<10240x128xf32, #tpu.memory_space<vmem_shared>>
        tpu.enqueue_indirect_dma source(%arg14 : memref<80x128xf32, #tpu.memory_space<vmem>>) target(%dma_start3A_230 : memref<10240x128xf32, #tpu.memory_space<vmem_shared>>) offsets(%arg11 : memref<80xi32, #tpu.memory_space<vmem>>) semaphore(%arg21 : memref<!tpu.dma_semaphore, #tpu.memory_space<semaphore_mem>>) {add = true}
      } else {
      }
      %ge3A = arith.constant 1 : i32
      %ge3A_160 = arith.cmpi sge, %add3A_155, %ge3A : i32
      %lt3A_161 = arith.constant 129 : i32
      %lt3A_162 = arith.cmpi slt, %add3A_155, %lt3A_161 : i32
      %and3A_163 = arith.andi %ge3A_160, %lt3A_162 : i1
      %convert_element_type3A_164 = arith.extui %and3A_163 : i1 to i32
      %cond3A_165 = arith.constant 0 : i32
      %cond3A_166 = arith.cmpi ne, %convert_element_type3A_164, %cond3A_165 : i32
      scf.if %cond3A_166 {
        %dma_wait3A = arith.constant 0 : i32
        %dma_wait3A_223 = arith.constant 0 : i32
        %dma_wait3A_224 = tpu.memref_slice %arg17[%dma_wait3A, %dma_wait3A_223] : memref<10240x128xf32, #tpu.memory_space<vmem_shared>> -> memref<80x128xf32, #tpu.memory_space<vmem_shared>>
        %dma_wait3A_225 = arith.constant 0 : i32
        %dma_wait3A_226 = arith.constant 0 : i32
        %dma_wait3A_227 = tpu.memref_slice %arg17[%dma_wait3A_225, %dma_wait3A_226] : memref<10240x128xf32, #tpu.memory_space<vmem_shared>> -> memref<80x128xf32, #tpu.memory_space<vmem_shared>>
        tpu.wait_dma2 semaphore(%arg23 : memref<!tpu.dma_semaphore, #tpu.memory_space<semaphore_mem>>) src(%arg16 : memref<80x128xf32, #tpu.memory_space<vmem>>) dst(%dma_wait3A_227 : memref<80x128xf32, #tpu.memory_space<vmem_shared>>)
      } else {
      }
      %add3A_167 = arith.constant 2 : i32
      %add3A_168 = arith.addi %add3A_155, %add3A_167 : i32
      %lt3A_169 = arith.constant 128 : i32
      %lt3A_170 = arith.cmpi slt, %add3A_168, %lt3A_169 : i32
      %convert_element_type3A_171 = arith.extui %lt3A_170 : i1 to i32
      %cond3A_172 = arith.constant 0 : i32
      %cond3A_173 = arith.cmpi ne, %convert_element_type3A_171, %cond3A_172 : i32
      scf.if %cond3A_173 {
        %add3A_223 = arith.constant 2 : i32
        %add3A_224 = arith.addi %add3A_155, %add3A_223 : i32
        %mul3A_225 = arith.constant 80 : i32
        %mul3A_226 = arith.muli %add3A_224, %mul3A_225 : i32
        %add3A_227 = arith.constant 0 : i32
        %add3A_228 = arith.addi %mul3A_226, %add3A_227 : i32
        %get3A_229 = arith.index_cast %add3A_228 : i32 to index
        %get3A_230 = tpu.vector_load %arg7[%get3A_229] {strides = array<i32>} : memref<10240xi32, #tpu.memory_space<vmem>>, vector<16xi32>,
        %shift_right_logical3A_231 = arith.constant 14 : i32
        %shift_right_logical3A_232 = vector.broadcast %shift_right_logical3A_231 : i32 to vector<16xi32>
        %shift_right_logical3A_233 = arith.shrui %get3A_230, %shift_right_logical3A_232 : vector<16xi32>
        %swap3A_234 = arith.constant 0 : index
        %swap3A_235 = tpu.vector_load %arg10[%swap3A_234] {strides = array<i32>} : memref<80xi32, #tpu.memory_space<vmem>>, vector<16xi32>,
        tpu.vector_store %arg10[%swap3A_234], %shift_right_logical3A_233 {strides = array<i32>} : memref<80xi32, #tpu.memory_space<vmem>>, vector<16xi32>,
        %and3A_236 = arith.constant 16383 : i32
        %and3A_237 = vector.broadcast %and3A_236 : i32 to vector<16xi32>
        %and3A_238 = arith.andi %get3A_230, %and3A_237 : vector<16xi32>
        %swap3A_239 = arith.constant 0 : index
        %swap3A_240 = tpu.vector_load %arg13[%swap3A_239] {strides = array<i32>} : memref<80xi32, #tpu.memory_space<vmem>>, vector<16xi32>,
        tpu.vector_store %arg13[%swap3A_239], %and3A_238 {strides = array<i32>} : memref<80xi32, #tpu.memory_space<vmem>>, vector<16xi32>,
        %mul3A_241 = arith.constant 80 : i32
        %mul3A_242 = arith.muli %add3A_224, %mul3A_241 : i32
        %add3A_243 = arith.constant 16 : i32
        %add3A_244 = arith.addi %mul3A_242, %add3A_243 : i32
        %get3A_245 = arith.index_cast %add3A_244 : i32 to index
        %get3A_246 = tpu.vector_load %arg7[%get3A_245] {strides = array<i32>} : memref<10240xi32, #tpu.memory_space<vmem>>, vector<16xi32>,
        %shift_right_logical3A_247 = arith.constant 14 : i32
        %shift_right_logical3A_248 = vector.broadcast %shift_right_logical3A_247 : i32 to vector<16xi32>
        %shift_right_logical3A_249 = arith.shrui %get3A_246, %shift_right_logical3A_248 : vector<16xi32>
        %swap3A_250 = arith.constant 16 : index
        %swap3A_251 = tpu.vector_load %arg10[%swap3A_250] {strides = array<i32>} : memref<80xi32, #tpu.memory_space<vmem>>, vector<16xi32>,
        tpu.vector_store %arg10[%swap3A_250], %shift_right_logical3A_249 {strides = array<i32>} : memref<80xi32, #tpu.memory_space<vmem>>, vector<16xi32>,
        %and3A_252 = arith.constant 16383 : i32
        %and3A_253 = vector.broadcast %and3A_252 : i32 to vector<16xi32>
        %and3A_254 = arith.andi %get3A_246, %and3A_253 : vector<16xi32>
        %swap3A_255 = arith.constant 16 : index
        %swap3A_256 = tpu.vector_load %arg13[%swap3A_255] {strides = array<i32>} : memref<80xi32, #tpu.memory_space<vmem>>, vector<16xi32>,
        tpu.vector_store %arg13[%swap3A_255], %and3A_254 {strides = array<i32>} : memref<80xi32, #tpu.memory_space<vmem>>, vector<16xi32>,
        %mul3A_257 = arith.constant 80 : i32
        %mul3A_258 = arith.muli %add3A_224, %mul3A_257 : i32
        %add3A_259 = arith.constant 32 : i32
        %add3A_260 = arith.addi %mul3A_258, %add3A_259 : i32
        %get3A_261 = arith.index_cast %add3A_260 : i32 to index
        %get3A_262 = tpu.vector_load %arg7[%get3A_261] {strides = array<i32>} : memref<10240xi32, #tpu.memory_space<vmem>>, vector<16xi32>,
        %shift_right_logical3A_263 = arith.constant 14 : i32
        %shift_right_logical3A_264 = vector.broadcast %shift_right_logical3A_263 : i32 to vector<16xi32>
        %shift_right_logical3A_265 = arith.shrui %get3A_262, %shift_right_logical3A_264 : vector<16xi32>
        %swap3A_266 = arith.constant 32 : index
        %swap3A_267 = tpu.vector_load %arg10[%swap3A_266] {strides = array<i32>} : memref<80xi32, #tpu.memory_space<vmem>>, vector<16xi32>,
        tpu.vector_store %arg10[%swap3A_266], %shift_right_logical3A_265 {strides = array<i32>} : memref<80xi32, #tpu.memory_space<vmem>>, vector<16xi32>,
        %and3A_268 = arith.constant 16383 : i32
        %and3A_269 = vector.broadcast %and3A_268 : i32 to vector<16xi32>
        %and3A_270 = arith.andi %get3A_262, %and3A_269 : vector<16xi32>
        %swap3A_271 = arith.constant 32 : index
        %swap3A_272 = tpu.vector_load %arg13[%swap3A_271] {strides = array<i32>} : memref<80xi32, #tpu.memory_space<vmem>>, vector<16xi32>,
        tpu.vector_store %arg13[%swap3A_271], %and3A_270 {strides = array<i32>} : memref<80xi32, #tpu.memory_space<vmem>>, vector<16xi32>,
        %mul3A_273 = arith.constant 80 : i32
        %mul3A_274 = arith.muli %add3A_224, %mul3A_273 : i32
        %add3A_275 = arith.constant 48 : i32
        %add3A_276 = arith.addi %mul3A_274, %add3A_275 : i32
        %get3A_277 = arith.index_cast %add3A_276 : i32 to index
        %get3A_278 = tpu.vector_load %arg7[%get3A_277] {strides = array<i32>} : memref<10240xi32, #tpu.memory_space<vmem>>, vector<16xi32>,
        %shift_right_logical3A_279 = arith.constant 14 : i32
        %shift_right_logical3A_280 = vector.broadcast %shift_right_logical3A_279 : i32 to vector<16xi32>
        %shift_right_logical3A_281 = arith.shrui %get3A_278, %shift_right_logical3A_280 : vector<16xi32>
        %swap3A_282 = arith.constant 48 : index
        %swap3A_283 = tpu.vector_load %arg10[%swap3A_282] {strides = array<i32>} : memref<80xi32, #tpu.memory_space<vmem>>, vector<16xi32>,
        tpu.vector_store %arg10[%swap3A_282], %shift_right_logical3A_281 {strides = array<i32>} : memref<80xi32, #tpu.memory_space<vmem>>, vector<16xi32>,
        %and3A_284 = arith.constant 16383 : i32
        %and3A_285 = vector.broadcast %and3A_284 : i32 to vector<16xi32>
        %and3A_286 = arith.andi %get3A_278, %and3A_285 : vector<16xi32>
        %swap3A_287 = arith.constant 48 : index
        %swap3A_288 = tpu.vector_load %arg13[%swap3A_287] {strides = array<i32>} : memref<80xi32, #tpu.memory_space<vmem>>, vector<16xi32>,
        tpu.vector_store %arg13[%swap3A_287], %and3A_286 {strides = array<i32>} : memref<80xi32, #tpu.memory_space<vmem>>, vector<16xi32>,
        %mul3A_289 = arith.constant 80 : i32
        %mul3A_290 = arith.muli %add3A_224, %mul3A_289 : i32
        %add3A_291 = arith.constant 64 : i32
        %add3A_292 = arith.addi %mul3A_290, %add3A_291 : i32
        %get3A_293 = arith.index_cast %add3A_292 : i32 to index
        %get3A_294 = tpu.vector_load %arg7[%get3A_293] {strides = array<i32>} : memref<10240xi32, #tpu.memory_space<vmem>>, vector<16xi32>,
        %shift_right_logical3A_295 = arith.constant 14 : i32
        %shift_right_logical3A_296 = vector.broadcast %shift_right_logical3A_295 : i32 to vector<16xi32>
        %shift_right_logical3A_297 = arith.shrui %get3A_294, %shift_right_logical3A_296 : vector<16xi32>
        %swap3A_298 = arith.constant 64 : index
        %swap3A_299 = tpu.vector_load %arg10[%swap3A_298] {strides = array<i32>} : memref<80xi32, #tpu.memory_space<vmem>>, vector<16xi32>,
        tpu.vector_store %arg10[%swap3A_298], %shift_right_logical3A_297 {strides = array<i32>} : memref<80xi32, #tpu.memory_space<vmem>>, vector<16xi32>,
        %and3A_300 = arith.constant 16383 : i32
        %and3A_301 = vector.broadcast %and3A_300 : i32 to vector<16xi32>
        %and3A_302 = arith.andi %get3A_294, %and3A_301 : vector<16xi32>
        %swap3A_303 = arith.constant 64 : index
        %swap3A_304 = tpu.vector_load %arg13[%swap3A_303] {strides = array<i32>} : memref<80xi32, #tpu.memory_space<vmem>>, vector<16xi32>,
        tpu.vector_store %arg13[%swap3A_303], %and3A_302 {strides = array<i32>} : memref<80xi32, #tpu.memory_space<vmem>>, vector<16xi32>,
        %dma_start3A_305 = arith.constant 0 : i32
        %dma_start3A_306 = arith.constant 0 : i32
        %dma_start3A_307 = tpu.memref_slice %arg2[%dma_start3A_305, %dma_start3A_306] : memref<10240x128xf32, #tpu.memory_space<hbm>> -> memref<10240x128xf32, #tpu.memory_space<hbm>>
        tpu.enqueue_indirect_dma source(%dma_start3A_307 : memref<10240x128xf32, #tpu.memory_space<hbm>>) target(%arg16 : memref<80x128xf32, #tpu.memory_space<vmem>>) offsets(%arg10 : memref<80xi32, #tpu.memory_space<vmem>>) semaphore(%arg20 : memref<!tpu.dma_semaphore, #tpu.memory_space<semaphore_mem>>)
      } else {
      }
      %mul3A_174 = arith.constant 3 : i32
      %mul3A_175 = arith.muli %scan3A_150, %mul3A_174 : i32
      %add3A_176 = arith.constant 1 : i32
      %add3A_177 = arith.addi %mul3A_175, %add3A_176 : i32
      %lt3A_178 = arith.constant 128 : i32
      %lt3A_179 = arith.cmpi slt, %add3A_177, %lt3A_178 : i32
      %convert_element_type3A_180 = arith.extui %lt3A_179 : i1 to i32
      %cond3A_181 = arith.constant 0 : i32
      %cond3A_182 = arith.cmpi ne, %convert_element_type3A_180, %cond3A_181 : i32
      scf.if %cond3A_182 {
        %dma_wait3A = arith.constant 0 : i32
        %dma_wait3A_223 = arith.constant 0 : i32
        %dma_wait3A_224 = tpu.memref_slice %arg2[%dma_wait3A, %dma_wait3A_223] : memref<10240x128xf32, #tpu.memory_space<hbm>> -> memref<80x128xf32, #tpu.memory_space<hbm>>
        %dma_wait3A_225 = arith.constant 0 : i32
        %dma_wait3A_226 = arith.constant 0 : i32
        %dma_wait3A_227 = tpu.memref_slice %arg2[%dma_wait3A_225, %dma_wait3A_226] : memref<10240x128xf32, #tpu.memory_space<hbm>> -> memref<80x128xf32, #tpu.memory_space<hbm>>
        tpu.wait_dma2 semaphore(%arg19 : memref<!tpu.dma_semaphore, #tpu.memory_space<semaphore_mem>>) src(%dma_wait3A_227 : memref<80x128xf32, #tpu.memory_space<hbm>>) dst(%arg15 : memref<80x128xf32, #tpu.memory_space<vmem>>)
        %dma_start3A_228 = arith.constant 0 : i32
        %dma_start3A_229 = arith.constant 0 : i32
        %dma_start3A_230 = tpu.memref_slice %arg17[%dma_start3A_228, %dma_start3A_229] : memref<10240x128xf32, #tpu.memory_space<vmem_shared>> -> memref<10240x128xf32, #tpu.memory_space<vmem_shared>>
        tpu.enqueue_indirect_dma source(%arg15 : memref<80x128xf32, #tpu.memory_space<vmem>>) target(%dma_start3A_230 : memref<10240x128xf32, #tpu.memory_space<vmem_shared>>) offsets(%arg12 : memref<80xi32, #tpu.memory_space<vmem>>) semaphore(%arg22 : memref<!tpu.dma_semaphore, #tpu.memory_space<semaphore_mem>>) {add = true}
      } else {
      }
      %ge3A_183 = arith.constant 1 : i32
      %ge3A_184 = arith.cmpi sge, %add3A_177, %ge3A_183 : i32
      %lt3A_185 = arith.constant 129 : i32
      %lt3A_186 = arith.cmpi slt, %add3A_177, %lt3A_185 : i32
      %and3A_187 = arith.andi %ge3A_184, %lt3A_186 : i1
      %convert_element_type3A_188 = arith.extui %and3A_187 : i1 to i32
      %cond3A_189 = arith.constant 0 : i32
      %cond3A_190 = arith.cmpi ne, %convert_element_type3A_188, %cond3A_189 : i32
      scf.if %cond3A_190 {
        %dma_wait3A = arith.constant 0 : i32
        %dma_wait3A_223 = arith.constant 0 : i32
        %dma_wait3A_224 = tpu.memref_slice %arg17[%dma_wait3A, %dma_wait3A_223] : memref<10240x128xf32, #tpu.memory_space<vmem_shared>> -> memref<80x128xf32, #tpu.memory_space<vmem_shared>>
        %dma_wait3A_225 = arith.constant 0 : i32
        %dma_wait3A_226 = arith.constant 0 : i32
        %dma_wait3A_227 = tpu.memref_slice %arg17[%dma_wait3A_225, %dma_wait3A_226] : memref<10240x128xf32, #tpu.memory_space<vmem_shared>> -> memref<80x128xf32, #tpu.memory_space<vmem_shared>>
        tpu.wait_dma2 semaphore(%arg21 : memref<!tpu.dma_semaphore, #tpu.memory_space<semaphore_mem>>) src(%arg14 : memref<80x128xf32, #tpu.memory_space<vmem>>) dst(%dma_wait3A_227 : memref<80x128xf32, #tpu.memory_space<vmem_shared>>)
      } else {
      }
      %add3A_191 = arith.constant 2 : i32
      %add3A_192 = arith.addi %add3A_177, %add3A_191 : i32
      %lt3A_193 = arith.constant 128 : i32
      %lt3A_194 = arith.cmpi slt, %add3A_192, %lt3A_193 : i32
      %convert_element_type3A_195 = arith.extui %lt3A_194 : i1 to i32
      %cond3A_196 = arith.constant 0 : i32
      %cond3A_197 = arith.cmpi ne, %convert_element_type3A_195, %cond3A_196 : i32
      scf.if %cond3A_197 {
        %add3A_223 = arith.constant 2 : i32
        %add3A_224 = arith.addi %add3A_177, %add3A_223 : i32
        %mul3A_225 = arith.constant 80 : i32
        %mul3A_226 = arith.muli %add3A_224, %mul3A_225 : i32
        %add3A_227 = arith.constant 0 : i32
        %add3A_228 = arith.addi %mul3A_226, %add3A_227 : i32
        %get3A_229 = arith.index_cast %add3A_228 : i32 to index
        %get3A_230 = tpu.vector_load %arg7[%get3A_229] {strides = array<i32>} : memref<10240xi32, #tpu.memory_space<vmem>>, vector<16xi32>,
        %shift_right_logical3A_231 = arith.constant 14 : i32
        %shift_right_logical3A_232 = vector.broadcast %shift_right_logical3A_231 : i32 to vector<16xi32>
        %shift_right_logical3A_233 = arith.shrui %get3A_230, %shift_right_logical3A_232 : vector<16xi32>
        %swap3A_234 = arith.constant 0 : index
        %swap3A_235 = tpu.vector_load %arg8[%swap3A_234] {strides = array<i32>} : memref<80xi32, #tpu.memory_space<vmem>>, vector<16xi32>,
        tpu.vector_store %arg8[%swap3A_234], %shift_right_logical3A_233 {strides = array<i32>} : memref<80xi32, #tpu.memory_space<vmem>>, vector<16xi32>,
        %and3A_236 = arith.constant 16383 : i32
        %and3A_237 = vector.broadcast %and3A_236 : i32 to vector<16xi32>
        %and3A_238 = arith.andi %get3A_230, %and3A_237 : vector<16xi32>
        %swap3A_239 = arith.constant 0 : index
        %swap3A_240 = tpu.vector_load %arg11[%swap3A_239] {strides = array<i32>} : memref<80xi32, #tpu.memory_space<vmem>>, vector<16xi32>,
        tpu.vector_store %arg11[%swap3A_239], %and3A_238 {strides = array<i32>} : memref<80xi32, #tpu.memory_space<vmem>>, vector<16xi32>,
        %mul3A_241 = arith.constant 80 : i32
        %mul3A_242 = arith.muli %add3A_224, %mul3A_241 : i32
        %add3A_243 = arith.constant 16 : i32
        %add3A_244 = arith.addi %mul3A_242, %add3A_243 : i32
        %get3A_245 = arith.index_cast %add3A_244 : i32 to index
        %get3A_246 = tpu.vector_load %arg7[%get3A_245] {strides = array<i32>} : memref<10240xi32, #tpu.memory_space<vmem>>, vector<16xi32>,
        %shift_right_logical3A_247 = arith.constant 14 : i32
        %shift_right_logical3A_248 = vector.broadcast %shift_right_logical3A_247 : i32 to vector<16xi32>
        %shift_right_logical3A_249 = arith.shrui %get3A_246, %shift_right_logical3A_248 : vector<16xi32>
        %swap3A_250 = arith.constant 16 : index
        %swap3A_251 = tpu.vector_load %arg8[%swap3A_250] {strides = array<i32>} : memref<80xi32, #tpu.memory_space<vmem>>, vector<16xi32>,
        tpu.vector_store %arg8[%swap3A_250], %shift_right_logical3A_249 {strides = array<i32>} : memref<80xi32, #tpu.memory_space<vmem>>, vector<16xi32>,
        %and3A_252 = arith.constant 16383 : i32
        %and3A_253 = vector.broadcast %and3A_252 : i32 to vector<16xi32>
        %and3A_254 = arith.andi %get3A_246, %and3A_253 : vector<16xi32>
        %swap3A_255 = arith.constant 16 : index
        %swap3A_256 = tpu.vector_load %arg11[%swap3A_255] {strides = array<i32>} : memref<80xi32, #tpu.memory_space<vmem>>, vector<16xi32>,
        tpu.vector_store %arg11[%swap3A_255], %and3A_254 {strides = array<i32>} : memref<80xi32, #tpu.memory_space<vmem>>, vector<16xi32>,
        %mul3A_257 = arith.constant 80 : i32
        %mul3A_258 = arith.muli %add3A_224, %mul3A_257 : i32
        %add3A_259 = arith.constant 32 : i32
        %add3A_260 = arith.addi %mul3A_258, %add3A_259 : i32
        %get3A_261 = arith.index_cast %add3A_260 : i32 to index
        %get3A_262 = tpu.vector_load %arg7[%get3A_261] {strides = array<i32>} : memref<10240xi32, #tpu.memory_space<vmem>>, vector<16xi32>,
        %shift_right_logical3A_263 = arith.constant 14 : i32
        %shift_right_logical3A_264 = vector.broadcast %shift_right_logical3A_263 : i32 to vector<16xi32>
        %shift_right_logical3A_265 = arith.shrui %get3A_262, %shift_right_logical3A_264 : vector<16xi32>
        %swap3A_266 = arith.constant 32 : index
        %swap3A_267 = tpu.vector_load %arg8[%swap3A_266] {strides = array<i32>} : memref<80xi32, #tpu.memory_space<vmem>>, vector<16xi32>,
        tpu.vector_store %arg8[%swap3A_266], %shift_right_logical3A_265 {strides = array<i32>} : memref<80xi32, #tpu.memory_space<vmem>>, vector<16xi32>,
        %and3A_268 = arith.constant 16383 : i32
        %and3A_269 = vector.broadcast %and3A_268 : i32 to vector<16xi32>
        %and3A_270 = arith.andi %get3A_262, %and3A_269 : vector<16xi32>
        %swap3A_271 = arith.constant 32 : index
        %swap3A_272 = tpu.vector_load %arg11[%swap3A_271] {strides = array<i32>} : memref<80xi32, #tpu.memory_space<vmem>>, vector<16xi32>,
        tpu.vector_store %arg11[%swap3A_271], %and3A_270 {strides = array<i32>} : memref<80xi32, #tpu.memory_space<vmem>>, vector<16xi32>,
        %mul3A_273 = arith.constant 80 : i32
        %mul3A_274 = arith.muli %add3A_224, %mul3A_273 : i32
        %add3A_275 = arith.constant 48 : i32
        %add3A_276 = arith.addi %mul3A_274, %add3A_275 : i32
        %get3A_277 = arith.index_cast %add3A_276 : i32 to index
        %get3A_278 = tpu.vector_load %arg7[%get3A_277] {strides = array<i32>} : memref<10240xi32, #tpu.memory_space<vmem>>, vector<16xi32>,
        %shift_right_logical3A_279 = arith.constant 14 : i32
        %shift_right_logical3A_280 = vector.broadcast %shift_right_logical3A_279 : i32 to vector<16xi32>
        %shift_right_logical3A_281 = arith.shrui %get3A_278, %shift_right_logical3A_280 : vector<16xi32>
        %swap3A_282 = arith.constant 48 : index
        %swap3A_283 = tpu.vector_load %arg8[%swap3A_282] {strides = array<i32>} : memref<80xi32, #tpu.memory_space<vmem>>, vector<16xi32>,
        tpu.vector_store %arg8[%swap3A_282], %shift_right_logical3A_281 {strides = array<i32>} : memref<80xi32, #tpu.memory_space<vmem>>, vector<16xi32>,
        %and3A_284 = arith.constant 16383 : i32
        %and3A_285 = vector.broadcast %and3A_284 : i32 to vector<16xi32>
        %and3A_286 = arith.andi %get3A_278, %and3A_285 : vector<16xi32>
        %swap3A_287 = arith.constant 48 : index
        %swap3A_288 = tpu.vector_load %arg11[%swap3A_287] {strides = array<i32>} : memref<80xi32, #tpu.memory_space<vmem>>, vector<16xi32>,
        tpu.vector_store %arg11[%swap3A_287], %and3A_286 {strides = array<i32>} : memref<80xi32, #tpu.memory_space<vmem>>, vector<16xi32>,
        %mul3A_289 = arith.constant 80 : i32
        %mul3A_290 = arith.muli %add3A_224, %mul3A_289 : i32
        %add3A_291 = arith.constant 64 : i32
        %add3A_292 = arith.addi %mul3A_290, %add3A_291 : i32
        %get3A_293 = arith.index_cast %add3A_292 : i32 to index
        %get3A_294 = tpu.vector_load %arg7[%get3A_293] {strides = array<i32>} : memref<10240xi32, #tpu.memory_space<vmem>>, vector<16xi32>,
        %shift_right_logical3A_295 = arith.constant 14 : i32
        %shift_right_logical3A_296 = vector.broadcast %shift_right_logical3A_295 : i32 to vector<16xi32>
        %shift_right_logical3A_297 = arith.shrui %get3A_294, %shift_right_logical3A_296 : vector<16xi32>
        %swap3A_298 = arith.constant 64 : index
        %swap3A_299 = tpu.vector_load %arg8[%swap3A_298] {strides = array<i32>} : memref<80xi32, #tpu.memory_space<vmem>>, vector<16xi32>,
        tpu.vector_store %arg8[%swap3A_298], %shift_right_logical3A_297 {strides = array<i32>} : memref<80xi32, #tpu.memory_space<vmem>>, vector<16xi32>,
        %and3A_300 = arith.constant 16383 : i32
        %and3A_301 = vector.broadcast %and3A_300 : i32 to vector<16xi32>
        %and3A_302 = arith.andi %get3A_294, %and3A_301 : vector<16xi32>
        %swap3A_303 = arith.constant 64 : index
        %swap3A_304 = tpu.vector_load %arg11[%swap3A_303] {strides = array<i32>} : memref<80xi32, #tpu.memory_space<vmem>>, vector<16xi32>,
        tpu.vector_store %arg11[%swap3A_303], %and3A_302 {strides = array<i32>} : memref<80xi32, #tpu.memory_space<vmem>>, vector<16xi32>,
        %dma_start3A_305 = arith.constant 0 : i32
        %dma_start3A_306 = arith.constant 0 : i32
        %dma_start3A_307 = tpu.memref_slice %arg2[%dma_start3A_305, %dma_start3A_306] : memref<10240x128xf32, #tpu.memory_space<hbm>> -> memref<10240x128xf32, #tpu.memory_space<hbm>>
        tpu.enqueue_indirect_dma source(%dma_start3A_307 : memref<10240x128xf32, #tpu.memory_space<hbm>>) target(%arg14 : memref<80x128xf32, #tpu.memory_space<vmem>>) offsets(%arg8 : memref<80xi32, #tpu.memory_space<vmem>>) semaphore(%arg18 : memref<!tpu.dma_semaphore, #tpu.memory_space<semaphore_mem>>)
      } else {
      }
      %mul3A_198 = arith.constant 3 : i32
      %mul3A_199 = arith.muli %scan3A_150, %mul3A_198 : i32
      %add3A_200 = arith.constant 2 : i32
      %add3A_201 = arith.addi %mul3A_199, %add3A_200 : i32
      %lt3A_202 = arith.constant 128 : i32
      %lt3A_203 = arith.cmpi slt, %add3A_201, %lt3A_202 : i32
      %convert_element_type3A_204 = arith.extui %lt3A_203 : i1 to i32
      %cond3A_205 = arith.constant 0 : i32
      %cond3A_206 = arith.cmpi ne, %convert_element_type3A_204, %cond3A_205 : i32
      scf.if %cond3A_206 {
        %dma_wait3A = arith.constant 0 : i32
        %dma_wait3A_223 = arith.constant 0 : i32
        %dma_wait3A_224 = tpu.memref_slice %arg2[%dma_wait3A, %dma_wait3A_223] : memref<10240x128xf32, #tpu.memory_space<hbm>> -> memref<80x128xf32, #tpu.memory_space<hbm>>
        %dma_wait3A_225 = arith.constant 0 : i32
        %dma_wait3A_226 = arith.constant 0 : i32
        %dma_wait3A_227 = tpu.memref_slice %arg2[%dma_wait3A_225, %dma_wait3A_226] : memref<10240x128xf32, #tpu.memory_space<hbm>> -> memref<80x128xf32, #tpu.memory_space<hbm>>
        tpu.wait_dma2 semaphore(%arg20 : memref<!tpu.dma_semaphore, #tpu.memory_space<semaphore_mem>>) src(%dma_wait3A_227 : memref<80x128xf32, #tpu.memory_space<hbm>>) dst(%arg16 : memref<80x128xf32, #tpu.memory_space<vmem>>)
        %dma_start3A_228 = arith.constant 0 : i32
        %dma_start3A_229 = arith.constant 0 : i32
        %dma_start3A_230 = tpu.memref_slice %arg17[%dma_start3A_228, %dma_start3A_229] : memref<10240x128xf32, #tpu.memory_space<vmem_shared>> -> memref<10240x128xf32, #tpu.memory_space<vmem_shared>>
        tpu.enqueue_indirect_dma source(%arg16 : memref<80x128xf32, #tpu.memory_space<vmem>>) target(%dma_start3A_230 : memref<10240x128xf32, #tpu.memory_space<vmem_shared>>) offsets(%arg13 : memref<80xi32, #tpu.memory_space<vmem>>) semaphore(%arg23 : memref<!tpu.dma_semaphore, #tpu.memory_space<semaphore_mem>>) {add = true}
      } else {
      }
      %ge3A_207 = arith.constant 1 : i32
      %ge3A_208 = arith.cmpi sge, %add3A_201, %ge3A_207 : i32
      %lt3A_209 = arith.constant 129 : i32
      %lt3A_210 = arith.cmpi slt, %add3A_201, %lt3A_209 : i32
      %and3A_211 = arith.andi %ge3A_208, %lt3A_210 : i1
      %convert_element_type3A_212 = arith.extui %and3A_211 : i1 to i32
      %cond3A_213 = arith.constant 0 : i32
      %cond3A_214 = arith.cmpi ne, %convert_element_type3A_212, %cond3A_213 : i32
      scf.if %cond3A_214 {
        %dma_wait3A = arith.constant 0 : i32
        %dma_wait3A_223 = arith.constant 0 : i32
        %dma_wait3A_224 = tpu.memref_slice %arg17[%dma_wait3A, %dma_wait3A_223] : memref<10240x128xf32, #tpu.memory_space<vmem_shared>> -> memref<80x128xf32, #tpu.memory_space<vmem_shared>>
        %dma_wait3A_225 = arith.constant 0 : i32
        %dma_wait3A_226 = arith.constant 0 : i32
        %dma_wait3A_227 = tpu.memref_slice %arg17[%dma_wait3A_225, %dma_wait3A_226] : memref<10240x128xf32, #tpu.memory_space<vmem_shared>> -> memref<80x128xf32, #tpu.memory_space<vmem_shared>>
        tpu.wait_dma2 semaphore(%arg22 : memref<!tpu.dma_semaphore, #tpu.memory_space<semaphore_mem>>) src(%arg15 : memref<80x128xf32, #tpu.memory_space<vmem>>) dst(%dma_wait3A_227 : memref<80x128xf32, #tpu.memory_space<vmem_shared>>)
      } else {
      }
      %add3A_215 = arith.constant 2 : i32
      %add3A_216 = arith.addi %add3A_201, %add3A_215 : i32
      %lt3A_217 = arith.constant 128 : i32
      %lt3A_218 = arith.cmpi slt, %add3A_216, %lt3A_217 : i32
      %convert_element_type3A_219 = arith.extui %lt3A_218 : i1 to i32
      %cond3A_220 = arith.constant 0 : i32
      %cond3A_221 = arith.cmpi ne, %convert_element_type3A_219, %cond3A_220 : i32
      scf.if %cond3A_221 {
        %add3A_223 = arith.constant 2 : i32
        %add3A_224 = arith.addi %add3A_201, %add3A_223 : i32
        %mul3A_225 = arith.constant 80 : i32
        %mul3A_226 = arith.muli %add3A_224, %mul3A_225 : i32
        %add3A_227 = arith.constant 0 : i32
        %add3A_228 = arith.addi %mul3A_226, %add3A_227 : i32
        %get3A_229 = arith.index_cast %add3A_228 : i32 to index
        %get3A_230 = tpu.vector_load %arg7[%get3A_229] {strides = array<i32>} : memref<10240xi32, #tpu.memory_space<vmem>>, vector<16xi32>,
        %shift_right_logical3A_231 = arith.constant 14 : i32
        %shift_right_logical3A_232 = vector.broadcast %shift_right_logical3A_231 : i32 to vector<16xi32>
        %shift_right_logical3A_233 = arith.shrui %get3A_230, %shift_right_logical3A_232 : vector<16xi32>
        %swap3A_234 = arith.constant 0 : index
        %swap3A_235 = tpu.vector_load %arg9[%swap3A_234] {strides = array<i32>} : memref<80xi32, #tpu.memory_space<vmem>>, vector<16xi32>,
        tpu.vector_store %arg9[%swap3A_234], %shift_right_logical3A_233 {strides = array<i32>} : memref<80xi32, #tpu.memory_space<vmem>>, vector<16xi32>,
        %and3A_236 = arith.constant 16383 : i32
        %and3A_237 = vector.broadcast %and3A_236 : i32 to vector<16xi32>
        %and3A_238 = arith.andi %get3A_230, %and3A_237 : vector<16xi32>
        %swap3A_239 = arith.constant 0 : index
        %swap3A_240 = tpu.vector_load %arg12[%swap3A_239] {strides = array<i32>} : memref<80xi32, #tpu.memory_space<vmem>>, vector<16xi32>,
        tpu.vector_store %arg12[%swap3A_239], %and3A_238 {strides = array<i32>} : memref<80xi32, #tpu.memory_space<vmem>>, vector<16xi32>,
        %mul3A_241 = arith.constant 80 : i32
        %mul3A_242 = arith.muli %add3A_224, %mul3A_241 : i32
        %add3A_243 = arith.constant 16 : i32
        %add3A_244 = arith.addi %mul3A_242, %add3A_243 : i32
        %get3A_245 = arith.index_cast %add3A_244 : i32 to index
        %get3A_246 = tpu.vector_load %arg7[%get3A_245] {strides = array<i32>} : memref<10240xi32, #tpu.memory_space<vmem>>, vector<16xi32>,
        %shift_right_logical3A_247 = arith.constant 14 : i32
        %shift_right_logical3A_248 = vector.broadcast %shift_right_logical3A_247 : i32 to vector<16xi32>
        %shift_right_logical3A_249 = arith.shrui %get3A_246, %shift_right_logical3A_248 : vector<16xi32>
        %swap3A_250 = arith.constant 16 : index
        %swap3A_251 = tpu.vector_load %arg9[%swap3A_250] {strides = array<i32>} : memref<80xi32, #tpu.memory_space<vmem>>, vector<16xi32>,
        tpu.vector_store %arg9[%swap3A_250], %shift_right_logical3A_249 {strides = array<i32>} : memref<80xi32, #tpu.memory_space<vmem>>, vector<16xi32>,
        %and3A_252 = arith.constant 16383 : i32
        %and3A_253 = vector.broadcast %and3A_252 : i32 to vector<16xi32>
        %and3A_254 = arith.andi %get3A_246, %and3A_253 : vector<16xi32>
        %swap3A_255 = arith.constant 16 : index
        %swap3A_256 = tpu.vector_load %arg12[%swap3A_255] {strides = array<i32>} : memref<80xi32, #tpu.memory_space<vmem>>, vector<16xi32>,
        tpu.vector_store %arg12[%swap3A_255], %and3A_254 {strides = array<i32>} : memref<80xi32, #tpu.memory_space<vmem>>, vector<16xi32>,
        %mul3A_257 = arith.constant 80 : i32
        %mul3A_258 = arith.muli %add3A_224, %mul3A_257 : i32
        %add3A_259 = arith.constant 32 : i32
        %add3A_260 = arith.addi %mul3A_258, %add3A_259 : i32
        %get3A_261 = arith.index_cast %add3A_260 : i32 to index
        %get3A_262 = tpu.vector_load %arg7[%get3A_261] {strides = array<i32>} : memref<10240xi32, #tpu.memory_space<vmem>>, vector<16xi32>,
        %shift_right_logical3A_263 = arith.constant 14 : i32
        %shift_right_logical3A_264 = vector.broadcast %shift_right_logical3A_263 : i32 to vector<16xi32>
        %shift_right_logical3A_265 = arith.shrui %get3A_262, %shift_right_logical3A_264 : vector<16xi32>
        %swap3A_266 = arith.constant 32 : index
        %swap3A_267 = tpu.vector_load %arg9[%swap3A_266] {strides = array<i32>} : memref<80xi32, #tpu.memory_space<vmem>>, vector<16xi32>,
        tpu.vector_store %arg9[%swap3A_266], %shift_right_logical3A_265 {strides = array<i32>} : memref<80xi32, #tpu.memory_space<vmem>>, vector<16xi32>,
        %and3A_268 = arith.constant 16383 : i32
        %and3A_269 = vector.broadcast %and3A_268 : i32 to vector<16xi32>
        %and3A_270 = arith.andi %get3A_262, %and3A_269 : vector<16xi32>
        %swap3A_271 = arith.constant 32 : index
        %swap3A_272 = tpu.vector_load %arg12[%swap3A_271] {strides = array<i32>} : memref<80xi32, #tpu.memory_space<vmem>>, vector<16xi32>,
        tpu.vector_store %arg12[%swap3A_271], %and3A_270 {strides = array<i32>} : memref<80xi32, #tpu.memory_space<vmem>>, vector<16xi32>,
        %mul3A_273 = arith.constant 80 : i32
        %mul3A_274 = arith.muli %add3A_224, %mul3A_273 : i32
        %add3A_275 = arith.constant 48 : i32
        %add3A_276 = arith.addi %mul3A_274, %add3A_275 : i32
        %get3A_277 = arith.index_cast %add3A_276 : i32 to index
        %get3A_278 = tpu.vector_load %arg7[%get3A_277] {strides = array<i32>} : memref<10240xi32, #tpu.memory_space<vmem>>, vector<16xi32>,
        %shift_right_logical3A_279 = arith.constant 14 : i32
        %shift_right_logical3A_280 = vector.broadcast %shift_right_logical3A_279 : i32 to vector<16xi32>
        %shift_right_logical3A_281 = arith.shrui %get3A_278, %shift_right_logical3A_280 : vector<16xi32>
        %swap3A_282 = arith.constant 48 : index
        %swap3A_283 = tpu.vector_load %arg9[%swap3A_282] {strides = array<i32>} : memref<80xi32, #tpu.memory_space<vmem>>, vector<16xi32>,
        tpu.vector_store %arg9[%swap3A_282], %shift_right_logical3A_281 {strides = array<i32>} : memref<80xi32, #tpu.memory_space<vmem>>, vector<16xi32>,
        %and3A_284 = arith.constant 16383 : i32
        %and3A_285 = vector.broadcast %and3A_284 : i32 to vector<16xi32>
        %and3A_286 = arith.andi %get3A_278, %and3A_285 : vector<16xi32>
        %swap3A_287 = arith.constant 48 : index
        %swap3A_288 = tpu.vector_load %arg12[%swap3A_287] {strides = array<i32>} : memref<80xi32, #tpu.memory_space<vmem>>, vector<16xi32>,
        tpu.vector_store %arg12[%swap3A_287], %and3A_286 {strides = array<i32>} : memref<80xi32, #tpu.memory_space<vmem>>, vector<16xi32>,
        %mul3A_289 = arith.constant 80 : i32
        %mul3A_290 = arith.muli %add3A_224, %mul3A_289 : i32
        %add3A_291 = arith.constant 64 : i32
        %add3A_292 = arith.addi %mul3A_290, %add3A_291 : i32
        %get3A_293 = arith.index_cast %add3A_292 : i32 to index
        %get3A_294 = tpu.vector_load %arg7[%get3A_293] {strides = array<i32>} : memref<10240xi32, #tpu.memory_space<vmem>>, vector<16xi32>,
        %shift_right_logical3A_295 = arith.constant 14 : i32
        %shift_right_logical3A_296 = vector.broadcast %shift_right_logical3A_295 : i32 to vector<16xi32>
        %shift_right_logical3A_297 = arith.shrui %get3A_294, %shift_right_logical3A_296 : vector<16xi32>
        %swap3A_298 = arith.constant 64 : index
        %swap3A_299 = tpu.vector_load %arg9[%swap3A_298] {strides = array<i32>} : memref<80xi32, #tpu.memory_space<vmem>>, vector<16xi32>,
        tpu.vector_store %arg9[%swap3A_298], %shift_right_logical3A_297 {strides = array<i32>} : memref<80xi32, #tpu.memory_space<vmem>>, vector<16xi32>,
        %and3A_300 = arith.constant 16383 : i32
        %and3A_301 = vector.broadcast %and3A_300 : i32 to vector<16xi32>
        %and3A_302 = arith.andi %get3A_294, %and3A_301 : vector<16xi32>
        %swap3A_303 = arith.constant 64 : index
        %swap3A_304 = tpu.vector_load %arg12[%swap3A_303] {strides = array<i32>} : memref<80xi32, #tpu.memory_space<vmem>>, vector<16xi32>,
        tpu.vector_store %arg12[%swap3A_303], %and3A_302 {strides = array<i32>} : memref<80xi32, #tpu.memory_space<vmem>>, vector<16xi32>,
        %dma_start3A_305 = arith.constant 0 : i32
        %dma_start3A_306 = arith.constant 0 : i32
        %dma_start3A_307 = tpu.memref_slice %arg2[%dma_start3A_305, %dma_start3A_306] : memref<10240x128xf32, #tpu.memory_space<hbm>> -> memref<10240x128xf32, #tpu.memory_space<hbm>>
        tpu.enqueue_indirect_dma source(%dma_start3A_307 : memref<10240x128xf32, #tpu.memory_space<hbm>>) target(%arg15 : memref<80x128xf32, #tpu.memory_space<vmem>>) offsets(%arg9 : memref<80xi32, #tpu.memory_space<vmem>>) semaphore(%arg19 : memref<!tpu.dma_semaphore, #tpu.memory_space<semaphore_mem>>)
      } else {
      }
      %scan3A_222 = arith.constant 0 : i32
      scf.yield %scan3A_222 : i32
    }
    %scan3A_138 = arith.constant 43 : i32
    %barrier3A_139 = arith.constant 0 : index
    tpu.barrier barrier_id(%barrier3A_139)
    %eq3A_140 = arith.constant 0 : i32
    %eq3A_141 = arith.cmpi eq, %arg0, %eq3A_140 : i32
    %convert_element_type3A_142 = arith.extui %eq3A_141 : i1 to i32
    %cond3A_143 = arith.constant 0 : i32
    %cond3A_144 = arith.cmpi ne, %convert_element_type3A_142, %cond3A_143 : i32
    scf.if %cond3A_144 {
      "tpu.region"() ({
        %run_scoped3A = tpu.sem_alloc : memref<!tpu.dma_semaphore, #tpu.memory_space<semaphore_mem>>
        %dma_start3A_150 = arith.constant 0 : i32
        %dma_start3A_151 = tpu.memref_slice %arg5[%mul3A_4, %dma_start3A_150] : memref<10240x128xf32, #tpu.memory_space<hbm>> -> memref<640x128xf32, #tpu.memory_space<hbm>>
        %dma_start3A_152 = arith.constant 0 : i32
        %dma_start3A_153 = tpu.memref_slice %arg17[%mul3A_4, %dma_start3A_152] : memref<10240x128xf32, #tpu.memory_space<vmem_shared>> -> memref<640x128xf32, #tpu.memory_space<vmem_shared>>
        tpu.enqueue_dma source(%dma_start3A_153 : memref<640x128xf32, #tpu.memory_space<vmem_shared>>) target(%dma_start3A_151 : memref<640x128xf32, #tpu.memory_space<hbm>>) target_semaphore(%run_scoped3A : memref<!tpu.dma_semaphore, #tpu.memory_space<semaphore_mem>>)
        %dma_wait3A = arith.constant 0 : i32
        %dma_wait3A_154 = tpu.memref_slice %arg5[%mul3A_4, %dma_wait3A] : memref<10240x128xf32, #tpu.memory_space<hbm>> -> memref<640x128xf32, #tpu.memory_space<hbm>>
        %dma_wait3A_155 = arith.constant 0 : i32
        %dma_wait3A_156 = tpu.memref_slice %arg17[%mul3A_4, %dma_wait3A_155] : memref<10240x128xf32, #tpu.memory_space<vmem_shared>> -> memref<640x128xf32, #tpu.memory_space<vmem_shared>>
        tpu.wait_dma2 semaphore(%run_scoped3A : memref<!tpu.dma_semaphore, #tpu.memory_space<semaphore_mem>>) src(%dma_wait3A_156 : memref<640x128xf32, #tpu.memory_space<vmem_shared>>) dst(%dma_wait3A_154 : memref<640x128xf32, #tpu.memory_space<hbm>>)
        tpu.yield
      }) : () -> ()
    } else {
    }
    %eq3A_145 = arith.constant 1 : i32
    %eq3A_146 = arith.cmpi eq, %arg0, %eq3A_145 : i32
    %convert_element_type3A_147 = arith.extui %eq3A_146 : i1 to i32
    %cond3A_148 = arith.constant 0 : i32
    %cond3A_149 = arith.cmpi ne, %convert_element_type3A_147, %cond3A_148 : i32
    scf.if %cond3A_149 {
      "tpu.region"() ({
        %run_scoped3A = tpu.sem_alloc : memref<!tpu.dma_semaphore, #tpu.memory_space<semaphore_mem>>
        %dma_start3A_150 = arith.constant 0 : i32
        %dma_start3A_151 = tpu.memref_slice %arg6[%mul3A_4, %dma_start3A_150] : memref<10240x128xf32, #tpu.memory_space<hbm>> -> memref<640x128xf32, #tpu.memory_space<hbm>>
        %dma_start3A_152 = arith.constant 0 : i32
        %dma_start3A_153 = tpu.memref_slice %arg17[%mul3A_4, %dma_start3A_152] : memref<10240x128xf32, #tpu.memory_space<vmem_shared>> -> memref<640x128xf32, #tpu.memory_space<vmem_shared>>
        tpu.enqueue_dma source(%dma_start3A_153 : memref<640x128xf32, #tpu.memory_space<vmem_shared>>) target(%dma_start3A_151 : memref<640x128xf32, #tpu.memory_space<hbm>>) target_semaphore(%run_scoped3A : memref<!tpu.dma_semaphore, #tpu.memory_space<semaphore_mem>>)
        %dma_wait3A = arith.constant 0 : i32
        %dma_wait3A_154 = tpu.memref_slice %arg6[%mul3A_4, %dma_wait3A] : memref<10240x128xf32, #tpu.memory_space<hbm>> -> memref<640x128xf32, #tpu.memory_space<hbm>>
        %dma_wait3A_155 = arith.constant 0 : i32
        %dma_wait3A_156 = tpu.memref_slice %arg17[%mul3A_4, %dma_wait3A_155] : memref<10240x128xf32, #tpu.memory_space<vmem_shared>> -> memref<640x128xf32, #tpu.memory_space<vmem_shared>>
        tpu.wait_dma2 semaphore(%run_scoped3A : memref<!tpu.dma_semaphore, #tpu.memory_space<semaphore_mem>>) src(%dma_wait3A_156 : memref<640x128xf32, #tpu.memory_space<vmem_shared>>) dst(%dma_wait3A_154 : memref<640x128xf32, #tpu.memory_space<hbm>>)
        tpu.yield
      }) : () -> ()
    } else {
    }
    return
  }
}

#map = affine_map<(d0, d1) -> (0, 0)>
#map1 = affine_map<(d0, d1) -> (0)>
module attributes {stable_mosaic.version = 14 : i64} {
  func.func @_agg_sc(%arg0: i32, %arg1: i32, %arg2: memref<10240x128xf32, #tpu.memory_space<hbm>>, %arg3: memref<327680xi32, #tpu.memory_space<hbm>>, %arg4: memref<10240x128xf32, #tpu.memory_space<hbm>>, %arg5: memref<10240x128xf32, #tpu.memory_space<hbm>>, %arg6: memref<10240x128xf32, #tpu.memory_space<hbm>>, %arg7: memref<10240xi32, #tpu.memory_space<vmem>>, %arg8: memref<80xi32, #tpu.memory_space<vmem>>, %arg9: memref<80xi32, #tpu.memory_space<vmem>>, %arg10: memref<80xi32, #tpu.memory_space<vmem>>, %arg11: memref<80xi32, #tpu.memory_space<vmem>>, %arg12: memref<80xi32, #tpu.memory_space<vmem>>, %arg13: memref<80xi32, #tpu.memory_space<vmem>>, %arg14: memref<80x128xf32, #tpu.memory_space<vmem>>, %arg15: memref<80x128xf32, #tpu.memory_space<vmem>>, %arg16: memref<80x128xf32, #tpu.memory_space<vmem>>, %arg17: memref<10240x128xf32, #tpu.memory_space<vmem_shared>>, %arg18: memref<!tpu.dma_semaphore, #tpu.memory_space<semaphore_mem>>, %arg19: memref<!tpu.dma_semaphore, #tpu.memory_space<semaphore_mem>>, %arg20: memref<!tpu.dma_semaphore, #tpu.memory_space<semaphore_mem>>, %arg21: memref<!tpu.dma_semaphore, #tpu.memory_space<semaphore_mem>>, %arg22: memref<!tpu.dma_semaphore, #tpu.memory_space<semaphore_mem>>, %arg23: memref<!tpu.dma_semaphore, #tpu.memory_space<semaphore_mem>>) attributes {dimension_semantics = [#tpu.dimension_semantics<core_parallel>, #tpu.dimension_semantics<subcore_parallel>], iteration_bounds = array<i64: 2, 16>, scalar_prefetch = 0 : i64, scratch_operands = 17 : i64, tpu.core_type = #tpu.core_type<sc_vector_subcore>, window_params = [{transform_indices = #map}, {transform_indices = #map1}, {transform_indices = #map}, {transform_indices = #map}, {transform_indices = #map}]} {
    %mul3A = arith.constant 16 : i32
    %mul3A_0 = arith.muli %arg0, %mul3A : i32
    %add3A = arith.addi %mul3A_0, %arg1 : i32
    %mul3A_1 = arith.constant 10240 : i32
    %mul3A_2 = arith.muli %add3A, %mul3A_1 : i32
    "tpu.region"() ({
      %run_scoped3A = tpu.sem_alloc : memref<!tpu.dma_semaphore, #tpu.memory_space<semaphore_mem>>
      %dma_start3A_150 = tpu.memref_slice %arg3[%mul3A_2] : memref<327680xi32, #tpu.memory_space<hbm>> -> memref<10240xi32, #tpu.memory_space<hbm>>
      %dma_start3A_151 = tpu.memref_slice %arg3[%mul3A_2] : memref<327680xi32, #tpu.memory_space<hbm>> -> memref<10240xi32, #tpu.memory_space<hbm>>
      tpu.enqueue_dma source(%dma_start3A_151 : memref<10240xi32, #tpu.memory_space<hbm>>) target(%arg7 : memref<10240xi32, #tpu.memory_space<vmem>>) target_semaphore(%run_scoped3A : memref<!tpu.dma_semaphore, #tpu.memory_space<semaphore_mem>>)
      %dma_wait3A = tpu.memref_slice %arg3[%mul3A_2] : memref<327680xi32, #tpu.memory_space<hbm>> -> memref<10240xi32, #tpu.memory_space<hbm>>
      %dma_wait3A_152 = tpu.memref_slice %arg3[%mul3A_2] : memref<327680xi32, #tpu.memory_space<hbm>> -> memref<10240xi32, #tpu.memory_space<hbm>>
      tpu.wait_dma2 semaphore(%run_scoped3A : memref<!tpu.dma_semaphore, #tpu.memory_space<semaphore_mem>>) src(%dma_wait3A_152 : memref<10240xi32, #tpu.memory_space<hbm>>) dst(%arg7 : memref<10240xi32, #tpu.memory_space<vmem>>)
      tpu.yield
    }) : () -> ()
    %mul3A_3 = arith.constant 640 : i32
    %mul3A_4 = arith.muli %arg1, %mul3A_3 : i32
    %eq3A = arith.constant 0 : i32
    %eq3A_5 = arith.cmpi eq, %arg0, %eq3A : i32
    %convert_element_type3A = arith.extui %eq3A_5 : i1 to i32
    %cond3A = arith.constant 0 : i32
    %cond3A_6 = arith.cmpi ne, %convert_element_type3A, %cond3A : i32
    scf.if %cond3A_6 {
      "tpu.region"() ({
        %run_scoped3A = tpu.sem_alloc : memref<!tpu.dma_semaphore, #tpu.memory_space<semaphore_mem>>
        %dma_start3A_150 = arith.constant 0 : i32
        %dma_start3A_151 = tpu.memref_slice %arg17[%mul3A_4, %dma_start3A_150] : memref<10240x128xf32, #tpu.memory_space<vmem_shared>> -> memref<640x128xf32, #tpu.memory_space<vmem_shared>>
        %dma_start3A_152 = arith.constant 0 : i32
        %dma_start3A_153 = tpu.memref_slice %arg2[%mul3A_4, %dma_start3A_152] : memref<10240x128xf32, #tpu.memory_space<hbm>> -> memref<640x128xf32, #tpu.memory_space<hbm>>
        tpu.enqueue_dma source(%dma_start3A_153 : memref<640x128xf32, #tpu.memory_space<hbm>>) target(%dma_start3A_151 : memref<640x128xf32, #tpu.memory_space<vmem_shared>>) target_semaphore(%run_scoped3A : memref<!tpu.dma_semaphore, #tpu.memory_space<semaphore_mem>>)
        %dma_wait3A = arith.constant 0 : i32
        %dma_wait3A_154 = tpu.memref_slice %arg17[%mul3A_4, %dma_wait3A] : memref<10240x128xf32, #tpu.memory_space<vmem_shared>> -> memref<640x128xf32, #tpu.memory_space<vmem_shared>>
        %dma_wait3A_155 = arith.constant 0 : i32
        %dma_wait3A_156 = tpu.memref_slice %arg2[%mul3A_4, %dma_wait3A_155] : memref<10240x128xf32, #tpu.memory_space<hbm>> -> memref<640x128xf32, #tpu.memory_space<hbm>>
        tpu.wait_dma2 semaphore(%run_scoped3A : memref<!tpu.dma_semaphore, #tpu.memory_space<semaphore_mem>>) src(%dma_wait3A_156 : memref<640x128xf32, #tpu.memory_space<hbm>>) dst(%dma_wait3A_154 : memref<640x128xf32, #tpu.memory_space<vmem_shared>>)
        tpu.yield
      }) : () -> ()
    } else {
    }
    %eq3A_7 = arith.constant 1 : i32
    %eq3A_8 = arith.cmpi eq, %arg0, %eq3A_7 : i32
    %convert_element_type3A_9 = arith.extui %eq3A_8 : i1 to i32
    %cond3A_10 = arith.constant 0 : i32
    %cond3A_11 = arith.cmpi ne, %convert_element_type3A_9, %cond3A_10 : i32
    scf.if %cond3A_11 {
      "tpu.region"() ({
        %run_scoped3A = tpu.sem_alloc : memref<!tpu.dma_semaphore, #tpu.memory_space<semaphore_mem>>
        %dma_start3A_150 = arith.constant 0 : i32
        %dma_start3A_151 = tpu.memref_slice %arg17[%mul3A_4, %dma_start3A_150] : memref<10240x128xf32, #tpu.memory_space<vmem_shared>> -> memref<640x128xf32, #tpu.memory_space<vmem_shared>>
        %dma_start3A_152 = arith.constant 0 : i32
        %dma_start3A_153 = tpu.memref_slice %arg4[%mul3A_4, %dma_start3A_152] : memref<10240x128xf32, #tpu.memory_space<hbm>> -> memref<640x128xf32, #tpu.memory_space<hbm>>
        tpu.enqueue_dma source(%dma_start3A_153 : memref<640x128xf32, #tpu.memory_space<hbm>>) target(%dma_start3A_151 : memref<640x128xf32, #tpu.memory_space<vmem_shared>>) target_semaphore(%run_scoped3A : memref<!tpu.dma_semaphore, #tpu.memory_space<semaphore_mem>>)
        %dma_wait3A = arith.constant 0 : i32
        %dma_wait3A_154 = tpu.memref_slice %arg17[%mul3A_4, %dma_wait3A] : memref<10240x128xf32, #tpu.memory_space<vmem_shared>> -> memref<640x128xf32, #tpu.memory_space<vmem_shared>>
        %dma_wait3A_155 = arith.constant 0 : i32
        %dma_wait3A_156 = tpu.memref_slice %arg4[%mul3A_4, %dma_wait3A_155] : memref<10240x128xf32, #tpu.memory_space<hbm>> -> memref<640x128xf32, #tpu.memory_space<hbm>>
        tpu.wait_dma2 semaphore(%run_scoped3A : memref<!tpu.dma_semaphore, #tpu.memory_space<semaphore_mem>>) src(%dma_wait3A_156 : memref<640x128xf32, #tpu.memory_space<hbm>>) dst(%dma_wait3A_154 : memref<640x128xf32, #tpu.memory_space<vmem_shared>>)
        tpu.yield
      }) : () -> ()
    } else {
    }
    %barrier3A = arith.constant 0 : index
    tpu.barrier barrier_id(%barrier3A)
    %get3A = arith.constant 0 : index
    %get3A_12 = tpu.vector_load %arg7[%get3A] {strides = array<i32>} : memref<10240xi32, #tpu.memory_space<vmem>>, vector<16xi32>,
    %shift_right_logical3A = arith.constant 14 : i32
    %shift_right_logical3A_13 = vector.broadcast %shift_right_logical3A : i32 to vector<16xi32>
    %shift_right_logical3A_14 = arith.shrui %get3A_12, %shift_right_logical3A_13 : vector<16xi32>
    %swap3A = arith.constant 0 : index
    %swap3A_15 = tpu.vector_load %arg8[%swap3A] {strides = array<i32>} : memref<80xi32, #tpu.memory_space<vmem>>, vector<16xi32>,
    tpu.vector_store %arg8[%swap3A], %shift_right_logical3A_14 {strides = array<i32>} : memref<80xi32, #tpu.memory_space<vmem>>, vector<16xi32>,
    %and3A = arith.constant 16383 : i32
    %and3A_16 = vector.broadcast %and3A : i32 to vector<16xi32>
    %and3A_17 = arith.andi %get3A_12, %and3A_16 : vector<16xi32>
    %swap3A_18 = arith.constant 0 : index
    %swap3A_19 = tpu.vector_load %arg11[%swap3A_18] {strides = array<i32>} : memref<80xi32, #tpu.memory_space<vmem>>, vector<16xi32>,
    tpu.vector_store %arg11[%swap3A_18], %and3A_17 {strides = array<i32>} : memref<80xi32, #tpu.memory_space<vmem>>, vector<16xi32>,
    %get3A_20 = arith.constant 16 : index
    %get3A_21 = tpu.vector_load %arg7[%get3A_20] {strides = array<i32>} : memref<10240xi32, #tpu.memory_space<vmem>>, vector<16xi32>,
    %shift_right_logical3A_22 = arith.constant 14 : i32
    %shift_right_logical3A_23 = vector.broadcast %shift_right_logical3A_22 : i32 to vector<16xi32>
    %shift_right_logical3A_24 = arith.shrui %get3A_21, %shift_right_logical3A_23 : vector<16xi32>
    %swap3A_25 = arith.constant 16 : index
    %swap3A_26 = tpu.vector_load %arg8[%swap3A_25] {strides = array<i32>} : memref<80xi32, #tpu.memory_space<vmem>>, vector<16xi32>,
    tpu.vector_store %arg8[%swap3A_25], %shift_right_logical3A_24 {strides = array<i32>} : memref<80xi32, #tpu.memory_space<vmem>>, vector<16xi32>,
    %and3A_27 = arith.constant 16383 : i32
    %and3A_28 = vector.broadcast %and3A_27 : i32 to vector<16xi32>
    %and3A_29 = arith.andi %get3A_21, %and3A_28 : vector<16xi32>
    %swap3A_30 = arith.constant 16 : index
    %swap3A_31 = tpu.vector_load %arg11[%swap3A_30] {strides = array<i32>} : memref<80xi32, #tpu.memory_space<vmem>>, vector<16xi32>,
    tpu.vector_store %arg11[%swap3A_30], %and3A_29 {strides = array<i32>} : memref<80xi32, #tpu.memory_space<vmem>>, vector<16xi32>,
    %get3A_32 = arith.constant 32 : index
    %get3A_33 = tpu.vector_load %arg7[%get3A_32] {strides = array<i32>} : memref<10240xi32, #tpu.memory_space<vmem>>, vector<16xi32>,
    %shift_right_logical3A_34 = arith.constant 14 : i32
    %shift_right_logical3A_35 = vector.broadcast %shift_right_logical3A_34 : i32 to vector<16xi32>
    %shift_right_logical3A_36 = arith.shrui %get3A_33, %shift_right_logical3A_35 : vector<16xi32>
    %swap3A_37 = arith.constant 32 : index
    %swap3A_38 = tpu.vector_load %arg8[%swap3A_37] {strides = array<i32>} : memref<80xi32, #tpu.memory_space<vmem>>, vector<16xi32>,
    tpu.vector_store %arg8[%swap3A_37], %shift_right_logical3A_36 {strides = array<i32>} : memref<80xi32, #tpu.memory_space<vmem>>, vector<16xi32>,
    %and3A_39 = arith.constant 16383 : i32
    %and3A_40 = vector.broadcast %and3A_39 : i32 to vector<16xi32>
    %and3A_41 = arith.andi %get3A_33, %and3A_40 : vector<16xi32>
    %swap3A_42 = arith.constant 32 : index
    %swap3A_43 = tpu.vector_load %arg11[%swap3A_42] {strides = array<i32>} : memref<80xi32, #tpu.memory_space<vmem>>, vector<16xi32>,
    tpu.vector_store %arg11[%swap3A_42], %and3A_41 {strides = array<i32>} : memref<80xi32, #tpu.memory_space<vmem>>, vector<16xi32>,
    %get3A_44 = arith.constant 48 : index
    %get3A_45 = tpu.vector_load %arg7[%get3A_44] {strides = array<i32>} : memref<10240xi32, #tpu.memory_space<vmem>>, vector<16xi32>,
    %shift_right_logical3A_46 = arith.constant 14 : i32
    %shift_right_logical3A_47 = vector.broadcast %shift_right_logical3A_46 : i32 to vector<16xi32>
    %shift_right_logical3A_48 = arith.shrui %get3A_45, %shift_right_logical3A_47 : vector<16xi32>
    %swap3A_49 = arith.constant 48 : index
    %swap3A_50 = tpu.vector_load %arg8[%swap3A_49] {strides = array<i32>} : memref<80xi32, #tpu.memory_space<vmem>>, vector<16xi32>,
    tpu.vector_store %arg8[%swap3A_49], %shift_right_logical3A_48 {strides = array<i32>} : memref<80xi32, #tpu.memory_space<vmem>>, vector<16xi32>,
    %and3A_51 = arith.constant 16383 : i32
    %and3A_52 = vector.broadcast %and3A_51 : i32 to vector<16xi32>
    %and3A_53 = arith.andi %get3A_45, %and3A_52 : vector<16xi32>
    %swap3A_54 = arith.constant 48 : index
    %swap3A_55 = tpu.vector_load %arg11[%swap3A_54] {strides = array<i32>} : memref<80xi32, #tpu.memory_space<vmem>>, vector<16xi32>,
    tpu.vector_store %arg11[%swap3A_54], %and3A_53 {strides = array<i32>} : memref<80xi32, #tpu.memory_space<vmem>>, vector<16xi32>,
    %get3A_56 = arith.constant 64 : index
    %get3A_57 = tpu.vector_load %arg7[%get3A_56] {strides = array<i32>} : memref<10240xi32, #tpu.memory_space<vmem>>, vector<16xi32>,
    %shift_right_logical3A_58 = arith.constant 14 : i32
    %shift_right_logical3A_59 = vector.broadcast %shift_right_logical3A_58 : i32 to vector<16xi32>
    %shift_right_logical3A_60 = arith.shrui %get3A_57, %shift_right_logical3A_59 : vector<16xi32>
    %swap3A_61 = arith.constant 64 : index
    %swap3A_62 = tpu.vector_load %arg8[%swap3A_61] {strides = array<i32>} : memref<80xi32, #tpu.memory_space<vmem>>, vector<16xi32>,
    tpu.vector_store %arg8[%swap3A_61], %shift_right_logical3A_60 {strides = array<i32>} : memref<80xi32, #tpu.memory_space<vmem>>, vector<16xi32>,
    %and3A_63 = arith.constant 16383 : i32
    %and3A_64 = vector.broadcast %and3A_63 : i32 to vector<16xi32>
    %and3A_65 = arith.andi %get3A_57, %and3A_64 : vector<16xi32>
    %swap3A_66 = arith.constant 64 : index
    %swap3A_67 = tpu.vector_load %arg11[%swap3A_66] {strides = array<i32>} : memref<80xi32, #tpu.memory_space<vmem>>, vector<16xi32>,
    tpu.vector_store %arg11[%swap3A_66], %and3A_65 {strides = array<i32>} : memref<80xi32, #tpu.memory_space<vmem>>, vector<16xi32>,
    %dma_start3A = arith.constant 0 : i32
    %dma_start3A_68 = arith.constant 0 : i32
    %dma_start3A_69 = tpu.memref_slice %arg2[%dma_start3A, %dma_start3A_68] : memref<10240x128xf32, #tpu.memory_space<hbm>> -> memref<10240x128xf32, #tpu.memory_space<hbm>>
    tpu.enqueue_indirect_dma source(%dma_start3A_69 : memref<10240x128xf32, #tpu.memory_space<hbm>>) target(%arg14 : memref<80x128xf32, #tpu.memory_space<vmem>>) offsets(%arg8 : memref<80xi32, #tpu.memory_space<vmem>>) semaphore(%arg18 : memref<!tpu.dma_semaphore, #tpu.memory_space<semaphore_mem>>)
    %get3A_70 = arith.constant 80 : index
    %get3A_71 = tpu.vector_load %arg7[%get3A_70] {strides = array<i32>} : memref<10240xi32, #tpu.memory_space<vmem>>, vector<16xi32>,
    %shift_right_logical3A_72 = arith.constant 14 : i32
    %shift_right_logical3A_73 = vector.broadcast %shift_right_logical3A_72 : i32 to vector<16xi32>
    %shift_right_logical3A_74 = arith.shrui %get3A_71, %shift_right_logical3A_73 : vector<16xi32>
    %swap3A_75 = arith.constant 0 : index
    %swap3A_76 = tpu.vector_load %arg9[%swap3A_75] {strides = array<i32>} : memref<80xi32, #tpu.memory_space<vmem>>, vector<16xi32>,
    tpu.vector_store %arg9[%swap3A_75], %shift_right_logical3A_74 {strides = array<i32>} : memref<80xi32, #tpu.memory_space<vmem>>, vector<16xi32>,
    %and3A_77 = arith.constant 16383 : i32
    %and3A_78 = vector.broadcast %and3A_77 : i32 to vector<16xi32>
    %and3A_79 = arith.andi %get3A_71, %and3A_78 : vector<16xi32>
    %swap3A_80 = arith.constant 0 : index
    %swap3A_81 = tpu.vector_load %arg12[%swap3A_80] {strides = array<i32>} : memref<80xi32, #tpu.memory_space<vmem>>, vector<16xi32>,
    tpu.vector_store %arg12[%swap3A_80], %and3A_79 {strides = array<i32>} : memref<80xi32, #tpu.memory_space<vmem>>, vector<16xi32>,
    %get3A_82 = arith.constant 96 : index
    %get3A_83 = tpu.vector_load %arg7[%get3A_82] {strides = array<i32>} : memref<10240xi32, #tpu.memory_space<vmem>>, vector<16xi32>,
    %shift_right_logical3A_84 = arith.constant 14 : i32
    %shift_right_logical3A_85 = vector.broadcast %shift_right_logical3A_84 : i32 to vector<16xi32>
    %shift_right_logical3A_86 = arith.shrui %get3A_83, %shift_right_logical3A_85 : vector<16xi32>
    %swap3A_87 = arith.constant 16 : index
    %swap3A_88 = tpu.vector_load %arg9[%swap3A_87] {strides = array<i32>} : memref<80xi32, #tpu.memory_space<vmem>>, vector<16xi32>,
    tpu.vector_store %arg9[%swap3A_87], %shift_right_logical3A_86 {strides = array<i32>} : memref<80xi32, #tpu.memory_space<vmem>>, vector<16xi32>,
    %and3A_89 = arith.constant 16383 : i32
    %and3A_90 = vector.broadcast %and3A_89 : i32 to vector<16xi32>
    %and3A_91 = arith.andi %get3A_83, %and3A_90 : vector<16xi32>
    %swap3A_92 = arith.constant 16 : index
    %swap3A_93 = tpu.vector_load %arg12[%swap3A_92] {strides = array<i32>} : memref<80xi32, #tpu.memory_space<vmem>>, vector<16xi32>,
    tpu.vector_store %arg12[%swap3A_92], %and3A_91 {strides = array<i32>} : memref<80xi32, #tpu.memory_space<vmem>>, vector<16xi32>,
    %get3A_94 = arith.constant 112 : index
    %get3A_95 = tpu.vector_load %arg7[%get3A_94] {strides = array<i32>} : memref<10240xi32, #tpu.memory_space<vmem>>, vector<16xi32>,
    %shift_right_logical3A_96 = arith.constant 14 : i32
    %shift_right_logical3A_97 = vector.broadcast %shift_right_logical3A_96 : i32 to vector<16xi32>
    %shift_right_logical3A_98 = arith.shrui %get3A_95, %shift_right_logical3A_97 : vector<16xi32>
    %swap3A_99 = arith.constant 32 : index
    %swap3A_100 = tpu.vector_load %arg9[%swap3A_99] {strides = array<i32>} : memref<80xi32, #tpu.memory_space<vmem>>, vector<16xi32>,
    tpu.vector_store %arg9[%swap3A_99], %shift_right_logical3A_98 {strides = array<i32>} : memref<80xi32, #tpu.memory_space<vmem>>, vector<16xi32>,
    %and3A_101 = arith.constant 16383 : i32
    %and3A_102 = vector.broadcast %and3A_101 : i32 to vector<16xi32>
    %and3A_103 = arith.andi %get3A_95, %and3A_102 : vector<16xi32>
    %swap3A_104 = arith.constant 32 : index
    %swap3A_105 = tpu.vector_load %arg12[%swap3A_104] {strides = array<i32>} : memref<80xi32, #tpu.memory_space<vmem>>, vector<16xi32>,
    tpu.vector_store %arg12[%swap3A_104], %and3A_103 {strides = array<i32>} : memref<80xi32, #tpu.memory_space<vmem>>, vector<16xi32>,
    %get3A_106 = arith.constant 128 : index
    %get3A_107 = tpu.vector_load %arg7[%get3A_106] {strides = array<i32>} : memref<10240xi32, #tpu.memory_space<vmem>>, vector<16xi32>,
    %shift_right_logical3A_108 = arith.constant 14 : i32
    %shift_right_logical3A_109 = vector.broadcast %shift_right_logical3A_108 : i32 to vector<16xi32>
    %shift_right_logical3A_110 = arith.shrui %get3A_107, %shift_right_logical3A_109 : vector<16xi32>
    %swap3A_111 = arith.constant 48 : index
    %swap3A_112 = tpu.vector_load %arg9[%swap3A_111] {strides = array<i32>} : memref<80xi32, #tpu.memory_space<vmem>>, vector<16xi32>,
    tpu.vector_store %arg9[%swap3A_111], %shift_right_logical3A_110 {strides = array<i32>} : memref<80xi32, #tpu.memory_space<vmem>>, vector<16xi32>,
    %and3A_113 = arith.constant 16383 : i32
    %and3A_114 = vector.broadcast %and3A_113 : i32 to vector<16xi32>
    %and3A_115 = arith.andi %get3A_107, %and3A_114 : vector<16xi32>
    %swap3A_116 = arith.constant 48 : index
    %swap3A_117 = tpu.vector_load %arg12[%swap3A_116] {strides = array<i32>} : memref<80xi32, #tpu.memory_space<vmem>>, vector<16xi32>,
    tpu.vector_store %arg12[%swap3A_116], %and3A_115 {strides = array<i32>} : memref<80xi32, #tpu.memory_space<vmem>>, vector<16xi32>,
    %get3A_118 = arith.constant 144 : index
    %get3A_119 = tpu.vector_load %arg7[%get3A_118] {strides = array<i32>} : memref<10240xi32, #tpu.memory_space<vmem>>, vector<16xi32>,
    %shift_right_logical3A_120 = arith.constant 14 : i32
    %shift_right_logical3A_121 = vector.broadcast %shift_right_logical3A_120 : i32 to vector<16xi32>
    %shift_right_logical3A_122 = arith.shrui %get3A_119, %shift_right_logical3A_121 : vector<16xi32>
    %swap3A_123 = arith.constant 64 : index
    %swap3A_124 = tpu.vector_load %arg9[%swap3A_123] {strides = array<i32>} : memref<80xi32, #tpu.memory_space<vmem>>, vector<16xi32>,
    tpu.vector_store %arg9[%swap3A_123], %shift_right_logical3A_122 {strides = array<i32>} : memref<80xi32, #tpu.memory_space<vmem>>, vector<16xi32>,
    %and3A_125 = arith.constant 16383 : i32
    %and3A_126 = vector.broadcast %and3A_125 : i32 to vector<16xi32>
    %and3A_127 = arith.andi %get3A_119, %and3A_126 : vector<16xi32>
    %swap3A_128 = arith.constant 64 : index
    %swap3A_129 = tpu.vector_load %arg12[%swap3A_128] {strides = array<i32>} : memref<80xi32, #tpu.memory_space<vmem>>, vector<16xi32>,
    tpu.vector_store %arg12[%swap3A_128], %and3A_127 {strides = array<i32>} : memref<80xi32, #tpu.memory_space<vmem>>, vector<16xi32>,
    %dma_start3A_130 = arith.constant 0 : i32
    %dma_start3A_131 = arith.constant 0 : i32
    %dma_start3A_132 = tpu.memref_slice %arg2[%dma_start3A_130, %dma_start3A_131] : memref<10240x128xf32, #tpu.memory_space<hbm>> -> memref<10240x128xf32, #tpu.memory_space<hbm>>
    tpu.enqueue_indirect_dma source(%dma_start3A_132 : memref<10240x128xf32, #tpu.memory_space<hbm>>) target(%arg15 : memref<80x128xf32, #tpu.memory_space<vmem>>) offsets(%arg9 : memref<80xi32, #tpu.memory_space<vmem>>) semaphore(%arg19 : memref<!tpu.dma_semaphore, #tpu.memory_space<semaphore_mem>>)
    %scan3A = arith.constant 0 : i32
    %scan3A_133 = arith.constant 0 : i32
    %scan3A_134 = arith.constant 43 : i32
    %scan3A_135 = arith.addi %scan3A_133, %scan3A_134 : i32
    %scan3A_136 = arith.constant 1 : i32
    %scan3A_137 = scf.for %scan3A_150 = %scan3A_133 to %scan3A_135 step %scan3A_136 iter_args(%scan3A_151 = %scan3A) -> (i32)  : i32 {
      %mul3A_152 = arith.constant 3 : i32
      %mul3A_153 = arith.muli %scan3A_150, %mul3A_152 : i32
      %add3A_154 = arith.constant 0 : i32
      %add3A_155 = arith.addi %mul3A_153, %add3A_154 : i32
      %lt3A = arith.constant 128 : i32
      %lt3A_156 = arith.cmpi slt, %add3A_155, %lt3A : i32
      %convert_element_type3A_157 = arith.extui %lt3A_156 : i1 to i32
      %cond3A_158 = arith.constant 0 : i32
      %cond3A_159 = arith.cmpi ne, %convert_element_type3A_157, %cond3A_158 : i32
      scf.if %cond3A_159 {
        %dma_wait3A = arith.constant 0 : i32
        %dma_wait3A_223 = arith.constant 0 : i32
        %dma_wait3A_224 = tpu.memref_slice %arg2[%dma_wait3A, %dma_wait3A_223] : memref<10240x128xf32, #tpu.memory_space<hbm>> -> memref<80x128xf32, #tpu.memory_space<hbm>>
        %dma_wait3A_225 = arith.constant 0 : i32
        %dma_wait3A_226 = arith.constant 0 : i32
        %dma_wait3A_227 = tpu.memref_slice %arg2[%dma_wait3A_225, %dma_wait3A_226] : memref<10240x128xf32, #tpu.memory_space<hbm>> -> memref<80x128xf32, #tpu.memory_space<hbm>>
        tpu.wait_dma2 semaphore(%arg18 : memref<!tpu.dma_semaphore, #tpu.memory_space<semaphore_mem>>) src(%dma_wait3A_227 : memref<80x128xf32, #tpu.memory_space<hbm>>) dst(%arg14 : memref<80x128xf32, #tpu.memory_space<vmem>>)
        %dma_start3A_228 = arith.constant 0 : i32
        %dma_start3A_229 = arith.constant 0 : i32
        %dma_start3A_230 = tpu.memref_slice %arg17[%dma_start3A_228, %dma_start3A_229] : memref<10240x128xf32, #tpu.memory_space<vmem_shared>> -> memref<10240x128xf32, #tpu.memory_space<vmem_shared>>
        tpu.enqueue_indirect_dma source(%arg14 : memref<80x128xf32, #tpu.memory_space<vmem>>) target(%dma_start3A_230 : memref<10240x128xf32, #tpu.memory_space<vmem_shared>>) offsets(%arg11 : memref<80xi32, #tpu.memory_space<vmem>>) semaphore(%arg21 : memref<!tpu.dma_semaphore, #tpu.memory_space<semaphore_mem>>) {add = true}
      } else {
      }
      %ge3A = arith.constant 1 : i32
      %ge3A_160 = arith.cmpi sge, %add3A_155, %ge3A : i32
      %lt3A_161 = arith.constant 129 : i32
      %lt3A_162 = arith.cmpi slt, %add3A_155, %lt3A_161 : i32
      %and3A_163 = arith.andi %ge3A_160, %lt3A_162 : i1
      %convert_element_type3A_164 = arith.extui %and3A_163 : i1 to i32
      %cond3A_165 = arith.constant 0 : i32
      %cond3A_166 = arith.cmpi ne, %convert_element_type3A_164, %cond3A_165 : i32
      scf.if %cond3A_166 {
        %dma_wait3A = arith.constant 0 : i32
        %dma_wait3A_223 = arith.constant 0 : i32
        %dma_wait3A_224 = tpu.memref_slice %arg17[%dma_wait3A, %dma_wait3A_223] : memref<10240x128xf32, #tpu.memory_space<vmem_shared>> -> memref<80x128xf32, #tpu.memory_space<vmem_shared>>
        %dma_wait3A_225 = arith.constant 0 : i32
        %dma_wait3A_226 = arith.constant 0 : i32
        %dma_wait3A_227 = tpu.memref_slice %arg17[%dma_wait3A_225, %dma_wait3A_226] : memref<10240x128xf32, #tpu.memory_space<vmem_shared>> -> memref<80x128xf32, #tpu.memory_space<vmem_shared>>
        tpu.wait_dma2 semaphore(%arg23 : memref<!tpu.dma_semaphore, #tpu.memory_space<semaphore_mem>>) src(%arg16 : memref<80x128xf32, #tpu.memory_space<vmem>>) dst(%dma_wait3A_227 : memref<80x128xf32, #tpu.memory_space<vmem_shared>>)
      } else {
      }
      %add3A_167 = arith.constant 2 : i32
      %add3A_168 = arith.addi %add3A_155, %add3A_167 : i32
      %lt3A_169 = arith.constant 128 : i32
      %lt3A_170 = arith.cmpi slt, %add3A_168, %lt3A_169 : i32
      %convert_element_type3A_171 = arith.extui %lt3A_170 : i1 to i32
      %cond3A_172 = arith.constant 0 : i32
      %cond3A_173 = arith.cmpi ne, %convert_element_type3A_171, %cond3A_172 : i32
      scf.if %cond3A_173 {
        %add3A_223 = arith.constant 2 : i32
        %add3A_224 = arith.addi %add3A_155, %add3A_223 : i32
        %mul3A_225 = arith.constant 80 : i32
        %mul3A_226 = arith.muli %add3A_224, %mul3A_225 : i32
        %add3A_227 = arith.constant 0 : i32
        %add3A_228 = arith.addi %mul3A_226, %add3A_227 : i32
        %get3A_229 = arith.index_cast %add3A_228 : i32 to index
        %get3A_230 = tpu.vector_load %arg7[%get3A_229] {strides = array<i32>} : memref<10240xi32, #tpu.memory_space<vmem>>, vector<16xi32>,
        %shift_right_logical3A_231 = arith.constant 14 : i32
        %shift_right_logical3A_232 = vector.broadcast %shift_right_logical3A_231 : i32 to vector<16xi32>
        %shift_right_logical3A_233 = arith.shrui %get3A_230, %shift_right_logical3A_232 : vector<16xi32>
        %swap3A_234 = arith.constant 0 : index
        %swap3A_235 = tpu.vector_load %arg10[%swap3A_234] {strides = array<i32>} : memref<80xi32, #tpu.memory_space<vmem>>, vector<16xi32>,
        tpu.vector_store %arg10[%swap3A_234], %shift_right_logical3A_233 {strides = array<i32>} : memref<80xi32, #tpu.memory_space<vmem>>, vector<16xi32>,
        %and3A_236 = arith.constant 16383 : i32
        %and3A_237 = vector.broadcast %and3A_236 : i32 to vector<16xi32>
        %and3A_238 = arith.andi %get3A_230, %and3A_237 : vector<16xi32>
        %swap3A_239 = arith.constant 0 : index
        %swap3A_240 = tpu.vector_load %arg13[%swap3A_239] {strides = array<i32>} : memref<80xi32, #tpu.memory_space<vmem>>, vector<16xi32>,
        tpu.vector_store %arg13[%swap3A_239], %and3A_238 {strides = array<i32>} : memref<80xi32, #tpu.memory_space<vmem>>, vector<16xi32>,
        %mul3A_241 = arith.constant 80 : i32
        %mul3A_242 = arith.muli %add3A_224, %mul3A_241 : i32
        %add3A_243 = arith.constant 16 : i32
        %add3A_244 = arith.addi %mul3A_242, %add3A_243 : i32
        %get3A_245 = arith.index_cast %add3A_244 : i32 to index
        %get3A_246 = tpu.vector_load %arg7[%get3A_245] {strides = array<i32>} : memref<10240xi32, #tpu.memory_space<vmem>>, vector<16xi32>,
        %shift_right_logical3A_247 = arith.constant 14 : i32
        %shift_right_logical3A_248 = vector.broadcast %shift_right_logical3A_247 : i32 to vector<16xi32>
        %shift_right_logical3A_249 = arith.shrui %get3A_246, %shift_right_logical3A_248 : vector<16xi32>
        %swap3A_250 = arith.constant 16 : index
        %swap3A_251 = tpu.vector_load %arg10[%swap3A_250] {strides = array<i32>} : memref<80xi32, #tpu.memory_space<vmem>>, vector<16xi32>,
        tpu.vector_store %arg10[%swap3A_250], %shift_right_logical3A_249 {strides = array<i32>} : memref<80xi32, #tpu.memory_space<vmem>>, vector<16xi32>,
        %and3A_252 = arith.constant 16383 : i32
        %and3A_253 = vector.broadcast %and3A_252 : i32 to vector<16xi32>
        %and3A_254 = arith.andi %get3A_246, %and3A_253 : vector<16xi32>
        %swap3A_255 = arith.constant 16 : index
        %swap3A_256 = tpu.vector_load %arg13[%swap3A_255] {strides = array<i32>} : memref<80xi32, #tpu.memory_space<vmem>>, vector<16xi32>,
        tpu.vector_store %arg13[%swap3A_255], %and3A_254 {strides = array<i32>} : memref<80xi32, #tpu.memory_space<vmem>>, vector<16xi32>,
        %mul3A_257 = arith.constant 80 : i32
        %mul3A_258 = arith.muli %add3A_224, %mul3A_257 : i32
        %add3A_259 = arith.constant 32 : i32
        %add3A_260 = arith.addi %mul3A_258, %add3A_259 : i32
        %get3A_261 = arith.index_cast %add3A_260 : i32 to index
        %get3A_262 = tpu.vector_load %arg7[%get3A_261] {strides = array<i32>} : memref<10240xi32, #tpu.memory_space<vmem>>, vector<16xi32>,
        %shift_right_logical3A_263 = arith.constant 14 : i32
        %shift_right_logical3A_264 = vector.broadcast %shift_right_logical3A_263 : i32 to vector<16xi32>
        %shift_right_logical3A_265 = arith.shrui %get3A_262, %shift_right_logical3A_264 : vector<16xi32>
        %swap3A_266 = arith.constant 32 : index
        %swap3A_267 = tpu.vector_load %arg10[%swap3A_266] {strides = array<i32>} : memref<80xi32, #tpu.memory_space<vmem>>, vector<16xi32>,
        tpu.vector_store %arg10[%swap3A_266], %shift_right_logical3A_265 {strides = array<i32>} : memref<80xi32, #tpu.memory_space<vmem>>, vector<16xi32>,
        %and3A_268 = arith.constant 16383 : i32
        %and3A_269 = vector.broadcast %and3A_268 : i32 to vector<16xi32>
        %and3A_270 = arith.andi %get3A_262, %and3A_269 : vector<16xi32>
        %swap3A_271 = arith.constant 32 : index
        %swap3A_272 = tpu.vector_load %arg13[%swap3A_271] {strides = array<i32>} : memref<80xi32, #tpu.memory_space<vmem>>, vector<16xi32>,
        tpu.vector_store %arg13[%swap3A_271], %and3A_270 {strides = array<i32>} : memref<80xi32, #tpu.memory_space<vmem>>, vector<16xi32>,
        %mul3A_273 = arith.constant 80 : i32
        %mul3A_274 = arith.muli %add3A_224, %mul3A_273 : i32
        %add3A_275 = arith.constant 48 : i32
        %add3A_276 = arith.addi %mul3A_274, %add3A_275 : i32
        %get3A_277 = arith.index_cast %add3A_276 : i32 to index
        %get3A_278 = tpu.vector_load %arg7[%get3A_277] {strides = array<i32>} : memref<10240xi32, #tpu.memory_space<vmem>>, vector<16xi32>,
        %shift_right_logical3A_279 = arith.constant 14 : i32
        %shift_right_logical3A_280 = vector.broadcast %shift_right_logical3A_279 : i32 to vector<16xi32>
        %shift_right_logical3A_281 = arith.shrui %get3A_278, %shift_right_logical3A_280 : vector<16xi32>
        %swap3A_282 = arith.constant 48 : index
        %swap3A_283 = tpu.vector_load %arg10[%swap3A_282] {strides = array<i32>} : memref<80xi32, #tpu.memory_space<vmem>>, vector<16xi32>,
        tpu.vector_store %arg10[%swap3A_282], %shift_right_logical3A_281 {strides = array<i32>} : memref<80xi32, #tpu.memory_space<vmem>>, vector<16xi32>,
        %and3A_284 = arith.constant 16383 : i32
        %and3A_285 = vector.broadcast %and3A_284 : i32 to vector<16xi32>
        %and3A_286 = arith.andi %get3A_278, %and3A_285 : vector<16xi32>
        %swap3A_287 = arith.constant 48 : index
        %swap3A_288 = tpu.vector_load %arg13[%swap3A_287] {strides = array<i32>} : memref<80xi32, #tpu.memory_space<vmem>>, vector<16xi32>,
        tpu.vector_store %arg13[%swap3A_287], %and3A_286 {strides = array<i32>} : memref<80xi32, #tpu.memory_space<vmem>>, vector<16xi32>,
        %mul3A_289 = arith.constant 80 : i32
        %mul3A_290 = arith.muli %add3A_224, %mul3A_289 : i32
        %add3A_291 = arith.constant 64 : i32
        %add3A_292 = arith.addi %mul3A_290, %add3A_291 : i32
        %get3A_293 = arith.index_cast %add3A_292 : i32 to index
        %get3A_294 = tpu.vector_load %arg7[%get3A_293] {strides = array<i32>} : memref<10240xi32, #tpu.memory_space<vmem>>, vector<16xi32>,
        %shift_right_logical3A_295 = arith.constant 14 : i32
        %shift_right_logical3A_296 = vector.broadcast %shift_right_logical3A_295 : i32 to vector<16xi32>
        %shift_right_logical3A_297 = arith.shrui %get3A_294, %shift_right_logical3A_296 : vector<16xi32>
        %swap3A_298 = arith.constant 64 : index
        %swap3A_299 = tpu.vector_load %arg10[%swap3A_298] {strides = array<i32>} : memref<80xi32, #tpu.memory_space<vmem>>, vector<16xi32>,
        tpu.vector_store %arg10[%swap3A_298], %shift_right_logical3A_297 {strides = array<i32>} : memref<80xi32, #tpu.memory_space<vmem>>, vector<16xi32>,
        %and3A_300 = arith.constant 16383 : i32
        %and3A_301 = vector.broadcast %and3A_300 : i32 to vector<16xi32>
        %and3A_302 = arith.andi %get3A_294, %and3A_301 : vector<16xi32>
        %swap3A_303 = arith.constant 64 : index
        %swap3A_304 = tpu.vector_load %arg13[%swap3A_303] {strides = array<i32>} : memref<80xi32, #tpu.memory_space<vmem>>, vector<16xi32>,
        tpu.vector_store %arg13[%swap3A_303], %and3A_302 {strides = array<i32>} : memref<80xi32, #tpu.memory_space<vmem>>, vector<16xi32>,
        %dma_start3A_305 = arith.constant 0 : i32
        %dma_start3A_306 = arith.constant 0 : i32
        %dma_start3A_307 = tpu.memref_slice %arg2[%dma_start3A_305, %dma_start3A_306] : memref<10240x128xf32, #tpu.memory_space<hbm>> -> memref<10240x128xf32, #tpu.memory_space<hbm>>
        tpu.enqueue_indirect_dma source(%dma_start3A_307 : memref<10240x128xf32, #tpu.memory_space<hbm>>) target(%arg16 : memref<80x128xf32, #tpu.memory_space<vmem>>) offsets(%arg10 : memref<80xi32, #tpu.memory_space<vmem>>) semaphore(%arg20 : memref<!tpu.dma_semaphore, #tpu.memory_space<semaphore_mem>>)
      } else {
      }
      %mul3A_174 = arith.constant 3 : i32
      %mul3A_175 = arith.muli %scan3A_150, %mul3A_174 : i32
      %add3A_176 = arith.constant 1 : i32
      %add3A_177 = arith.addi %mul3A_175, %add3A_176 : i32
      %lt3A_178 = arith.constant 128 : i32
      %lt3A_179 = arith.cmpi slt, %add3A_177, %lt3A_178 : i32
      %convert_element_type3A_180 = arith.extui %lt3A_179 : i1 to i32
      %cond3A_181 = arith.constant 0 : i32
      %cond3A_182 = arith.cmpi ne, %convert_element_type3A_180, %cond3A_181 : i32
      scf.if %cond3A_182 {
        %dma_wait3A = arith.constant 0 : i32
        %dma_wait3A_223 = arith.constant 0 : i32
        %dma_wait3A_224 = tpu.memref_slice %arg2[%dma_wait3A, %dma_wait3A_223] : memref<10240x128xf32, #tpu.memory_space<hbm>> -> memref<80x128xf32, #tpu.memory_space<hbm>>
        %dma_wait3A_225 = arith.constant 0 : i32
        %dma_wait3A_226 = arith.constant 0 : i32
        %dma_wait3A_227 = tpu.memref_slice %arg2[%dma_wait3A_225, %dma_wait3A_226] : memref<10240x128xf32, #tpu.memory_space<hbm>> -> memref<80x128xf32, #tpu.memory_space<hbm>>
        tpu.wait_dma2 semaphore(%arg19 : memref<!tpu.dma_semaphore, #tpu.memory_space<semaphore_mem>>) src(%dma_wait3A_227 : memref<80x128xf32, #tpu.memory_space<hbm>>) dst(%arg15 : memref<80x128xf32, #tpu.memory_space<vmem>>)
        %dma_start3A_228 = arith.constant 0 : i32
        %dma_start3A_229 = arith.constant 0 : i32
        %dma_start3A_230 = tpu.memref_slice %arg17[%dma_start3A_228, %dma_start3A_229] : memref<10240x128xf32, #tpu.memory_space<vmem_shared>> -> memref<10240x128xf32, #tpu.memory_space<vmem_shared>>
        tpu.enqueue_indirect_dma source(%arg15 : memref<80x128xf32, #tpu.memory_space<vmem>>) target(%dma_start3A_230 : memref<10240x128xf32, #tpu.memory_space<vmem_shared>>) offsets(%arg12 : memref<80xi32, #tpu.memory_space<vmem>>) semaphore(%arg22 : memref<!tpu.dma_semaphore, #tpu.memory_space<semaphore_mem>>) {add = true}
      } else {
      }
      %ge3A_183 = arith.constant 1 : i32
      %ge3A_184 = arith.cmpi sge, %add3A_177, %ge3A_183 : i32
      %lt3A_185 = arith.constant 129 : i32
      %lt3A_186 = arith.cmpi slt, %add3A_177, %lt3A_185 : i32
      %and3A_187 = arith.andi %ge3A_184, %lt3A_186 : i1
      %convert_element_type3A_188 = arith.extui %and3A_187 : i1 to i32
      %cond3A_189 = arith.constant 0 : i32
      %cond3A_190 = arith.cmpi ne, %convert_element_type3A_188, %cond3A_189 : i32
      scf.if %cond3A_190 {
        %dma_wait3A = arith.constant 0 : i32
        %dma_wait3A_223 = arith.constant 0 : i32
        %dma_wait3A_224 = tpu.memref_slice %arg17[%dma_wait3A, %dma_wait3A_223] : memref<10240x128xf32, #tpu.memory_space<vmem_shared>> -> memref<80x128xf32, #tpu.memory_space<vmem_shared>>
        %dma_wait3A_225 = arith.constant 0 : i32
        %dma_wait3A_226 = arith.constant 0 : i32
        %dma_wait3A_227 = tpu.memref_slice %arg17[%dma_wait3A_225, %dma_wait3A_226] : memref<10240x128xf32, #tpu.memory_space<vmem_shared>> -> memref<80x128xf32, #tpu.memory_space<vmem_shared>>
        tpu.wait_dma2 semaphore(%arg21 : memref<!tpu.dma_semaphore, #tpu.memory_space<semaphore_mem>>) src(%arg14 : memref<80x128xf32, #tpu.memory_space<vmem>>) dst(%dma_wait3A_227 : memref<80x128xf32, #tpu.memory_space<vmem_shared>>)
      } else {
      }
      %add3A_191 = arith.constant 2 : i32
      %add3A_192 = arith.addi %add3A_177, %add3A_191 : i32
      %lt3A_193 = arith.constant 128 : i32
      %lt3A_194 = arith.cmpi slt, %add3A_192, %lt3A_193 : i32
      %convert_element_type3A_195 = arith.extui %lt3A_194 : i1 to i32
      %cond3A_196 = arith.constant 0 : i32
      %cond3A_197 = arith.cmpi ne, %convert_element_type3A_195, %cond3A_196 : i32
      scf.if %cond3A_197 {
        %add3A_223 = arith.constant 2 : i32
        %add3A_224 = arith.addi %add3A_177, %add3A_223 : i32
        %mul3A_225 = arith.constant 80 : i32
        %mul3A_226 = arith.muli %add3A_224, %mul3A_225 : i32
        %add3A_227 = arith.constant 0 : i32
        %add3A_228 = arith.addi %mul3A_226, %add3A_227 : i32
        %get3A_229 = arith.index_cast %add3A_228 : i32 to index
        %get3A_230 = tpu.vector_load %arg7[%get3A_229] {strides = array<i32>} : memref<10240xi32, #tpu.memory_space<vmem>>, vector<16xi32>,
        %shift_right_logical3A_231 = arith.constant 14 : i32
        %shift_right_logical3A_232 = vector.broadcast %shift_right_logical3A_231 : i32 to vector<16xi32>
        %shift_right_logical3A_233 = arith.shrui %get3A_230, %shift_right_logical3A_232 : vector<16xi32>
        %swap3A_234 = arith.constant 0 : index
        %swap3A_235 = tpu.vector_load %arg8[%swap3A_234] {strides = array<i32>} : memref<80xi32, #tpu.memory_space<vmem>>, vector<16xi32>,
        tpu.vector_store %arg8[%swap3A_234], %shift_right_logical3A_233 {strides = array<i32>} : memref<80xi32, #tpu.memory_space<vmem>>, vector<16xi32>,
        %and3A_236 = arith.constant 16383 : i32
        %and3A_237 = vector.broadcast %and3A_236 : i32 to vector<16xi32>
        %and3A_238 = arith.andi %get3A_230, %and3A_237 : vector<16xi32>
        %swap3A_239 = arith.constant 0 : index
        %swap3A_240 = tpu.vector_load %arg11[%swap3A_239] {strides = array<i32>} : memref<80xi32, #tpu.memory_space<vmem>>, vector<16xi32>,
        tpu.vector_store %arg11[%swap3A_239], %and3A_238 {strides = array<i32>} : memref<80xi32, #tpu.memory_space<vmem>>, vector<16xi32>,
        %mul3A_241 = arith.constant 80 : i32
        %mul3A_242 = arith.muli %add3A_224, %mul3A_241 : i32
        %add3A_243 = arith.constant 16 : i32
        %add3A_244 = arith.addi %mul3A_242, %add3A_243 : i32
        %get3A_245 = arith.index_cast %add3A_244 : i32 to index
        %get3A_246 = tpu.vector_load %arg7[%get3A_245] {strides = array<i32>} : memref<10240xi32, #tpu.memory_space<vmem>>, vector<16xi32>,
        %shift_right_logical3A_247 = arith.constant 14 : i32
        %shift_right_logical3A_248 = vector.broadcast %shift_right_logical3A_247 : i32 to vector<16xi32>
        %shift_right_logical3A_249 = arith.shrui %get3A_246, %shift_right_logical3A_248 : vector<16xi32>
        %swap3A_250 = arith.constant 16 : index
        %swap3A_251 = tpu.vector_load %arg8[%swap3A_250] {strides = array<i32>} : memref<80xi32, #tpu.memory_space<vmem>>, vector<16xi32>,
        tpu.vector_store %arg8[%swap3A_250], %shift_right_logical3A_249 {strides = array<i32>} : memref<80xi32, #tpu.memory_space<vmem>>, vector<16xi32>,
        %and3A_252 = arith.constant 16383 : i32
        %and3A_253 = vector.broadcast %and3A_252 : i32 to vector<16xi32>
        %and3A_254 = arith.andi %get3A_246, %and3A_253 : vector<16xi32>
        %swap3A_255 = arith.constant 16 : index
        %swap3A_256 = tpu.vector_load %arg11[%swap3A_255] {strides = array<i32>} : memref<80xi32, #tpu.memory_space<vmem>>, vector<16xi32>,
        tpu.vector_store %arg11[%swap3A_255], %and3A_254 {strides = array<i32>} : memref<80xi32, #tpu.memory_space<vmem>>, vector<16xi32>,
        %mul3A_257 = arith.constant 80 : i32
        %mul3A_258 = arith.muli %add3A_224, %mul3A_257 : i32
        %add3A_259 = arith.constant 32 : i32
        %add3A_260 = arith.addi %mul3A_258, %add3A_259 : i32
        %get3A_261 = arith.index_cast %add3A_260 : i32 to index
        %get3A_262 = tpu.vector_load %arg7[%get3A_261] {strides = array<i32>} : memref<10240xi32, #tpu.memory_space<vmem>>, vector<16xi32>,
        %shift_right_logical3A_263 = arith.constant 14 : i32
        %shift_right_logical3A_264 = vector.broadcast %shift_right_logical3A_263 : i32 to vector<16xi32>
        %shift_right_logical3A_265 = arith.shrui %get3A_262, %shift_right_logical3A_264 : vector<16xi32>
        %swap3A_266 = arith.constant 32 : index
        %swap3A_267 = tpu.vector_load %arg8[%swap3A_266] {strides = array<i32>} : memref<80xi32, #tpu.memory_space<vmem>>, vector<16xi32>,
        tpu.vector_store %arg8[%swap3A_266], %shift_right_logical3A_265 {strides = array<i32>} : memref<80xi32, #tpu.memory_space<vmem>>, vector<16xi32>,
        %and3A_268 = arith.constant 16383 : i32
        %and3A_269 = vector.broadcast %and3A_268 : i32 to vector<16xi32>
        %and3A_270 = arith.andi %get3A_262, %and3A_269 : vector<16xi32>
        %swap3A_271 = arith.constant 32 : index
        %swap3A_272 = tpu.vector_load %arg11[%swap3A_271] {strides = array<i32>} : memref<80xi32, #tpu.memory_space<vmem>>, vector<16xi32>,
        tpu.vector_store %arg11[%swap3A_271], %and3A_270 {strides = array<i32>} : memref<80xi32, #tpu.memory_space<vmem>>, vector<16xi32>,
        %mul3A_273 = arith.constant 80 : i32
        %mul3A_274 = arith.muli %add3A_224, %mul3A_273 : i32
        %add3A_275 = arith.constant 48 : i32
        %add3A_276 = arith.addi %mul3A_274, %add3A_275 : i32
        %get3A_277 = arith.index_cast %add3A_276 : i32 to index
        %get3A_278 = tpu.vector_load %arg7[%get3A_277] {strides = array<i32>} : memref<10240xi32, #tpu.memory_space<vmem>>, vector<16xi32>,
        %shift_right_logical3A_279 = arith.constant 14 : i32
        %shift_right_logical3A_280 = vector.broadcast %shift_right_logical3A_279 : i32 to vector<16xi32>
        %shift_right_logical3A_281 = arith.shrui %get3A_278, %shift_right_logical3A_280 : vector<16xi32>
        %swap3A_282 = arith.constant 48 : index
        %swap3A_283 = tpu.vector_load %arg8[%swap3A_282] {strides = array<i32>} : memref<80xi32, #tpu.memory_space<vmem>>, vector<16xi32>,
        tpu.vector_store %arg8[%swap3A_282], %shift_right_logical3A_281 {strides = array<i32>} : memref<80xi32, #tpu.memory_space<vmem>>, vector<16xi32>,
        %and3A_284 = arith.constant 16383 : i32
        %and3A_285 = vector.broadcast %and3A_284 : i32 to vector<16xi32>
        %and3A_286 = arith.andi %get3A_278, %and3A_285 : vector<16xi32>
        %swap3A_287 = arith.constant 48 : index
        %swap3A_288 = tpu.vector_load %arg11[%swap3A_287] {strides = array<i32>} : memref<80xi32, #tpu.memory_space<vmem>>, vector<16xi32>,
        tpu.vector_store %arg11[%swap3A_287], %and3A_286 {strides = array<i32>} : memref<80xi32, #tpu.memory_space<vmem>>, vector<16xi32>,
        %mul3A_289 = arith.constant 80 : i32
        %mul3A_290 = arith.muli %add3A_224, %mul3A_289 : i32
        %add3A_291 = arith.constant 64 : i32
        %add3A_292 = arith.addi %mul3A_290, %add3A_291 : i32
        %get3A_293 = arith.index_cast %add3A_292 : i32 to index
        %get3A_294 = tpu.vector_load %arg7[%get3A_293] {strides = array<i32>} : memref<10240xi32, #tpu.memory_space<vmem>>, vector<16xi32>,
        %shift_right_logical3A_295 = arith.constant 14 : i32
        %shift_right_logical3A_296 = vector.broadcast %shift_right_logical3A_295 : i32 to vector<16xi32>
        %shift_right_logical3A_297 = arith.shrui %get3A_294, %shift_right_logical3A_296 : vector<16xi32>
        %swap3A_298 = arith.constant 64 : index
        %swap3A_299 = tpu.vector_load %arg8[%swap3A_298] {strides = array<i32>} : memref<80xi32, #tpu.memory_space<vmem>>, vector<16xi32>,
        tpu.vector_store %arg8[%swap3A_298], %shift_right_logical3A_297 {strides = array<i32>} : memref<80xi32, #tpu.memory_space<vmem>>, vector<16xi32>,
        %and3A_300 = arith.constant 16383 : i32
        %and3A_301 = vector.broadcast %and3A_300 : i32 to vector<16xi32>
        %and3A_302 = arith.andi %get3A_294, %and3A_301 : vector<16xi32>
        %swap3A_303 = arith.constant 64 : index
        %swap3A_304 = tpu.vector_load %arg11[%swap3A_303] {strides = array<i32>} : memref<80xi32, #tpu.memory_space<vmem>>, vector<16xi32>,
        tpu.vector_store %arg11[%swap3A_303], %and3A_302 {strides = array<i32>} : memref<80xi32, #tpu.memory_space<vmem>>, vector<16xi32>,
        %dma_start3A_305 = arith.constant 0 : i32
        %dma_start3A_306 = arith.constant 0 : i32
        %dma_start3A_307 = tpu.memref_slice %arg2[%dma_start3A_305, %dma_start3A_306] : memref<10240x128xf32, #tpu.memory_space<hbm>> -> memref<10240x128xf32, #tpu.memory_space<hbm>>
        tpu.enqueue_indirect_dma source(%dma_start3A_307 : memref<10240x128xf32, #tpu.memory_space<hbm>>) target(%arg14 : memref<80x128xf32, #tpu.memory_space<vmem>>) offsets(%arg8 : memref<80xi32, #tpu.memory_space<vmem>>) semaphore(%arg18 : memref<!tpu.dma_semaphore, #tpu.memory_space<semaphore_mem>>)
      } else {
      }
      %mul3A_198 = arith.constant 3 : i32
      %mul3A_199 = arith.muli %scan3A_150, %mul3A_198 : i32
      %add3A_200 = arith.constant 2 : i32
      %add3A_201 = arith.addi %mul3A_199, %add3A_200 : i32
      %lt3A_202 = arith.constant 128 : i32
      %lt3A_203 = arith.cmpi slt, %add3A_201, %lt3A_202 : i32
      %convert_element_type3A_204 = arith.extui %lt3A_203 : i1 to i32
      %cond3A_205 = arith.constant 0 : i32
      %cond3A_206 = arith.cmpi ne, %convert_element_type3A_204, %cond3A_205 : i32
      scf.if %cond3A_206 {
        %dma_wait3A = arith.constant 0 : i32
        %dma_wait3A_223 = arith.constant 0 : i32
        %dma_wait3A_224 = tpu.memref_slice %arg2[%dma_wait3A, %dma_wait3A_223] : memref<10240x128xf32, #tpu.memory_space<hbm>> -> memref<80x128xf32, #tpu.memory_space<hbm>>
        %dma_wait3A_225 = arith.constant 0 : i32
        %dma_wait3A_226 = arith.constant 0 : i32
        %dma_wait3A_227 = tpu.memref_slice %arg2[%dma_wait3A_225, %dma_wait3A_226] : memref<10240x128xf32, #tpu.memory_space<hbm>> -> memref<80x128xf32, #tpu.memory_space<hbm>>
        tpu.wait_dma2 semaphore(%arg20 : memref<!tpu.dma_semaphore, #tpu.memory_space<semaphore_mem>>) src(%dma_wait3A_227 : memref<80x128xf32, #tpu.memory_space<hbm>>) dst(%arg16 : memref<80x128xf32, #tpu.memory_space<vmem>>)
        %dma_start3A_228 = arith.constant 0 : i32
        %dma_start3A_229 = arith.constant 0 : i32
        %dma_start3A_230 = tpu.memref_slice %arg17[%dma_start3A_228, %dma_start3A_229] : memref<10240x128xf32, #tpu.memory_space<vmem_shared>> -> memref<10240x128xf32, #tpu.memory_space<vmem_shared>>
        tpu.enqueue_indirect_dma source(%arg16 : memref<80x128xf32, #tpu.memory_space<vmem>>) target(%dma_start3A_230 : memref<10240x128xf32, #tpu.memory_space<vmem_shared>>) offsets(%arg13 : memref<80xi32, #tpu.memory_space<vmem>>) semaphore(%arg23 : memref<!tpu.dma_semaphore, #tpu.memory_space<semaphore_mem>>) {add = true}
      } else {
      }
      %ge3A_207 = arith.constant 1 : i32
      %ge3A_208 = arith.cmpi sge, %add3A_201, %ge3A_207 : i32
      %lt3A_209 = arith.constant 129 : i32
      %lt3A_210 = arith.cmpi slt, %add3A_201, %lt3A_209 : i32
      %and3A_211 = arith.andi %ge3A_208, %lt3A_210 : i1
      %convert_element_type3A_212 = arith.extui %and3A_211 : i1 to i32
      %cond3A_213 = arith.constant 0 : i32
      %cond3A_214 = arith.cmpi ne, %convert_element_type3A_212, %cond3A_213 : i32
      scf.if %cond3A_214 {
        %dma_wait3A = arith.constant 0 : i32
        %dma_wait3A_223 = arith.constant 0 : i32
        %dma_wait3A_224 = tpu.memref_slice %arg17[%dma_wait3A, %dma_wait3A_223] : memref<10240x128xf32, #tpu.memory_space<vmem_shared>> -> memref<80x128xf32, #tpu.memory_space<vmem_shared>>
        %dma_wait3A_225 = arith.constant 0 : i32
        %dma_wait3A_226 = arith.constant 0 : i32
        %dma_wait3A_227 = tpu.memref_slice %arg17[%dma_wait3A_225, %dma_wait3A_226] : memref<10240x128xf32, #tpu.memory_space<vmem_shared>> -> memref<80x128xf32, #tpu.memory_space<vmem_shared>>
        tpu.wait_dma2 semaphore(%arg22 : memref<!tpu.dma_semaphore, #tpu.memory_space<semaphore_mem>>) src(%arg15 : memref<80x128xf32, #tpu.memory_space<vmem>>) dst(%dma_wait3A_227 : memref<80x128xf32, #tpu.memory_space<vmem_shared>>)
      } else {
      }
      %add3A_215 = arith.constant 2 : i32
      %add3A_216 = arith.addi %add3A_201, %add3A_215 : i32
      %lt3A_217 = arith.constant 128 : i32
      %lt3A_218 = arith.cmpi slt, %add3A_216, %lt3A_217 : i32
      %convert_element_type3A_219 = arith.extui %lt3A_218 : i1 to i32
      %cond3A_220 = arith.constant 0 : i32
      %cond3A_221 = arith.cmpi ne, %convert_element_type3A_219, %cond3A_220 : i32
      scf.if %cond3A_221 {
        %add3A_223 = arith.constant 2 : i32
        %add3A_224 = arith.addi %add3A_201, %add3A_223 : i32
        %mul3A_225 = arith.constant 80 : i32
        %mul3A_226 = arith.muli %add3A_224, %mul3A_225 : i32
        %add3A_227 = arith.constant 0 : i32
        %add3A_228 = arith.addi %mul3A_226, %add3A_227 : i32
        %get3A_229 = arith.index_cast %add3A_228 : i32 to index
        %get3A_230 = tpu.vector_load %arg7[%get3A_229] {strides = array<i32>} : memref<10240xi32, #tpu.memory_space<vmem>>, vector<16xi32>,
        %shift_right_logical3A_231 = arith.constant 14 : i32
        %shift_right_logical3A_232 = vector.broadcast %shift_right_logical3A_231 : i32 to vector<16xi32>
        %shift_right_logical3A_233 = arith.shrui %get3A_230, %shift_right_logical3A_232 : vector<16xi32>
        %swap3A_234 = arith.constant 0 : index
        %swap3A_235 = tpu.vector_load %arg9[%swap3A_234] {strides = array<i32>} : memref<80xi32, #tpu.memory_space<vmem>>, vector<16xi32>,
        tpu.vector_store %arg9[%swap3A_234], %shift_right_logical3A_233 {strides = array<i32>} : memref<80xi32, #tpu.memory_space<vmem>>, vector<16xi32>,
        %and3A_236 = arith.constant 16383 : i32
        %and3A_237 = vector.broadcast %and3A_236 : i32 to vector<16xi32>
        %and3A_238 = arith.andi %get3A_230, %and3A_237 : vector<16xi32>
        %swap3A_239 = arith.constant 0 : index
        %swap3A_240 = tpu.vector_load %arg12[%swap3A_239] {strides = array<i32>} : memref<80xi32, #tpu.memory_space<vmem>>, vector<16xi32>,
        tpu.vector_store %arg12[%swap3A_239], %and3A_238 {strides = array<i32>} : memref<80xi32, #tpu.memory_space<vmem>>, vector<16xi32>,
        %mul3A_241 = arith.constant 80 : i32
        %mul3A_242 = arith.muli %add3A_224, %mul3A_241 : i32
        %add3A_243 = arith.constant 16 : i32
        %add3A_244 = arith.addi %mul3A_242, %add3A_243 : i32
        %get3A_245 = arith.index_cast %add3A_244 : i32 to index
        %get3A_246 = tpu.vector_load %arg7[%get3A_245] {strides = array<i32>} : memref<10240xi32, #tpu.memory_space<vmem>>, vector<16xi32>,
        %shift_right_logical3A_247 = arith.constant 14 : i32
        %shift_right_logical3A_248 = vector.broadcast %shift_right_logical3A_247 : i32 to vector<16xi32>
        %shift_right_logical3A_249 = arith.shrui %get3A_246, %shift_right_logical3A_248 : vector<16xi32>
        %swap3A_250 = arith.constant 16 : index
        %swap3A_251 = tpu.vector_load %arg9[%swap3A_250] {strides = array<i32>} : memref<80xi32, #tpu.memory_space<vmem>>, vector<16xi32>,
        tpu.vector_store %arg9[%swap3A_250], %shift_right_logical3A_249 {strides = array<i32>} : memref<80xi32, #tpu.memory_space<vmem>>, vector<16xi32>,
        %and3A_252 = arith.constant 16383 : i32
        %and3A_253 = vector.broadcast %and3A_252 : i32 to vector<16xi32>
        %and3A_254 = arith.andi %get3A_246, %and3A_253 : vector<16xi32>
        %swap3A_255 = arith.constant 16 : index
        %swap3A_256 = tpu.vector_load %arg12[%swap3A_255] {strides = array<i32>} : memref<80xi32, #tpu.memory_space<vmem>>, vector<16xi32>,
        tpu.vector_store %arg12[%swap3A_255], %and3A_254 {strides = array<i32>} : memref<80xi32, #tpu.memory_space<vmem>>, vector<16xi32>,
        %mul3A_257 = arith.constant 80 : i32
        %mul3A_258 = arith.muli %add3A_224, %mul3A_257 : i32
        %add3A_259 = arith.constant 32 : i32
        %add3A_260 = arith.addi %mul3A_258, %add3A_259 : i32
        %get3A_261 = arith.index_cast %add3A_260 : i32 to index
        %get3A_262 = tpu.vector_load %arg7[%get3A_261] {strides = array<i32>} : memref<10240xi32, #tpu.memory_space<vmem>>, vector<16xi32>,
        %shift_right_logical3A_263 = arith.constant 14 : i32
        %shift_right_logical3A_264 = vector.broadcast %shift_right_logical3A_263 : i32 to vector<16xi32>
        %shift_right_logical3A_265 = arith.shrui %get3A_262, %shift_right_logical3A_264 : vector<16xi32>
        %swap3A_266 = arith.constant 32 : index
        %swap3A_267 = tpu.vector_load %arg9[%swap3A_266] {strides = array<i32>} : memref<80xi32, #tpu.memory_space<vmem>>, vector<16xi32>,
        tpu.vector_store %arg9[%swap3A_266], %shift_right_logical3A_265 {strides = array<i32>} : memref<80xi32, #tpu.memory_space<vmem>>, vector<16xi32>,
        %and3A_268 = arith.constant 16383 : i32
        %and3A_269 = vector.broadcast %and3A_268 : i32 to vector<16xi32>
        %and3A_270 = arith.andi %get3A_262, %and3A_269 : vector<16xi32>
        %swap3A_271 = arith.constant 32 : index
        %swap3A_272 = tpu.vector_load %arg12[%swap3A_271] {strides = array<i32>} : memref<80xi32, #tpu.memory_space<vmem>>, vector<16xi32>,
        tpu.vector_store %arg12[%swap3A_271], %and3A_270 {strides = array<i32>} : memref<80xi32, #tpu.memory_space<vmem>>, vector<16xi32>,
        %mul3A_273 = arith.constant 80 : i32
        %mul3A_274 = arith.muli %add3A_224, %mul3A_273 : i32
        %add3A_275 = arith.constant 48 : i32
        %add3A_276 = arith.addi %mul3A_274, %add3A_275 : i32
        %get3A_277 = arith.index_cast %add3A_276 : i32 to index
        %get3A_278 = tpu.vector_load %arg7[%get3A_277] {strides = array<i32>} : memref<10240xi32, #tpu.memory_space<vmem>>, vector<16xi32>,
        %shift_right_logical3A_279 = arith.constant 14 : i32
        %shift_right_logical3A_280 = vector.broadcast %shift_right_logical3A_279 : i32 to vector<16xi32>
        %shift_right_logical3A_281 = arith.shrui %get3A_278, %shift_right_logical3A_280 : vector<16xi32>
        %swap3A_282 = arith.constant 48 : index
        %swap3A_283 = tpu.vector_load %arg9[%swap3A_282] {strides = array<i32>} : memref<80xi32, #tpu.memory_space<vmem>>, vector<16xi32>,
        tpu.vector_store %arg9[%swap3A_282], %shift_right_logical3A_281 {strides = array<i32>} : memref<80xi32, #tpu.memory_space<vmem>>, vector<16xi32>,
        %and3A_284 = arith.constant 16383 : i32
        %and3A_285 = vector.broadcast %and3A_284 : i32 to vector<16xi32>
        %and3A_286 = arith.andi %get3A_278, %and3A_285 : vector<16xi32>
        %swap3A_287 = arith.constant 48 : index
        %swap3A_288 = tpu.vector_load %arg12[%swap3A_287] {strides = array<i32>} : memref<80xi32, #tpu.memory_space<vmem>>, vector<16xi32>,
        tpu.vector_store %arg12[%swap3A_287], %and3A_286 {strides = array<i32>} : memref<80xi32, #tpu.memory_space<vmem>>, vector<16xi32>,
        %mul3A_289 = arith.constant 80 : i32
        %mul3A_290 = arith.muli %add3A_224, %mul3A_289 : i32
        %add3A_291 = arith.constant 64 : i32
        %add3A_292 = arith.addi %mul3A_290, %add3A_291 : i32
        %get3A_293 = arith.index_cast %add3A_292 : i32 to index
        %get3A_294 = tpu.vector_load %arg7[%get3A_293] {strides = array<i32>} : memref<10240xi32, #tpu.memory_space<vmem>>, vector<16xi32>,
        %shift_right_logical3A_295 = arith.constant 14 : i32
        %shift_right_logical3A_296 = vector.broadcast %shift_right_logical3A_295 : i32 to vector<16xi32>
        %shift_right_logical3A_297 = arith.shrui %get3A_294, %shift_right_logical3A_296 : vector<16xi32>
        %swap3A_298 = arith.constant 64 : index
        %swap3A_299 = tpu.vector_load %arg9[%swap3A_298] {strides = array<i32>} : memref<80xi32, #tpu.memory_space<vmem>>, vector<16xi32>,
        tpu.vector_store %arg9[%swap3A_298], %shift_right_logical3A_297 {strides = array<i32>} : memref<80xi32, #tpu.memory_space<vmem>>, vector<16xi32>,
        %and3A_300 = arith.constant 16383 : i32
        %and3A_301 = vector.broadcast %and3A_300 : i32 to vector<16xi32>
        %and3A_302 = arith.andi %get3A_294, %and3A_301 : vector<16xi32>
        %swap3A_303 = arith.constant 64 : index
        %swap3A_304 = tpu.vector_load %arg12[%swap3A_303] {strides = array<i32>} : memref<80xi32, #tpu.memory_space<vmem>>, vector<16xi32>,
        tpu.vector_store %arg12[%swap3A_303], %and3A_302 {strides = array<i32>} : memref<80xi32, #tpu.memory_space<vmem>>, vector<16xi32>,
        %dma_start3A_305 = arith.constant 0 : i32
        %dma_start3A_306 = arith.constant 0 : i32
        %dma_start3A_307 = tpu.memref_slice %arg2[%dma_start3A_305, %dma_start3A_306] : memref<10240x128xf32, #tpu.memory_space<hbm>> -> memref<10240x128xf32, #tpu.memory_space<hbm>>
        tpu.enqueue_indirect_dma source(%dma_start3A_307 : memref<10240x128xf32, #tpu.memory_space<hbm>>) target(%arg15 : memref<80x128xf32, #tpu.memory_space<vmem>>) offsets(%arg9 : memref<80xi32, #tpu.memory_space<vmem>>) semaphore(%arg19 : memref<!tpu.dma_semaphore, #tpu.memory_space<semaphore_mem>>)
      } else {
      }
      %scan3A_222 = arith.constant 0 : i32
      scf.yield %scan3A_222 : i32
    }
    %scan3A_138 = arith.constant 43 : i32
    %barrier3A_139 = arith.constant 0 : index
    tpu.barrier barrier_id(%barrier3A_139)
    %eq3A_140 = arith.constant 0 : i32
    %eq3A_141 = arith.cmpi eq, %arg0, %eq3A_140 : i32
    %convert_element_type3A_142 = arith.extui %eq3A_141 : i1 to i32
    %cond3A_143 = arith.constant 0 : i32
    %cond3A_144 = arith.cmpi ne, %convert_element_type3A_142, %cond3A_143 : i32
    scf.if %cond3A_144 {
      "tpu.region"() ({
        %run_scoped3A = tpu.sem_alloc : memref<!tpu.dma_semaphore, #tpu.memory_space<semaphore_mem>>
        %dma_start3A_150 = arith.constant 0 : i32
        %dma_start3A_151 = tpu.memref_slice %arg5[%mul3A_4, %dma_start3A_150] : memref<10240x128xf32, #tpu.memory_space<hbm>> -> memref<640x128xf32, #tpu.memory_space<hbm>>
        %dma_start3A_152 = arith.constant 0 : i32
        %dma_start3A_153 = tpu.memref_slice %arg17[%mul3A_4, %dma_start3A_152] : memref<10240x128xf32, #tpu.memory_space<vmem_shared>> -> memref<640x128xf32, #tpu.memory_space<vmem_shared>>
        tpu.enqueue_dma source(%dma_start3A_153 : memref<640x128xf32, #tpu.memory_space<vmem_shared>>) target(%dma_start3A_151 : memref<640x128xf32, #tpu.memory_space<hbm>>) target_semaphore(%run_scoped3A : memref<!tpu.dma_semaphore, #tpu.memory_space<semaphore_mem>>)
        %dma_wait3A = arith.constant 0 : i32
        %dma_wait3A_154 = tpu.memref_slice %arg5[%mul3A_4, %dma_wait3A] : memref<10240x128xf32, #tpu.memory_space<hbm>> -> memref<640x128xf32, #tpu.memory_space<hbm>>
        %dma_wait3A_155 = arith.constant 0 : i32
        %dma_wait3A_156 = tpu.memref_slice %arg17[%mul3A_4, %dma_wait3A_155] : memref<10240x128xf32, #tpu.memory_space<vmem_shared>> -> memref<640x128xf32, #tpu.memory_space<vmem_shared>>
        tpu.wait_dma2 semaphore(%run_scoped3A : memref<!tpu.dma_semaphore, #tpu.memory_space<semaphore_mem>>) src(%dma_wait3A_156 : memref<640x128xf32, #tpu.memory_space<vmem_shared>>) dst(%dma_wait3A_154 : memref<640x128xf32, #tpu.memory_space<hbm>>)
        tpu.yield
      }) : () -> ()
    } else {
    }
    %eq3A_145 = arith.constant 1 : i32
    %eq3A_146 = arith.cmpi eq, %arg0, %eq3A_145 : i32
    %convert_element_type3A_147 = arith.extui %eq3A_146 : i1 to i32
    %cond3A_148 = arith.constant 0 : i32
    %cond3A_149 = arith.cmpi ne, %convert_element_type3A_147, %cond3A_148 : i32
    scf.if %cond3A_149 {
      "tpu.region"() ({
        %run_scoped3A = tpu.sem_alloc : memref<!tpu.dma_semaphore, #tpu.memory_space<semaphore_mem>>
        %dma_start3A_150 = arith.constant 0 : i32
        %dma_start3A_151 = tpu.memref_slice %arg6[%mul3A_4, %dma_start3A_150] : memref<10240x128xf32, #tpu.memory_space<hbm>> -> memref<640x128xf32, #tpu.memory_space<hbm>>
        %dma_start3A_152 = arith.constant 0 : i32
        %dma_start3A_153 = tpu.memref_slice %arg17[%mul3A_4, %dma_start3A_152] : memref<10240x128xf32, #tpu.memory_space<vmem_shared>> -> memref<640x128xf32, #tpu.memory_space<vmem_shared>>
        tpu.enqueue_dma source(%dma_start3A_153 : memref<640x128xf32, #tpu.memory_space<vmem_shared>>) target(%dma_start3A_151 : memref<640x128xf32, #tpu.memory_space<hbm>>) target_semaphore(%run_scoped3A : memref<!tpu.dma_semaphore, #tpu.memory_space<semaphore_mem>>)
        %dma_wait3A = arith.constant 0 : i32
        %dma_wait3A_154 = tpu.memref_slice %arg6[%mul3A_4, %dma_wait3A] : memref<10240x128xf32, #tpu.memory_space<hbm>> -> memref<640x128xf32, #tpu.memory_space<hbm>>
        %dma_wait3A_155 = arith.constant 0 : i32
        %dma_wait3A_156 = tpu.memref_slice %arg17[%mul3A_4, %dma_wait3A_155] : memref<10240x128xf32, #tpu.memory_space<vmem_shared>> -> memref<640x128xf32, #tpu.memory_space<vmem_shared>>
        tpu.wait_dma2 semaphore(%run_scoped3A : memref<!tpu.dma_semaphore, #tpu.memory_space<semaphore_mem>>) src(%dma_wait3A_156 : memref<640x128xf32, #tpu.memory_space<vmem_shared>>) dst(%dma_wait3A_154 : memref<640x128xf32, #tpu.memory_space<hbm>>)
        tpu.yield
      }) : () -> ()
    } else {
    }
    return
  }
}

module attributes {stable_mosaic.version = 14 : i64} {
  func.func @_degsum_body(%arg0: i32, %arg1: memref<32x10240xf32, #tpu.memory_space<vmem>>, %arg2: memref<1x10240xf32, #tpu.memory_space<vmem>>) attributes {dimension_semantics = [#tpu.dimension_semantics<arbitrary>], iteration_bounds = array<i64: 1>, scalar_prefetch = 0 : i64, scratch_operands = 0 : i64, tpu.core_type = #tpu.core_type<tc>, window_params = [{pipeline_mode = #tpu.pipeline_mode<synchronous>, transform_indices = @transform_0, window_bounds = array<i64: 32, 10240>}, {pipeline_mode = #tpu.pipeline_mode<synchronous>, transform_indices = @transform_1, window_bounds = array<i64: 1, 10240>}]} {
    %get3A = arith.constant 0 : index
    %get3A_0 = arith.constant 0 : index
    %get3A_1 = vector.load %arg1[%get3A, %get3A_0] : memref<32x10240xf32, #tpu.memory_space<vmem>>, vector<32x10240xf32>
    %reduce_sum3A = arith.constant dense<0.000000e+00> : vector<10240xf32>
    %reduce_sum3A_2 = vector.multi_reduction <add>, %get3A_1, %reduce_sum3A [0] : vector<32x10240xf32> to vector<10240xf32>
    %broadcast_in_dim3A = vector.shape_cast %reduce_sum3A_2 : vector<10240xf32> to vector<1x10240xf32>
    %add3A = arith.constant 1.000000e+00 : f32
    %add3A_3 = vector.broadcast %add3A : f32 to vector<1x10240xf32>
    %add3A_4 = arith.addf %broadcast_in_dim3A, %add3A_3 : vector<1x10240xf32>
    %rsqrt3A = math.rsqrt %add3A_4 : vector<1x10240xf32>
    %swap3A = arith.constant 0 : index
    %swap3A_5 = arith.constant 0 : index
    %swap3A_6 = vector.load %arg2[%swap3A, %swap3A_5] : memref<1x10240xf32, #tpu.memory_space<vmem>>, vector<1x10240xf32>
    tpu.vector_store %arg2[%swap3A, %swap3A_5], %rsqrt3A {strides = array<i32>} : memref<1x10240xf32, #tpu.memory_space<vmem>>, vector<1x10240xf32>,
    return
  }
  func.func @transform_0(%arg0: i32) -> (i32, i32) {
    %c0_i32 = arith.constant 0 : i32
    %c0_i32_0 = arith.constant 0 : i32
    %c0_i32_1 = arith.constant 0 : i32
    return %c0_i32, %c0_i32_0 : i32, i32
  }
  func.func @transform_1(%arg0: i32) -> (i32, i32) {
    %c0_i32 = arith.constant 0 : i32
    %c0_i32_0 = arith.constant 0 : i32
    %c0_i32_1 = arith.constant 0 : i32
    return %c0_i32, %c0_i32_0 : i32, i32
  }
}

module attributes {stable_mosaic.version = 14 : i64} {
  func.func @_prologue_body(%arg0: i32, %arg1: memref<1024x128xf32, #tpu.memory_space<vmem>>, %arg2: memref<128x128xf32, #tpu.memory_space<vmem>>, %arg3: memref<1024x1xf32, #tpu.memory_space<vmem>>, %arg4: memref<1024x128xf32, #tpu.memory_space<vmem>>) attributes {dimension_semantics = [#tpu.dimension_semantics<arbitrary>], iteration_bounds = array<i64: 10>, scalar_prefetch = 0 : i64, scratch_operands = 0 : i64, tpu.core_type = #tpu.core_type<tc>, window_params = [{transform_indices = @transform_0, window_bounds = array<i64: 1024, 128>}, {pipeline_mode = #tpu.pipeline_mode<synchronous>, transform_indices = @transform_1, window_bounds = array<i64: 128, 128>}, {transform_indices = @transform_2, window_bounds = array<i64: 1024, 1>}, {transform_indices = @transform_3, window_bounds = array<i64: 1024, 128>}]} {
    %get3A = arith.constant 0 : index
    %get3A_0 = arith.constant 0 : index
    %get3A_1 = vector.load %arg1[%get3A, %get3A_0] : memref<1024x128xf32, #tpu.memory_space<vmem>>, vector<1024x128xf32>
    %get3A_2 = arith.constant 0 : index
    %get3A_3 = arith.constant 0 : index
    %get3A_4 = vector.load %arg2[%get3A_2, %get3A_3] : memref<128x128xf32, #tpu.memory_space<vmem>>, vector<128x128xf32>
    %dot_general3A = arith.constant dense<0.000000e+00> : vector<1024x128xf32>
    %dot_general3A_5 = tpu.matmul %get3A_1, %get3A_4, %dot_general3A {dimension_numbers = #tpu.dot_dimension_numbers<[1], [0], [0], [1], [0, 0, 1, 1], [], []>, precision = #tpu.contract_precision<fp32>, transpose_lhs_hint = false} : vector<1024x128xf32>, vector<128x128xf32>, vector<1024x128xf32> -> vector<1024x128xf32>
    %get3A_6 = arith.constant 0 : index
    %get3A_7 = arith.constant 0 : index
    %get3A_8 = vector.load %arg3[%get3A_6, %get3A_7] : memref<1024x1xf32, #tpu.memory_space<vmem>>, vector<1024x1xf32>
    %mul3A = vector.broadcast %get3A_8 : vector<1024x1xf32> to vector<1024x128xf32>
    %mul3A_9 = arith.mulf %dot_general3A_5, %mul3A : vector<1024x128xf32>
    %swap3A = arith.constant 0 : index
    %swap3A_10 = arith.constant 0 : index
    %swap3A_11 = vector.load %arg4[%swap3A, %swap3A_10] : memref<1024x128xf32, #tpu.memory_space<vmem>>, vector<1024x128xf32>
    tpu.vector_store %arg4[%swap3A, %swap3A_10], %mul3A_9 {strides = array<i32>} : memref<1024x128xf32, #tpu.memory_space<vmem>>, vector<1024x128xf32>,
    return
  }
  func.func @transform_0(%arg0: i32) -> (i32, i32) {
    %c0_i32 = arith.constant 0 : i32
    %c0_i32_0 = arith.constant 0 : i32
    return %arg0, %c0_i32 : i32, i32
  }
  func.func @transform_1(%arg0: i32) -> (i32, i32) {
    %c0_i32 = arith.constant 0 : i32
    %c0_i32_0 = arith.constant 0 : i32
    %c0_i32_1 = arith.constant 0 : i32
    return %c0_i32, %c0_i32_0 : i32, i32
  }
  func.func @transform_2(%arg0: i32) -> (i32, i32) {
    %c0_i32 = arith.constant 0 : i32
    %c0_i32_0 = arith.constant 0 : i32
    return %arg0, %c0_i32 : i32, i32
  }
  func.func @transform_3(%arg0: i32) -> (i32, i32) {
    %c0_i32 = arith.constant 0 : i32
    %c0_i32_0 = arith.constant 0 : i32
    return %arg0, %c0_i32 : i32, i32
  }
}

module attributes {stable_mosaic.version = 14 : i64} {
  func.func @_combine_body(%arg0: i32, %arg1: memref<1024x128xf32, #tpu.memory_space<vmem>>, %arg2: memref<1024x128xf32, #tpu.memory_space<vmem>>, %arg3: memref<1024x1xf32, #tpu.memory_space<vmem>>, %arg4: memref<1x128xf32, #tpu.memory_space<vmem>>, %arg5: memref<128x128xf32, #tpu.memory_space<vmem>>, %arg6: memref<1024x128xf32, #tpu.memory_space<vmem>>) attributes {dimension_semantics = [#tpu.dimension_semantics<arbitrary>], iteration_bounds = array<i64: 10>, scalar_prefetch = 0 : i64, scratch_operands = 0 : i64, tpu.core_type = #tpu.core_type<tc>, window_params = [{transform_indices = @transform_0, window_bounds = array<i64: 1024, 128>}, {transform_indices = @transform_1, window_bounds = array<i64: 1024, 128>}, {transform_indices = @transform_2, window_bounds = array<i64: 1024, 1>}, {pipeline_mode = #tpu.pipeline_mode<synchronous>, transform_indices = @transform_3, window_bounds = array<i64: 1, 128>}, {pipeline_mode = #tpu.pipeline_mode<synchronous>, transform_indices = @transform_4, window_bounds = array<i64: 128, 128>}, {transform_indices = @transform_5, window_bounds = array<i64: 1024, 128>}]} {
    %get3A = arith.constant 0 : index
    %get3A_0 = arith.constant 0 : index
    %get3A_1 = vector.load %arg3[%get3A, %get3A_0] : memref<1024x1xf32, #tpu.memory_space<vmem>>, vector<1024x1xf32>
    %get3A_2 = arith.constant 0 : index
    %get3A_3 = arith.constant 0 : index
    %get3A_4 = vector.load %arg1[%get3A_2, %get3A_3] : memref<1024x128xf32, #tpu.memory_space<vmem>>, vector<1024x128xf32>
    %get3A_5 = arith.constant 0 : index
    %get3A_6 = arith.constant 0 : index
    %get3A_7 = vector.load %arg2[%get3A_5, %get3A_6] : memref<1024x128xf32, #tpu.memory_space<vmem>>, vector<1024x128xf32>
    %add3A = arith.addf %get3A_4, %get3A_7 : vector<1024x128xf32>
    %mul3A = vector.broadcast %get3A_1 : vector<1024x1xf32> to vector<1024x128xf32>
    %mul3A_8 = arith.mulf %add3A, %mul3A : vector<1024x128xf32>
    %get3A_9 = arith.constant 0 : index
    %get3A_10 = arith.constant 0 : index
    %get3A_11 = vector.load %arg4[%get3A_9, %get3A_10] : memref<1x128xf32, #tpu.memory_space<vmem>>, vector<1x128xf32>
    %add3A_12 = vector.broadcast %get3A_11 : vector<1x128xf32> to vector<1024x128xf32>
    %add3A_13 = arith.addf %mul3A_8, %add3A_12 : vector<1024x128xf32>
    %max3A = arith.constant 0.000000e+00 : f32
    %max3A_14 = vector.broadcast %max3A : f32 to vector<1024x128xf32>
    %max3A_15 = arith.maximumf %add3A_13, %max3A_14 : vector<1024x128xf32>
    %get3A_16 = arith.constant 0 : index
    %get3A_17 = arith.constant 0 : index
    %get3A_18 = vector.load %arg5[%get3A_16, %get3A_17] : memref<128x128xf32, #tpu.memory_space<vmem>>, vector<128x128xf32>
    %dot_general3A = arith.constant dense<0.000000e+00> : vector<1024x128xf32>
    %dot_general3A_19 = tpu.matmul %max3A_15, %get3A_18, %dot_general3A {dimension_numbers = #tpu.dot_dimension_numbers<[1], [0], [0], [1], [0, 0, 1, 1], [], []>, precision = #tpu.contract_precision<fp32>, transpose_lhs_hint = false} : vector<1024x128xf32>, vector<128x128xf32>, vector<1024x128xf32> -> vector<1024x128xf32>
    %mul3A_20 = vector.broadcast %get3A_1 : vector<1024x1xf32> to vector<1024x128xf32>
    %mul3A_21 = arith.mulf %dot_general3A_19, %mul3A_20 : vector<1024x128xf32>
    %swap3A = arith.constant 0 : index
    %swap3A_22 = arith.constant 0 : index
    %swap3A_23 = vector.load %arg6[%swap3A, %swap3A_22] : memref<1024x128xf32, #tpu.memory_space<vmem>>, vector<1024x128xf32>
    tpu.vector_store %arg6[%swap3A, %swap3A_22], %mul3A_21 {strides = array<i32>} : memref<1024x128xf32, #tpu.memory_space<vmem>>, vector<1024x128xf32>,
    return
  }
  func.func @transform_0(%arg0: i32) -> (i32, i32) {
    %c0_i32 = arith.constant 0 : i32
    %c0_i32_0 = arith.constant 0 : i32
    return %arg0, %c0_i32 : i32, i32
  }
  func.func @transform_1(%arg0: i32) -> (i32, i32) {
    %c0_i32 = arith.constant 0 : i32
    %c0_i32_0 = arith.constant 0 : i32
    return %arg0, %c0_i32 : i32, i32
  }
  func.func @transform_2(%arg0: i32) -> (i32, i32) {
    %c0_i32 = arith.constant 0 : i32
    %c0_i32_0 = arith.constant 0 : i32
    return %arg0, %c0_i32 : i32, i32
  }
  func.func @transform_3(%arg0: i32) -> (i32, i32) {
    %c0_i32 = arith.constant 0 : i32
    %c0_i32_0 = arith.constant 0 : i32
    %c0_i32_1 = arith.constant 0 : i32
    return %c0_i32, %c0_i32_0 : i32, i32
  }
  func.func @transform_4(%arg0: i32) -> (i32, i32) {
    %c0_i32 = arith.constant 0 : i32
    %c0_i32_0 = arith.constant 0 : i32
    %c0_i32_1 = arith.constant 0 : i32
    return %c0_i32, %c0_i32_0 : i32, i32
  }
  func.func @transform_5(%arg0: i32) -> (i32, i32) {
    %c0_i32 = arith.constant 0 : i32
    %c0_i32_0 = arith.constant 0 : i32
    return %arg0, %c0_i32 : i32, i32
  }
}

module attributes {stable_mosaic.version = 14 : i64} {
  func.func @_final_body(%arg0: i32, %arg1: memref<1000x128xf32, #tpu.memory_space<vmem>>, %arg2: memref<1000x128xf32, #tpu.memory_space<vmem>>, %arg3: memref<1000x1xf32, #tpu.memory_space<vmem>>, %arg4: memref<1x128xf32, #tpu.memory_space<vmem>>, %arg5: memref<1000x128xf32, #tpu.memory_space<vmem>>) attributes {dimension_semantics = [#tpu.dimension_semantics<arbitrary>], iteration_bounds = array<i64: 10>, scalar_prefetch = 0 : i64, scratch_operands = 0 : i64, tpu.core_type = #tpu.core_type<tc>, window_params = [{transform_indices = @transform_0, window_bounds = array<i64: 1000, 128>}, {transform_indices = @transform_1, window_bounds = array<i64: 1000, 128>}, {transform_indices = @transform_2, window_bounds = array<i64: 1000, 1>}, {pipeline_mode = #tpu.pipeline_mode<synchronous>, transform_indices = @transform_3, window_bounds = array<i64: 1, 128>}, {transform_indices = @transform_4, window_bounds = array<i64: 1000, 128>}]} {
    %get3A = arith.constant 0 : index
    %get3A_0 = arith.constant 0 : index
    %get3A_1 = vector.load %arg1[%get3A, %get3A_0] : memref<1000x128xf32, #tpu.memory_space<vmem>>, vector<1000x128xf32>
    %get3A_2 = arith.constant 0 : index
    %get3A_3 = arith.constant 0 : index
    %get3A_4 = vector.load %arg2[%get3A_2, %get3A_3] : memref<1000x128xf32, #tpu.memory_space<vmem>>, vector<1000x128xf32>
    %add3A = arith.addf %get3A_1, %get3A_4 : vector<1000x128xf32>
    %get3A_5 = arith.constant 0 : index
    %get3A_6 = arith.constant 0 : index
    %get3A_7 = vector.load %arg3[%get3A_5, %get3A_6] : memref<1000x1xf32, #tpu.memory_space<vmem>>, vector<1000x1xf32>
    %mul3A = vector.broadcast %get3A_7 : vector<1000x1xf32> to vector<1000x128xf32>
    %mul3A_8 = arith.mulf %add3A, %mul3A : vector<1000x128xf32>
    %get3A_9 = arith.constant 0 : index
    %get3A_10 = arith.constant 0 : index
    %get3A_11 = vector.load %arg4[%get3A_9, %get3A_10] : memref<1x128xf32, #tpu.memory_space<vmem>>, vector<1x128xf32>
    %add3A_12 = vector.broadcast %get3A_11 : vector<1x128xf32> to vector<1000x128xf32>
    %add3A_13 = arith.addf %mul3A_8, %add3A_12 : vector<1000x128xf32>
    %swap3A = arith.constant 0 : index
    %swap3A_14 = arith.constant 0 : index
    %swap3A_15 = vector.load %arg5[%swap3A, %swap3A_14] : memref<1000x128xf32, #tpu.memory_space<vmem>>, vector<1000x128xf32>
    tpu.vector_store %arg5[%swap3A, %swap3A_14], %add3A_13 {strides = array<i32>} : memref<1000x128xf32, #tpu.memory_space<vmem>>, vector<1000x128xf32>,
    return
  }
  func.func @transform_0(%arg0: i32) -> (i32, i32) {
    %c0_i32 = arith.constant 0 : i32
    %c0_i32_0 = arith.constant 0 : i32
    return %arg0, %c0_i32 : i32, i32
  }
  func.func @transform_1(%arg0: i32) -> (i32, i32) {
    %c0_i32 = arith.constant 0 : i32
    %c0_i32_0 = arith.constant 0 : i32
    return %arg0, %c0_i32 : i32, i32
  }
  func.func @transform_2(%arg0: i32) -> (i32, i32) {
    %c0_i32 = arith.constant 0 : i32
    %c0_i32_0 = arith.constant 0 : i32
    return %arg0, %c0_i32 : i32, i32
  }
  func.func @transform_3(%arg0: i32) -> (i32, i32) {
    %c0_i32 = arith.constant 0 : i32
    %c0_i32_0 = arith.constant 0 : i32
    %c0_i32_1 = arith.constant 0 : i32
    return %c0_i32, %c0_i32_0 : i32, i32
  }
  func.func @transform_4(%arg0: i32) -> (i32, i32) {
    %c0_i32 = arith.constant 0 : i32
    %c0_i32_0 = arith.constant 0 : i32
    return %arg0, %c0_i32 : i32, i32
  }
}

</mosaic_0001>

<sc_bundles>
// kernel: kernel.11.cloned.1.call-start
scs
__scs_entry_jumppad:
0x0: {  	(pc) =	sbr.rel $0x88, $3  }
0x1: {  	(tag) =	ssettag $0x0;
	lr =	simm.s32 $0x1  }
0x2: {  	[smem:$0x3F99] =	sst lr;
	_ =	strace $0xD0000000  }
0x3: {  	_ = 	snop  }
0x4: {  	_ = 	snop  }
0x5: {  	_ = 	snop  }
0x6: {  	_ = 	snop  }
0x7: {  	_ = 	snop  }
__scs_overlays_trampoline_lowered:
0x8: {  	[smem:$0x3FA8] =	sst s0  }
0x9: {  	[smem:$0x3FA9] =	sst s1  }
0xa: {  	[smem:$0x3FAA] =	sst s2  }
0xb: {  	[smem:$0x3FAB] =	sst s3  }
0xc: {  	[smem:$0x3FAC] =	sst s4  }
0xd: {  	[smem:$0x3FAD] =	sst s5  }
0xe: {  	[smem:$0x3FAE] =	sst s6  }
0xf: {  	[smem:$0x3FAF] =	sst s7  }
0x10: {  	[smem:$0x3FB0] =	sst s8  }
0x11: {  	[smem:$0x3FB1] =	sst s9;
	s0 =	simm.s32 @!p0 $0x0  }
0x12: {  	s1 =	sld [smem:$0x3F97];
	s0 =	simm.s32 @p0 $0x1  }
0x13: {  	[smem:$0x3FB2] =	sst s0;
	s0 =	simm.s32 @!p1 $0x0  }
0x14: {  	s2 =	sld [smem:$0x3F96];
	s0 =	simm.s32 @p1 $0x1  }
0x15: {  	[smem:$0x3FB3] =	sst s0;
	s0 =	simm.s32 @!p2 $0x0  }
0x16: {  	s3 =	sld [smem:$0x3FDB];
	s0 =	simm.s32 @p2 $0x1  }
0x17: {  	s4 =	simm.s32 $0x1BF5;
	[smem:$0x3FB5] =	sst s0  }
0x18: {  	s0 =	sld [smem:$0x3F98];
	_ =	swait.ge [sflag:s4], $0x0  }
0x19: {  	s7 =	sld [smem:$0x3F99]  }
0x1a: {  	s8 =	sadd.s32 $0xFFFFE003, lr  }
0x1b: {  	s9 =	sadd.s32 $0xFFFFFEF7, lr;
	s5 =	simm.s32 $0xFFFFFFFF;
	p2 =	slt.u32 s8, $0xFFFFF086  }
0x1c: {  	p1 =	slt.u32 s9, $0xF7A;
	s5 =	simm.s32 @!p2 $0x0  }
0x1d: {  	s5 =	simm.s32 @p1 $0x1;
	p0 =	seq.s32 s7, s2  }
0x1e: {  	s7 =	smul.u32 @!p0 $0xF7A, s2;
	p2 =	seq.s32 @!p0 s5, $0x0  }
0x1f: {  	s9 =	smul.u32 $0xF7A, s1;
	s8 =	simm.s32 @!p0 $0x1BF5;
	p2 =	por !p2, p0  }
0x20: {  	[sflag:s8] =	ssyncset.s32 @!p0 $0xFFFFF086;
	s6 =	sadd.s32 @!p0 s3, s7;
	s7 =	simm.s32 @!p0 $0x108  }
0x21: {  	s3 =	sadd.s32 s3, s9;
	s6 =	sadd.s32 @!p0 $0x88, s6;
	s7 =	simm.s32 @p2 $0x1082  }
0x22: {  	[simem:s7], [sflag:s8] =	dma.local @!p0 [hbm:s6], $0xF7A  }
0x23: {  	s9 =	sor.u32 $0xD0000000, s2;
	s6 =	simm.s32 $0x108;
	_ =	swait.ge @!p0 [sflag:s8], $0x0  }
0x24: {  	s3 =	sadd.s32 $0x88, s3;
	s6 =	simm.s32 @!p1 $0x1082;
	[sflag:s4] =	ssyncset.s32 $0xFFFFF086  }
0x25: {  	[simem:s6], [sflag:s4] =	dma.local [hbm:s3], $0xF7A  }
0x26: {  	[smem:$0x3F99] =	sst s1;
	(tag) =	ssettag s2;
	_ =	strace s9  }
0x27: {  	s1 =	sld [smem:$0x3FA9]  }
0x28: {  	s2 =	sld [smem:$0x3FAA]  }
0x29: {  	s4 =	sld [smem:$0x3FAC]  }
0x2a: {  	p0 =	seq.s32 s5, $0x0;
	s5 =	sld [smem:$0x3FAD]  }
0x2b: {  	s6 =	sld [smem:$0x3FAE]  }
0x2c: {  	s7 =	sld [smem:$0x3FAF]  }
0x2d: {  	s3 =	simm.s32 $0x108;
	s8 =	sld [smem:$0x3FB0]  }
0x2e: {  	s3 =	simm.s32 @!p0 $0x1082;
	s9 =	sld [smem:$0x3FB1]  }
0x2f: {  	lr =	sadd.s32 s0, s3;
	s0 =	sld [smem:$0x3FA8]  }
0x30: {  	s3 =	sld [smem:$0x3FAB]  }
0x31: {  	[smem:$0x3FB4] =	sst s10  }
0x32: {  	s10 =	sld [smem:$0x3FB2];
	_ =	sdelay $0x3  }
0x33: {  	p0 =	seq.s32 s10, $0x1;
	s10 =	sld [smem:$0x3FB4];
	_ =	sdelay $0x3  }
0x34: {  	[smem:$0x3FB4] =	sst s10  }
0x35: {  	s10 =	sld [smem:$0x3FB3];
	_ =	sdelay $0x3  }
0x36: {  	p1 =	seq.s32 s10, $0x1;
	s10 =	sld [smem:$0x3FB4];
	_ =	sdelay $0x3  }
0x37: {  	[smem:$0x3FB4] =	sst s10  }
0x38: {  	s10 =	sld [smem:$0x3FB5]  }
0x39: {  	_ = 	snop;
	(pc) =	sbr.ind lr, $3  }
0x3a: {  	_ = 	snop  }
0x3b: {  	_ = 	snop  }
0x3c: {  	p2 =	seq.s32 s10, $0x1;
	s10 =	sld [smem:$0x3FB4]  }
0x3d: {  	_ =	shalt  }
0x3e: {  	_ =	shalt  }
0x3f: {  	_ =	shalt  }
0x40: {  	_ =	shalt  }
0x41: {  	_ =	shalt  }
0x42: {  	_ =	shalt  }
0x43: {  	_ =	shalt  }
0x44: {  	_ =	shalt  }
0x45: {  	_ =	shalt  }
0x46: {  	_ =	shalt  }
0x47: {  	_ =	shalt  }
0x48: {  	_ =	shalt  }
0x49: {  	_ =	shalt  }
0x4a: {  	_ =	shalt  }
0x4b: {  	_ =	shalt  }
0x4c: {  	_ =	shalt  }
0x4d: {  	_ =	shalt  }
0x4e: {  	_ =	shalt  }
0x4f: {  	_ =	shalt  }
0x50: {  	_ =	shalt  }
0x51: {  	_ =	shalt  }
0x52: {  	_ =	shalt  }
0x53: {  	_ =	shalt  }
0x54: {  	_ =	shalt  }
0x55: {  	_ =	shalt  }
0x56: {  	_ =	shalt  }
0x57: {  	_ =	shalt  }
0x58: {  	_ =	shalt  }
0x59: {  	_ =	shalt  }
0x5a: {  	_ =	shalt  }
0x5b: {  	_ =	shalt  }
0x5c: {  	_ =	shalt  }
0x5d: {  	_ =	shalt  }
0x5e: {  	_ =	shalt  }
0x5f: {  	_ =	shalt  }
0x60: {  	_ =	shalt  }
0x61: {  	_ =	shalt  }
0x62: {  	_ =	shalt  }
0x63: {  	_ =	shalt  }
0x64: {  	_ =	shalt  }
0x65: {  	_ =	shalt  }
0x66: {  	_ =	shalt  }
0x67: {  	_ =	shalt  }
0x68: {  	_ =	shalt  }
0x69: {  	_ =	shalt  }
0x6a: {  	_ =	shalt  }
0x6b: {  	_ =	shalt  }
0x6c: {  	_ =	shalt  }
0x6d: {  	_ =	shalt  }
0x6e: {  	_ =	shalt  }
0x6f: {  	_ =	shalt  }
0x70: {  	_ =	shalt  }
0x71: {  	_ =	shalt  }
0x72: {  	_ =	shalt  }
0x73: {  	_ =	shalt  }
0x74: {  	_ =	shalt  }
0x75: {  	_ =	shalt  }
0x76: {  	_ =	shalt  }
0x77: {  	_ =	shalt  }
0x78: {  	_ =	shalt  }
0x79: {  	_ =	shalt  }
0x7a: {  	_ =	shalt  }
0x7b: {  	_ =	shalt  }
0x7c: {  	_ =	shalt  }
0x7d: {  	_ =	shalt  }
0x7e: {  	_ =	shalt  }
0x7f: {  	_ =	shalt  }
0x80: {  	_ =	shalt  }
0x81: {  	_ =	shalt  }
0x82: {  	_ =	shalt  }
0x83: {  	_ =	shalt  }
0x84: {  	_ =	shalt  }
0x85: {  	_ =	shalt  }
0x86: {  	_ =	shalt  }
0x87: {  	_ =	shalt  }
.Lfunc_end0:
.L_simem_size_0:
called_computation_lowered:
.L_overlay_start_0:
0x88: {  	s2 =	sld [smem:$0x3FD9]  }
0x89: {  	s3 =	sld [smem:$0x3FFE];
	_ =	sdelay $0x1  }
0x8a: {  	s1 =	srdreg.scid  }
0x8b: {  	s0 =	sand.u32 $0x1, s1  }
0x8c: {  	s16 =	sshll.u32 s0, $0xA;
	s2 =	sadd.s32 s3, s2  }
0x8d: {  	s2 =	sadd.s32 s2, s16  }
0x8e: {  	[smem:$0x3FC0] =	sst s2  }
0x8f: {  	_ = 	snop  }
0x90: {  	(tm) =	ssettm $0x1  }
0x91: {  	s17 =	sld [smem:$0x3FFB];
	_ =	sdelay $0x3  }
0x92: {  	_ =	strace s17  }
0x93: {  	s2 =	sld [smem:$0x3FFC];
	_ =	sdelay $0x3  }
0x94: {  	_ =	strace s2  }
0x95: {  	s2 =	sld [smem:$0x3FFD];
	_ =	sdelay $0x3  }
0x96: {  	_ =	strace s2  }
0x97: {  	_ =	strace $0x8FFFFFFF  }
0x98: {  	s18 =	sld [smem:$0x3FDB];
	_ =	sdelay $0x1  }
0x99: {  	s19 =	simm.s32 $_scs_section_size  }
0x9a: {  	s4 =	simm.s32 $_size__tile_overlayer_lowered;
	s5 =	simm.s32 $_tile_overlayer_lowered  }
0x9b: {  	s22 =	simm.s32 $0x1BFF;
	s21 =	sshll.u32 s5, $0x1;
	s2 =	sadd.s32 s19, s18  }
0x9c: {  	s6 =	simm.s32 $0x0;
	s20 =	sshll.u32 s4, $0x1;
	s4 =	sadd.s32 s21, s2  }
0x9d: {  	[timem:s6], [sflag:s22] =	dma.local [hbm:s4], s20  }
0x9e: {  	_ =	swait.ge [sflag:s22], s20  }
0x9f: {  	s3 =	ssub.s32 $0x0, s20;
	[sflag:s22] =	ssyncset.done $0x0  }
0xa0: {  	[sflag:s22] =	ssyncadd.s32 s3;
	_ =	sdelay $0x1  }
0xa1: {  	s23 =	simm.s32 $0x1B8B  }
0xa2: {  	_ =	swait.ge [sflag:s23], $0x1  }
0xa3: {  	[sflag:s23] =	ssyncset.done $0x0  }
0xa4: {  	s25 =	simm.s32 $0x1B8E;
	s24 =	sld [smem:$0x3FFE];
	[sflag:s23] =	ssyncadd.s32 $0xFFFFFFFF  }
0xa5: {  	s26 =	simm.s32 $execute0_lowered;
	[smem:$0x3FD2] =	sst s25  }
0xa6: {  	s4 =	sshll.u32 s26, $0x1;
	_ =	strace $0x80000046;
	[dreg:$0x1] =	wrdreg $0xFFFFFFFF  }
0xa7: {  	s28 =	simm.s32 $_size_execute0_lowered;
	s2 =	sadd.s32 s2, s4;
	[dreg:$0x0] =	wrdreg $0x0  }
0xa8: {  	s4 =	sshll.u32 s28, $0x1;
	[dreg:$0x2] =	wrdreg s2  }
0xa9: {  	[dreg:$0x3] =	wrdreg s4  }
0xaa: {  	[dreg:$0x4] =	wrdreg $0xC0  }
0xab: {  	_ =	task [dreg:s6], $0x5FFFF  }
0xac: {  	[dreg:$0x1] =	wrdreg $0xFFFFFFFF  }
0xad: {  	[dreg:$0x0] =	wrdreg $0x60  }
0xae: {  	[dreg:$0x2] =	wrdreg s24  }
0xaf: {  	[dreg:$0x3] =	wrdreg $0x9  }
0xb0: {  	_ =	task.clear_ibuf [dreg:s6], $0x4FFFF;
	_ =	strace $0x90000046  }
0xb1: {  	s29 =	simm.s32 $0x9;
	_ =	strace $0x80000048  }
0xb2: {  	_ =	swait.ge [sflag:s29], $0x1  }
0xb3: {  	[sflag:s29] =	ssyncadd.s32 $0xFFFFFFFF  }
0xb4: {  	_ =	strace $0x90000048  }
0xb5: {  	_ =	sfence  }
0xb6: {  	s30 =	sld [smem:$0x0];
	_ =	sdelay $0x2  }
0xb7: {  	s31 =	sshll.u32 s1, $0xD;
	s1 =	sshrl.u32 s1, $0x2  }
0xb8: {  	s3 =	sand.u32 $0x4000, s31;
	s1 =	sadd.s32 s1, s30  }
0xb9: {  	s0 =	sor.u32 s3, s0;
	s1 =	sshll.u32 s1, $0x11  }
0xba: {  	s0 =	sor.u32 s1, s0  }
0xbb: {  	s0 =	sadd.s32 $0x8F2B, s0  }
0xbc: {  	[sflag:s0] =	ssyncadd.remote.s32 $0x1  }
0xbd: {  	_ =	sfence.sel $0xFFFF  }
0xbe: {  	[dreg:$0x0] =	wrdreg $0xFFFFFFFF;
	(pc) =	sbr.abs _section_cstart, $3  }
0xbf: {  	[dreg:$0x1] =	wrdreg $0xFFFFFFFF  }
0xc0: {  	_ =	task.clear_ibuf [dreg:s6], $0x2FFFF;
	_ =	strace $0x9FFFFFFF  }
0xc1: {  	(tm) =	ssettm $0x7FFFFFFF  }
tec
execute0_lowered:
.L_overlay_start_1:
0x0: {  	(tag) =	ssettag $0x1  }
0x1: {  	s0 =	srdreg.scid  }
0x2: {  	s4 =	rddreg [dreg:$0x0];
	s3 =	sand.u32 $0x1, s0  }
0x3: {  	s1 =	stileid.u32;
	s7 =	simm.s32 $0x2800;
	s2 =	sshll.u32 s3, $0x4  }
0x4: {  	s0 =	rddreg [dreg:$0x1];
	s3 =	ssub.s32 $0x2, s3;
	s5 =	sor.u32 s1, s2  }
0x5: {  	s2 =	simm.s32 $0x0;
	s6 =	sshrl.u32 s3, $0x1;
	s5 =	smul.u32 $0x500, s5  }
0x6: {  	s8 =	simm.s32 $0x0;
	[smem:$0x7FF] =	sst s2;
	s31 =	ssub.s32 s3, s6  }
0x7: {  	s6 =	simm.s32 $0x1;
	_ =	strace $0x80000047;
	s4 =	sadd.s32 s5, s4  }
0x8: {  	v0 =	vimm.f32 $0.0e+00;
	v1 =	vimm.f32 $1.000000000e+00;
	s5 =	smax.u32 s31, $0x1;
	s3 =	sadd.s32 $0x3C00, s4;
	s4 =	sadd.s32 $0xDC00, s4  }
.LBB2_1:
0x9: {  	s9 =	simm.s32 $0x40;
	s10 =	simm.s32 $0x0  }
.LBB2_2:
0xa: {  	p0 =	sne.s32 s9, $0x9FC0;
	[tilespmem:s10+$0x2800] =	vst v0;
	s10 =	smov.u32 s9;
	s9 =	sadd.s32 $0x40, s9  }
.Ltmp0:
0xb: {  	(pc) =	sbr.rel @p0 .LBB2_2-.Ltmp0, $2  }
0xc: {  	_ =	sdelay $0x2  }
0xd: {  	s10 =	sshra.s32 s10, $0x2  }
0xe: {  	[tilespmem:s10+$0x2800] =	vst v0;
	s9 =	simm.s32 $0x0  }
0xf: {  	[tilespmem:s9], [sflag:$0x1] =	stream.linear.gather [hbm4b:s3+s9], $0x2800, $0x38;
	[tilespmem:$0x5000] =	vst v63  }
0x10: {  	_ =	swait.ge [sflag:s6], $0x2800  }
0x11: {  	[sflag:s6] =	ssyncset.done $0x0  }
0x12: {  	s10 =	simm.s32 $0x0;
	s9 =	simm.s32 $0x40;
	[sflag:s6] =	ssyncadd.s32 $0xFFFFD800  }
.LBB2_4:
0x13: {  	p0 =	sne.s32 s9, $0x9FC0;
	v2 =	vld [tilespmem:s10+$0x0];
	_ =	sdelay $0x3  }
.Ltmp1:
0x14: {  	(pc) =	sbr.rel @p0 .LBB2_4-.Ltmp1, $2  }
0x15: {  	_ =	sdelay $0x2  }
0x16: {  	s10 =	sshra.s32 s9, $0x2;
	s9 =	sadd.s32 $0x40, s9;
	[tilespmem:v2+s7+$0x0] =	vst.idx.add.f32.msk $0xffff, v1  }
0x17: {  	v2 =	vld [tilespmem:s10+$0x0];
	_ =	sdelay $0x5  }
0x18: {  	s8 =	sadd.s32 $0x1, s8  }
0x19: {  	p0 =	sne.s32 s8, s5  }
.Ltmp2:
0x1a: {  	[tilespmem:v2+s7+$0x0] =	vst.idx.add.f32.msk $0xffff, v1;
	(pc) =	sbr.rel @p0 .LBB2_1-.Ltmp2, $4  }
0x1b: {  	[hbm4b:s4+s2] =	stream.linear.scatter [tilespmem:s7], [sflag:$0x1], $0x2800, $0x38;
	[tilespmem:$0x5000] =	vst v63  }
0x1c: {  	_ =	swait.ge [sflag:s6], $0x2800  }
0x1d: {  	[sflag:s6] =	ssyncset.done $0x0  }
0x1e: {  	[sflag:s6] =	ssyncadd.s32 $0xFFFFD800  }
0x1f: {  	_ =	sfence.sel $0x180000  }
0x20: {  	[bflag:$0x0] =	sbarrier.arrive $0xFFFF  }
0x21: {  	p0 =	sne.s32 s1, $0x0;
	_ =	strace $0x90000047  }
0x22: {  	s0 =	sadd.s32 @!p0 $0x100000, s0;
	[bflag:$0x2] =	sbarrier.arrive $0xFFFF  }
0x23: {  	[sflag:s0] =	ssyncadd.tile.s32 @!p0 $0x1;
	_ =	shalt  }
.Lfunc_end2:
_tile_overlayer_lowered:
.L_overlay_start_2:
0x24: {  	(tag) =	ssettag $0x2  }
0x25: {  	s0 =	rddreg [dreg:$0x0];
	s2 =	stileid.u32  }
0x26: {  	s1 =	rddreg [dreg:$0x1];
	p0 =	sne.s32 s2, $0x0  }
0x27: {  	s3 =	rddreg [dreg:$0x2];
	[bflag:$0x3] =	sbarrier.arrive $0xFFFF;
	s2 =	simm.s32 @!p0 $0x1C01  }
0x28: {  	[timem:s3], [sflag:s2] =	dma.local @!p0 [hbm:s0], s1  }
0x29: {  	s0 =	simm.s32 @!p0 $0x1  }
0x2a: {  	_ =	swait.ge @!p0 [sflag:s0], s1  }
0x2b: {  	s1 =	ssub.s32 @!p0 $0x0, s1;
	[sflag:s0] =	ssyncset.done @!p0 $0x0  }
0x2c: {  	[sflag:s0] =	ssyncadd.s32 @!p0 s1  }
0x2d: {  	[bflag:$0x3] =	sbarrier.arrive $0xFFFF  }
0x2e: {  	_ =	shalt  }

// kernel: kernel.14.cloned.1.call-start
scs
__scs_entry_jumppad:
0x0: {  	(pc) =	sbr.rel $0x88, $3  }
0x1: {  	(tag) =	ssettag $0x0;
	lr =	simm.s32 $0x1  }
0x2: {  	[smem:$0x3F99] =	sst lr;
	_ =	strace $0xD0000000  }
0x3: {  	_ = 	snop  }
0x4: {  	_ = 	snop  }
0x5: {  	_ = 	snop  }
0x6: {  	_ = 	snop  }
0x7: {  	_ = 	snop  }
__scs_overlays_trampoline_lowered:
0x8: {  	[smem:$0x3FA8] =	sst s0  }
0x9: {  	[smem:$0x3FA9] =	sst s1  }
0xa: {  	[smem:$0x3FAA] =	sst s2  }
0xb: {  	[smem:$0x3FAB] =	sst s3  }
0xc: {  	[smem:$0x3FAC] =	sst s4  }
0xd: {  	[smem:$0x3FAD] =	sst s5  }
0xe: {  	[smem:$0x3FAE] =	sst s6  }
0xf: {  	[smem:$0x3FAF] =	sst s7  }
0x10: {  	[smem:$0x3FB0] =	sst s8  }
0x11: {  	[smem:$0x3FB1] =	sst s9;
	s0 =	simm.s32 @!p0 $0x0  }
0x12: {  	s1 =	sld [smem:$0x3F97];
	s0 =	simm.s32 @p0 $0x1  }
0x13: {  	[smem:$0x3FB2] =	sst s0;
	s0 =	simm.s32 @!p1 $0x0  }
0x14: {  	s2 =	sld [smem:$0x3F96];
	s0 =	simm.s32 @p1 $0x1  }
0x15: {  	[smem:$0x3FB3] =	sst s0;
	s0 =	simm.s32 @!p2 $0x0  }
0x16: {  	s3 =	sld [smem:$0x3FDB];
	s0 =	simm.s32 @p2 $0x1  }
0x17: {  	s4 =	simm.s32 $0x1BF5;
	[smem:$0x3FB5] =	sst s0  }
0x18: {  	s0 =	sld [smem:$0x3F98];
	_ =	swait.ge [sflag:s4], $0x0  }
0x19: {  	s7 =	sld [smem:$0x3F99]  }
0x1a: {  	s8 =	sadd.s32 $0xFFFFE003, lr  }
0x1b: {  	s9 =	sadd.s32 $0xFFFFFEF7, lr;
	s5 =	simm.s32 $0xFFFFFFFF;
	p2 =	slt.u32 s8, $0xFFFFF086  }
0x1c: {  	p1 =	slt.u32 s9, $0xF7A;
	s5 =	simm.s32 @!p2 $0x0  }
0x1d: {  	s5 =	simm.s32 @p1 $0x1;
	p0 =	seq.s32 s7, s2  }
0x1e: {  	s7 =	smul.u32 @!p0 $0xF7A, s2;
	p2 =	seq.s32 @!p0 s5, $0x0  }
0x1f: {  	s9 =	smul.u32 $0xF7A, s1;
	s8 =	simm.s32 @!p0 $0x1BF5;
	p2 =	por !p2, p0  }
0x20: {  	[sflag:s8] =	ssyncset.s32 @!p0 $0xFFFFF086;
	s6 =	sadd.s32 @!p0 s3, s7;
	s7 =	simm.s32 @!p0 $0x108  }
0x21: {  	s3 =	sadd.s32 s3, s9;
	s6 =	sadd.s32 @!p0 $0x88, s6;
	s7 =	simm.s32 @p2 $0x1082  }
0x22: {  	[simem:s7], [sflag:s8] =	dma.local @!p0 [hbm:s6], $0xF7A  }
0x23: {  	s9 =	sor.u32 $0xD0000000, s2;
	s6 =	simm.s32 $0x108;
	_ =	swait.ge @!p0 [sflag:s8], $0x0  }
0x24: {  	s3 =	sadd.s32 $0x88, s3;
	s6 =	simm.s32 @!p1 $0x1082;
	[sflag:s4] =	ssyncset.s32 $0xFFFFF086  }
0x25: {  	[simem:s6], [sflag:s4] =	dma.local [hbm:s3], $0xF7A  }
0x26: {  	[smem:$0x3F99] =	sst s1;
	(tag) =	ssettag s2;
	_ =	strace s9  }
0x27: {  	s1 =	sld [smem:$0x3FA9]  }
0x28: {  	s2 =	sld [smem:$0x3FAA]  }
0x29: {  	s4 =	sld [smem:$0x3FAC]  }
0x2a: {  	p0 =	seq.s32 s5, $0x0;
	s5 =	sld [smem:$0x3FAD]  }
0x2b: {  	s6 =	sld [smem:$0x3FAE]  }
0x2c: {  	s7 =	sld [smem:$0x3FAF]  }
0x2d: {  	s3 =	simm.s32 $0x108;
	s8 =	sld [smem:$0x3FB0]  }
0x2e: {  	s3 =	simm.s32 @!p0 $0x1082;
	s9 =	sld [smem:$0x3FB1]  }
0x2f: {  	lr =	sadd.s32 s0, s3;
	s0 =	sld [smem:$0x3FA8]  }
0x30: {  	s3 =	sld [smem:$0x3FAB]  }
0x31: {  	[smem:$0x3FB4] =	sst s10  }
0x32: {  	s10 =	sld [smem:$0x3FB2];
	_ =	sdelay $0x3  }
0x33: {  	p0 =	seq.s32 s10, $0x1;
	s10 =	sld [smem:$0x3FB4];
	_ =	sdelay $0x3  }
0x34: {  	[smem:$0x3FB4] =	sst s10  }
0x35: {  	s10 =	sld [smem:$0x3FB3];
	_ =	sdelay $0x3  }
0x36: {  	p1 =	seq.s32 s10, $0x1;
	s10 =	sld [smem:$0x3FB4];
	_ =	sdelay $0x3  }
0x37: {  	[smem:$0x3FB4] =	sst s10  }
0x38: {  	s10 =	sld [smem:$0x3FB5]  }
0x39: {  	_ = 	snop;
	(pc) =	sbr.ind lr, $3  }
0x3a: {  	_ = 	snop  }
0x3b: {  	_ = 	snop  }
0x3c: {  	p2 =	seq.s32 s10, $0x1;
	s10 =	sld [smem:$0x3FB4]  }
0x3d: {  	_ =	shalt  }
0x3e: {  	_ =	shalt  }
0x3f: {  	_ =	shalt  }
0x40: {  	_ =	shalt  }
0x41: {  	_ =	shalt  }
0x42: {  	_ =	shalt  }
0x43: {  	_ =	shalt  }
0x44: {  	_ =	shalt  }
0x45: {  	_ =	shalt  }
0x46: {  	_ =	shalt  }
0x47: {  	_ =	shalt  }
0x48: {  	_ =	shalt  }
0x49: {  	_ =	shalt  }
0x4a: {  	_ =	shalt  }
0x4b: {  	_ =	shalt  }
0x4c: {  	_ =	shalt  }
0x4d: {  	_ =	shalt  }
0x4e: {  	_ =	shalt  }
0x4f: {  	_ =	shalt  }
0x50: {  	_ =	shalt  }
0x51: {  	_ =	shalt  }
0x52: {  	_ =	shalt  }
0x53: {  	_ =	shalt  }
0x54: {  	_ =	shalt  }
0x55: {  	_ =	shalt  }
0x56: {  	_ =	shalt  }
0x57: {  	_ =	shalt  }
0x58: {  	_ =	shalt  }
0x59: {  	_ =	shalt  }
0x5a: {  	_ =	shalt  }
0x5b: {  	_ =	shalt  }
0x5c: {  	_ =	shalt  }
0x5d: {  	_ =	shalt  }
0x5e: {  	_ =	shalt  }
0x5f: {  	_ =	shalt  }
0x60: {  	_ =	shalt  }
0x61: {  	_ =	shalt  }
0x62: {  	_ =	shalt  }
0x63: {  	_ =	shalt  }
0x64: {  	_ =	shalt  }
0x65: {  	_ =	shalt  }
0x66: {  	_ =	shalt  }
0x67: {  	_ =	shalt  }
0x68: {  	_ =	shalt  }
0x69: {  	_ =	shalt  }
0x6a: {  	_ =	shalt  }
0x6b: {  	_ =	shalt  }
0x6c: {  	_ =	shalt  }
0x6d: {  	_ =	shalt  }
0x6e: {  	_ =	shalt  }
0x6f: {  	_ =	shalt  }
0x70: {  	_ =	shalt  }
0x71: {  	_ =	shalt  }
0x72: {  	_ =	shalt  }
0x73: {  	_ =	shalt  }
0x74: {  	_ =	shalt  }
0x75: {  	_ =	shalt  }
0x76: {  	_ =	shalt  }
0x77: {  	_ =	shalt  }
0x78: {  	_ =	shalt  }
0x79: {  	_ =	shalt  }
0x7a: {  	_ =	shalt  }
0x7b: {  	_ =	shalt  }
0x7c: {  	_ =	shalt  }
0x7d: {  	_ =	shalt  }
0x7e: {  	_ =	shalt  }
0x7f: {  	_ =	shalt  }
0x80: {  	_ =	shalt  }
0x81: {  	_ =	shalt  }
0x82: {  	_ =	shalt  }
0x83: {  	_ =	shalt  }
0x84: {  	_ =	shalt  }
0x85: {  	_ =	shalt  }
0x86: {  	_ =	shalt  }
0x87: {  	_ =	shalt  }
.Lfunc_end0:
.L_simem_size_0:
called_computation.1_lowered:
.L_overlay_start_0:
0x88: {  	s2 =	sld [smem:$0x3FD9]  }
0x89: {  	s3 =	sld [smem:$0x3FFE];
	_ =	sdelay $0x1  }
0x8a: {  	s1 =	srdreg.scid  }
0x8b: {  	s0 =	sand.u32 $0x1, s1  }
0x8c: {  	s17 =	sshll.u32 s0, $0xA;
	s2 =	sadd.s32 s3, s2  }
0x8d: {  	s2 =	sadd.s32 s2, s17  }
0x8e: {  	[smem:$0x3FC0] =	sst s2  }
0x8f: {  	_ = 	snop  }
0x90: {  	s2 =	sld [smem:$0x3FD0];
	(tm) =	ssettm $0x1  }
0x91: {  	s18 =	sld [smem:$0x3FFB];
	_ =	sdelay $0x3  }
0x92: {  	_ =	strace s18  }
0x93: {  	s3 =	sld [smem:$0x3FFC];
	_ =	sdelay $0x3  }
0x94: {  	_ =	strace s3  }
0x95: {  	s3 =	sld [smem:$0x3FFD];
	_ =	sdelay $0x3  }
0x96: {  	_ =	strace s3  }
0x97: {  	_ =	strace $0x8FFFFFFF  }
0x98: {  	s19 =	sld [smem:$0x3FDB];
	_ =	sdelay $0x1  }
0x99: {  	s4 =	simm.s32 $_scs_section_size  }
0x9a: {  	s5 =	simm.s32 $_size__tile_overlayer_lowered;
	s6 =	simm.s32 $_tile_overlayer_lowered  }
0x9b: {  	s22 =	simm.s32 $0x1BFF;
	s21 =	sshll.u32 s6, $0x1;
	s3 =	sadd.s32 s4, s19  }
0x9c: {  	s7 =	simm.s32 $0x0;
	s20 =	sshll.u32 s5, $0x1;
	s5 =	sadd.s32 s21, s3  }
0x9d: {  	[timem:s7], [sflag:s22] =	dma.local [hbm:s5], s20  }
0x9e: {  	_ =	swait.ge [sflag:s22], s20  }
0x9f: {  	s4 =	ssub.s32 $0x0, s20;
	[sflag:s22] =	ssyncset.done $0x0  }
0xa0: {  	[sflag:s22] =	ssyncadd.s32 s4;
	_ =	sdelay $0x1  }
0xa1: {  	s23 =	simm.s32 $0x1B8B  }
0xa2: {  	_ =	swait.ge [sflag:s23], $0x1  }
0xa3: {  	[sflag:s23] =	ssyncset.done $0x0  }
0xa4: {  	s25 =	simm.s32 $0x1B8E;
	s24 =	sld [smem:$0x3FFE];
	[sflag:s23] =	ssyncadd.s32 $0xFFFFFFFF  }
0xa5: {  	s26 =	simm.s32 $execute0_lowered;
	[smem:$0x3FD2] =	sst s25  }
0xa6: {  	s5 =	sshll.u32 s26, $0x1;
	_ =	strace $0x80000049;
	[dreg:$0x1] =	wrdreg $0xFFFFFFFF  }
0xa7: {  	s28 =	simm.s32 $_size_execute0_lowered;
	s3 =	sadd.s32 s3, s5;
	[dreg:$0x0] =	wrdreg $0x0  }
0xa8: {  	s5 =	sshll.u32 s28, $0x1;
	[dreg:$0x2] =	wrdreg s3  }
0xa9: {  	[dreg:$0x3] =	wrdreg s5  }
0xaa: {  	[dreg:$0x4] =	wrdreg $0xC0  }
0xab: {  	_ =	task [dreg:s7], $0x5FFFF  }
0xac: {  	[dreg:$0x1] =	wrdreg $0xFFFFFFFF  }
0xad: {  	[dreg:$0x0] =	wrdreg $0x60  }
0xae: {  	[dreg:$0x2] =	wrdreg s24  }
0xaf: {  	[dreg:$0x3] =	wrdreg s2  }
0xb0: {  	[dreg:$0x4] =	wrdreg $0xA3000  }
0xb1: {  	[dreg:$0x5] =	wrdreg $0x9  }
0xb2: {  	_ =	task.clear_ibuf [dreg:s7], $0x6FFFF;
	_ =	strace $0x90000049  }
0xb3: {  	s29 =	simm.s32 $0x9;
	_ =	strace $0x8000004B  }
0xb4: {  	_ =	swait.ge [sflag:s29], $0x1  }
0xb5: {  	[sflag:s29] =	ssyncadd.s32 $0xFFFFFFFF  }
0xb6: {  	_ =	strace $0x9000004B  }
0xb7: {  	_ =	sfence  }
0xb8: {  	s30 =	sld [smem:$0x0];
	_ =	sdelay $0x2  }
0xb9: {  	s31 =	sshll.u32 s1, $0xD;
	s1 =	sshrl.u32 s1, $0x2  }
0xba: {  	s3 =	sand.u32 $0x4000, s31;
	s1 =	sadd.s32 s1, s30  }
0xbb: {  	s0 =	sor.u32 s3, s0;
	s1 =	sshll.u32 s1, $0x11  }
0xbc: {  	s0 =	sor.u32 s1, s0  }
0xbd: {  	s0 =	sadd.s32 $0x8F2B, s0  }
0xbe: {  	[sflag:s0] =	ssyncadd.remote.s32 $0x1  }
0xbf: {  	_ =	sfence.sel $0xFFFF  }
0xc0: {  	[dreg:$0x0] =	wrdreg $0xFFFFFFFF;
	(pc) =	sbr.abs _section_cstart, $3  }
0xc1: {  	[dreg:$0x1] =	wrdreg $0xFFFFFFFF  }
0xc2: {  	_ =	task.clear_ibuf [dreg:s7], $0x2FFFF;
	_ =	strace $0x9FFFFFFF  }
0xc3: {  	(tm) =	ssettm $0x7FFFFFFF  }
tec
execute0_lowered:
.L_overlay_start_1:
0x0: {  	(tag) =	ssettag $0x1  }
0x1: {  	s5 =	rddreg [dreg:$0x0]  }
0x2: {  	s6 =	rddreg [dreg:$0x1]  }
0x3: {  	s1 =	rddreg [dreg:$0x2]  }
0x4: {  	s0 =	rddreg [dreg:$0x3]  }
0x5: {  	s2 =	simm.s32 $0x0;
	s4 =	srdreg.scid;
	s15 =	simm.s32 $0x2880  }
0x6: {  	s16 =	simm.s32 $0x5300;
	s17 =	simm.s32 $0x1;
	s18 =	simm.s32 $0x2980  }
0x7: {  	s19 =	simm.s32 $0x2;
	s20 =	simm.s32 $0x2A00;
	s21 =	simm.s32 $0x4  }
0x8: {  	s22 =	simm.s32 $0x5;
	s23 =	simm.s32 $0x2900;
	s24 =	simm.s32 $0x7B00  }
0x9: {  	s28 =	simm.s32 $0x0;
	[smem:$0x7FF] =	sst s2;
	s3 =	sadd.s32 $0x3C00, s5  }
0xa: {  	s7 =	sadd.s32 $0x2BC00, s5;
	s8 =	sadd.s32 $0x53C00, s5;
	s9 =	sand.u32 $0x1, s4  }
0xb: {  	s4 =	stileid.u32;
	s14 =	sadd.s32 $0x7BC00, s5;
	_ =	strace $0x8000004A  }
0xc: {  	s10 =	ssub.s32 $0x2, s9;
	s11 =	sshll.u32 s9, $0x4;
	s13 =	smul.u32 $0x50000, s4  }
0xd: {  	p0 =	seq.s32 s9, $0x0;
	s29 =	smul.u32 $0x2800, s4;
	s9 =	simm.s32 $0x7  }
0xe: {  	s31 =	sshll.u32 s4, $0x6;
	s12 =	sshrl.u32 s10, $0x1;
	s11 =	sor.u32 s4, s11  }
0xf: {  	s7 =	smov.u32 @p0 s3;
	s14 =	smov.u32 @p0 s8;
	s25 =	smul.u32 $0x500, s11  }
.Ltmp0:
0x10: {  	s10 =	ssub.s32 s10, s12;
	s26 =	sshrl.u32 s13, $0x2;
	(pc) =	sbr.rel .LBB2_1-.Ltmp0, $4  }
0x11: {  	s7 =	sadd.s32 s7, s29;
	s8 =	sadd.s32 s14, s29;
	s12 =	simm.s32 $0x50  }
0x12: {  	s13 =	simm.s32 $0x2800;
	s14 =	simm.s32 $0x2B00;
	s30 =	sadd.s32 s26, s1  }
0x13: {  	s26 =	simm.s32 $0x2A80;
	s5 =	sadd.s32 s6, s25;
	s6 =	smax.u32 s10, $0x1  }
0x14: {  	s10 =	sor.u32 $0x1C07, s31;
	s11 =	sshrl.u32 s30, $0x3;
	s25 =	simm.s32 $0x3  }
.LBB2_4:
0x15: {  	_ =	swait.ge [sflag:s19], $0x2800  }
0x16: {  	[sflag:s19] =	ssyncset.done $0x0  }
0x17: {  	[sflag:s19] =	ssyncadd.s32 $0xFFFFD800  }
0x18: {  	[spmem:s1] =	stream.indirect.scatter.add.f32 [tilespmem:s16], [sflag:$0x5], $0x80, s20, s12, $0xb8;
	[tilespmem:$0x1E300] =	vst v63  }
0x19: {  	_ =	swait.ge [sflag:s21], $0x2800  }
0x1a: {  	[sflag:s21] =	ssyncset.done $0x0  }
0x1b: {  	[sflag:s21] =	ssyncadd.s32 $0xFFFFD800  }
0x1c: {  	_ =	swait.ge [sflag:s22], $0x2800  }
0x1d: {  	s28 =	sadd.s32 $0x1, s28;
	[sflag:s22] =	ssyncset.done $0x0  }
0x1e: {  	p0 =	sne.s32 s28, s6;
	[sflag:s22] =	ssyncadd.s32 $0xFFFFD800  }
.Ltmp1:
0x1f: {  	[bflag:$0x0] =	sbarrier.arrive $0xFFFF;
	(pc) =	sbr.rel @!p0 .LBB2_5-.Ltmp1, $4  }
0x20: {  	[hbm:s8], [sflag:s10] =	dma.local [spmem:s11], $0x2800  }
0x21: {  	_ =	swait.ge [sflag:s9], $0x2800  }
0x22: {  	[sflag:s9] =	ssyncset.done $0x0  }
0x23: {  	[sflag:s9] =	ssyncadd.s32 $0xFFFFD800  }
.LBB2_1:
0x24: {  	[tilespmem:s2], [sflag:$0x7] =	stream.linear.gather [hbm4b:s5+s2], $0x2800, $0x38;
	[tilespmem:$0x1E300] =	vst v63  }
0x25: {  	_ =	swait.ge [sflag:s9], $0x2800  }
0x26: {  	[sflag:s9] =	ssyncset.done $0x0  }
0x27: {  	[sflag:s9] =	ssyncadd.s32 $0xFFFFD800  }
0x28: {  	[spmem:s11], [sflag:s10] =	dma.local [hbm:s7], $0x2800  }
0x29: {  	_ =	swait.ge [sflag:s9], $0x2800  }
0x2a: {  	[sflag:s9] =	ssyncset.done $0x0  }
0x2b: {  	[sflag:s9] =	ssyncadd.s32 $0xFFFFD800  }
0x2c: {  	[bflag:$0x0] =	sbarrier.arrive $0xFFFF  }
0x2d: {  	v0 =	vld [tilespmem:$0x0];
	_ =	sdelay $0x1  }
0x2e: {  	v1 =	vld [tilespmem:$0x10];
	_ =	sdelay $0x1  }
0x2f: {  	v2 =	vld [tilespmem:$0x20]  }
0x30: {  	v3 =	vshrl.u32 v0, $0xE  }
0x31: {  	v40 =	vld [tilespmem:$0x30];
	v0 =	vand.u32 $0x3FFF, v0;
	[tilespmem:$0x2800] =	vst v3  }
0x32: {  	v41 =	vshrl.u32 v1, $0xE;
	[tilespmem:$0x2980] =	vst v0  }
0x33: {  	v43 =	vld [tilespmem:$0x40];
	v42 =	vand.u32 $0x3FFF, v1;
	[tilespmem:$0x2810] =	vst v41  }
0x34: {  	v44 =	vshrl.u32 v2, $0xE;
	[tilespmem:$0x2990] =	vst v42  }
0x35: {  	v45 =	vand.u32 $0x3FFF, v2;
	[tilespmem:$0x2820] =	vst v44  }
0x36: {  	v46 =	vshrl.u32 v40, $0xE;
	[tilespmem:$0x29A0] =	vst v45  }
0x37: {  	v47 =	vand.u32 $0x3FFF, v40;
	[tilespmem:$0x2830] =	vst v46  }
0x38: {  	v48 =	vshrl.u32 v43, $0xE;
	[tilespmem:$0x29B0] =	vst v47  }
0x39: {  	v49 =	vand.u32 $0x3FFF, v43;
	[tilespmem:$0x2840] =	vst v48  }
0x3a: {  	[tilespmem:$0x29C0] =	vst v49  }
0x3b: {  	[tilespmem:s14], [sflag:$0x1] =	stream.indirect.gather [hbm4b:s3+s12], $0x80, s13, s12, $0xb8;
	[tilespmem:$0x1E300] =	vst v63  }
0x3c: {  	v50 =	vld [tilespmem:$0x50];
	_ =	sdelay $0x1  }
0x3d: {  	v51 =	vld [tilespmem:$0x60];
	_ =	sdelay $0x1  }
0x3e: {  	v52 =	vld [tilespmem:$0x70]  }
0x3f: {  	v53 =	vshrl.u32 v50, $0xE  }
0x40: {  	v54 =	vld [tilespmem:$0x80];
	v0 =	vand.u32 $0x3FFF, v50;
	[tilespmem:$0x2880] =	vst v53  }
0x41: {  	v55 =	vshrl.u32 v51, $0xE;
	[tilespmem:$0x2A00] =	vst v0  }
0x42: {  	v57 =	vld [tilespmem:$0x90];
	v56 =	vand.u32 $0x3FFF, v51;
	[tilespmem:$0x2890] =	vst v55  }
0x43: {  	v58 =	vshrl.u32 v52, $0xE;
	[tilespmem:$0x2A10] =	vst v56  }
0x44: {  	v59 =	vand.u32 $0x3FFF, v52;
	[tilespmem:$0x28A0] =	vst v58  }
0x45: {  	v60 =	vshrl.u32 v54, $0xE;
	[tilespmem:$0x2A20] =	vst v59  }
0x46: {  	v61 =	vand.u32 $0x3FFF, v54;
	[tilespmem:$0x28B0] =	vst v60  }
0x47: {  	v62 =	vshrl.u32 v57, $0xE;
	[tilespmem:$0x2A30] =	vst v61  }
0x48: {  	v63 =	vand.u32 $0x3FFF, v57;
	[tilespmem:$0x28C0] =	vst v62  }
0x49: {  	s29 =	simm.s32 $0xFFFFFFFF;
	s30 =	simm.s32 $0xC0;
	[tilespmem:$0x2A40] =	vst v63  }
0x4a: {  	[tilespmem:s16], [sflag:$0x2] =	stream.indirect.gather [hbm4b:s3+s12], $0x80, s15, s12, $0xb8;
	[tilespmem:$0x1E300] =	vst v63  }
.LBB2_2:
0x4b: {  	_ =	swait.ge [sflag:s17], $0x2800  }
0x4c: {  	p0 =	sgt.u32 s29, $0x7F;
	p1 =	seq.s32 s29, $0x7D;
	[sflag:s17] =	ssyncset.done $0x0  }
.Ltmp2:
0x4d: {  	s31 =	simm.s32 @!p0 $0x6;
	[sflag:s17] =	ssyncadd.s32 $0xFFFFD800;
	(pc) =	sbr.rel @p1 .LBB2_4-.Ltmp2, $4  }
0x4e: {  	[spmem:s1] =	stream.indirect.scatter.add.f32 [tilespmem:s14], [sflag:$0x4], $0x80, s18, s12, $0xb8;
	[tilespmem:$0x1E300] =	vst v63  }
0x4f: {  	_ =	swait.ge @!p0 [sflag:s31], $0x2800  }
0x50: {  	[sflag:s31] =	ssyncset.done @!p0 $0x0  }
0x51: {  	[sflag:s31] =	ssyncadd.s32 @!p0 $0xFFFFD800  }
0x52: {  	v0 =	vld [tilespmem:s30+$0xFFFFFFE0];
	_ =	sdelay $0x4  }
0x53: {  	v1 =	vshrl.u32 v0, $0xE  }
0x54: {  	v0 =	vand.u32 $0x3FFF, v0;
	[tilespmem:$0x2900] =	vst v1  }
0x55: {  	[tilespmem:$0x2A80] =	vst v0  }
0x56: {  	v0 =	vld [tilespmem:s30+$0xFFFFFFF0];
	_ =	sdelay $0x4  }
0x57: {  	v48 =	vshrl.u32 v0, $0xE  }
0x58: {  	v0 =	vand.u32 $0x3FFF, v0;
	[tilespmem:$0x2910] =	vst v48  }
0x59: {  	[tilespmem:$0x2A90] =	vst v0  }
0x5a: {  	v0 =	vld [tilespmem:s30+$0x0];
	_ =	sdelay $0x4  }
0x5b: {  	v49 =	vshrl.u32 v0, $0xE  }
0x5c: {  	v0 =	vand.u32 $0x3FFF, v0;
	[tilespmem:$0x2920] =	vst v49  }
0x5d: {  	[tilespmem:$0x2AA0] =	vst v0  }
0x5e: {  	v0 =	vld [tilespmem:s30+$0x10];
	_ =	sdelay $0x4  }
0x5f: {  	v50 =	vshrl.u32 v0, $0xE  }
0x60: {  	v0 =	vand.u32 $0x3FFF, v0;
	[tilespmem:$0x2930] =	vst v50  }
0x61: {  	[tilespmem:$0x2AB0] =	vst v0  }
0x62: {  	v0 =	vld [tilespmem:s30+$0x20];
	_ =	sdelay $0x4  }
0x63: {  	v51 =	vshrl.u32 v0, $0xE  }
0x64: {  	v0 =	vand.u32 $0x3FFF, v0;
	[tilespmem:$0x2940] =	vst v51  }
0x65: {  	[tilespmem:$0x2AC0] =	vst v0  }
0x66: {  	[tilespmem:s24], [sflag:$0x3] =	stream.indirect.gather [hbm4b:s3+s12], $0x80, s23, s12, $0xb8;
	[tilespmem:$0x1E300] =	vst v63  }
0x67: {  	_ =	swait.ge [sflag:s19], $0x2800  }
0x68: {  	[sflag:s19] =	ssyncset.done $0x0  }
0x69: {  	[sflag:s19] =	ssyncadd.s32 $0xFFFFD800  }
0x6a: {  	[spmem:s1] =	stream.indirect.scatter.add.f32 [tilespmem:s16], [sflag:$0x5], $0x80, s20, s12, $0xb8;
	[tilespmem:$0x1E300] =	vst v63  }
0x6b: {  	_ =	swait.ge [sflag:s21], $0x2800  }
0x6c: {  	[sflag:s21] =	ssyncset.done $0x0  }
0x6d: {  	[sflag:s21] =	ssyncadd.s32 $0xFFFFD800  }
0x6e: {  	v52 =	vld [tilespmem:s30+$0x30];
	_ =	sdelay $0x4  }
0x6f: {  	v53 =	vshrl.u32 v52, $0xE  }
0x70: {  	v0 =	vand.u32 $0x3FFF, v52;
	[tilespmem:$0x2800] =	vst v53  }
0x71: {  	[tilespmem:$0x2980] =	vst v0  }
0x72: {  	v0 =	vld [tilespmem:s30+$0x40];
	_ =	sdelay $0x4  }
0x73: {  	v54 =	vshrl.u32 v0, $0xE  }
0x74: {  	v0 =	vand.u32 $0x3FFF, v0;
	[tilespmem:$0x2810] =	vst v54  }
0x75: {  	[tilespmem:$0x2990] =	vst v0  }
0x76: {  	v0 =	vld [tilespmem:s30+$0x50];
	_ =	sdelay $0x4  }
0x77: {  	v55 =	vshrl.u32 v0, $0xE  }
0x78: {  	v0 =	vand.u32 $0x3FFF, v0;
	[tilespmem:$0x2820] =	vst v55  }
0x79: {  	[tilespmem:$0x29A0] =	vst v0  }
0x7a: {  	v0 =	vld [tilespmem:s30+$0x60];
	_ =	sdelay $0x4  }
0x7b: {  	v56 =	vshrl.u32 v0, $0xE  }
0x7c: {  	v0 =	vand.u32 $0x3FFF, v0;
	[tilespmem:$0x2830] =	vst v56  }
0x7d: {  	[tilespmem:$0x29B0] =	vst v0  }
0x7e: {  	v0 =	vld [tilespmem:s30+$0x70];
	_ =	sdelay $0x4  }
0x7f: {  	v57 =	vshrl.u32 v0, $0xE  }
0x80: {  	v0 =	vand.u32 $0x3FFF, v0;
	[tilespmem:$0x2840] =	vst v57  }
0x81: {  	[tilespmem:$0x29C0] =	vst v0  }
0x82: {  	[tilespmem:s14], [sflag:$0x1] =	stream.indirect.gather [hbm4b:s3+s12], $0x80, s13, s12, $0xb8;
	[tilespmem:$0x1E300] =	vst v63  }
0x83: {  	_ =	swait.ge [sflag:s25], $0x2800  }
0x84: {  	[sflag:s25] =	ssyncset.done $0x0  }
0x85: {  	[sflag:s25] =	ssyncadd.s32 $0xFFFFD800  }
0x86: {  	[spmem:s1] =	stream.indirect.scatter.add.f32 [tilespmem:s24], [sflag:$0x6], $0x80, s26, s12, $0xb8;
	[tilespmem:$0x1E300] =	vst v63  }
0x87: {  	_ =	swait.ge [sflag:s22], $0x2800  }
0x88: {  	[sflag:s22] =	ssyncset.done $0x0  }
0x89: {  	[sflag:s22] =	ssyncadd.s32 $0xFFFFD800  }
0x8a: {  	v58 =	vld [tilespmem:s30+$0x80];
	_ =	sdelay $0x4  }
0x8b: {  	v59 =	vshrl.u32 v58, $0xE  }
0x8c: {  	v0 =	vand.u32 $0x3FFF, v58;
	[tilespmem:$0x2880] =	vst v59  }
0x8d: {  	[tilespmem:$0x2A00] =	vst v0  }
0x8e: {  	v0 =	vld [tilespmem:s30+$0x90];
	_ =	sdelay $0x4  }
0x8f: {  	v60 =	vshrl.u32 v0, $0xE  }
0x90: {  	v0 =	vand.u32 $0x3FFF, v0;
	[tilespmem:$0x2890] =	vst v60  }
0x91: {  	[tilespmem:$0x2A10] =	vst v0  }
0x92: {  	v0 =	vld [tilespmem:s30+$0xA0];
	_ =	sdelay $0x4  }
0x93: {  	v61 =	vshrl.u32 v0, $0xE  }
0x94: {  	v0 =	vand.u32 $0x3FFF, v0;
	[tilespmem:$0x28A0] =	vst v61  }
0x95: {  	[tilespmem:$0x2A20] =	vst v0  }
0x96: {  	v0 =	vld [tilespmem:s30+$0xB0];
	_ =	sdelay $0x4  }
0x97: {  	v62 =	vshrl.u32 v0, $0xE  }
0x98: {  	v0 =	vand.u32 $0x3FFF, v0;
	[tilespmem:$0x28B0] =	vst v62  }
0x99: {  	[tilespmem:$0x2A30] =	vst v0  }
0x9a: {  	v0 =	vld [tilespmem:s30+$0xC0];
	_ =	sdelay $0x3  }
.Ltmp3:
0x9b: {  	_ = 	snop;
	(pc) =	sbr.rel .LBB2_2-.Ltmp3, $4  }
0x9c: {  	v63 =	vshrl.u32 v0, $0xE  }
0x9d: {  	v0 =	vand.u32 $0x3FFF, v0;
	[tilespmem:$0x28C0] =	vst v63  }
0x9e: {  	s29 =	sadd.s32 $0x3, s29;
	s30 =	sadd.s32 $0xF0, s30;
	[tilespmem:$0x2A40] =	vst v0  }
0x9f: {  	[tilespmem:s16], [sflag:$0x2] =	stream.indirect.gather [hbm4b:s3+s12], $0x80, s15, s12, $0xb8;
	[tilespmem:$0x1E300] =	vst v63  }
.LBB2_5:
0xa0: {  	_ =	sfence.sel $0x180000  }
0xa1: {  	[bflag:$0x0] =	sbarrier.arrive $0xFFFF  }
0xa2: {  	p0 =	sne.s32 s4, $0x0;
	_ =	strace $0x9000004A  }
0xa3: {  	s0 =	sadd.s32 @!p0 $0x100000, s0;
	[bflag:$0x2] =	sbarrier.arrive $0xFFFF  }
0xa4: {  	[sflag:s0] =	ssyncadd.tile.s32 @!p0 $0x1;
	_ =	shalt  }
.Lfunc_end2:
_tile_overlayer_lowered:
.L_overlay_start_2:
0xa5: {  	(tag) =	ssettag $0x2  }
0xa6: {  	s0 =	rddreg [dreg:$0x0];
	s2 =	stileid.u32  }
0xa7: {  	s1 =	rddreg [dreg:$0x1];
	p0 =	sne.s32 s2, $0x0  }
0xa8: {  	s3 =	rddreg [dreg:$0x2];
	[bflag:$0x3] =	sbarrier.arrive $0xFFFF;
	s2 =	simm.s32 @!p0 $0x1C07  }
0xa9: {  	[timem:s3], [sflag:s2] =	dma.local @!p0 [hbm:s0], s1  }
0xaa: {  	s0 =	simm.s32 @!p0 $0x7  }
0xab: {  	_ =	swait.ge @!p0 [sflag:s0], s1  }
0xac: {  	s1 =	ssub.s32 @!p0 $0x0, s1;
	[sflag:s0] =	ssyncset.done @!p0 $0x0  }
0xad: {  	[sflag:s0] =	ssyncadd.s32 @!p0 s1  }
0xae: {  	[bflag:$0x3] =	sbarrier.arrive $0xFFFF  }
0xaf: {  	_ =	shalt  }

// kernel: kernel.17.cloned.1.call-start
scs
__scs_entry_jumppad:
0x0: {  	(pc) =	sbr.rel $0x88, $3  }
0x1: {  	(tag) =	ssettag $0x0;
	lr =	simm.s32 $0x1  }
0x2: {  	[smem:$0x3F99] =	sst lr;
	_ =	strace $0xD0000000  }
0x3: {  	_ = 	snop  }
0x4: {  	_ = 	snop  }
0x5: {  	_ = 	snop  }
0x6: {  	_ = 	snop  }
0x7: {  	_ = 	snop  }
__scs_overlays_trampoline_lowered:
0x8: {  	[smem:$0x3FA8] =	sst s0  }
0x9: {  	[smem:$0x3FA9] =	sst s1  }
0xa: {  	[smem:$0x3FAA] =	sst s2  }
0xb: {  	[smem:$0x3FAB] =	sst s3  }
0xc: {  	[smem:$0x3FAC] =	sst s4  }
0xd: {  	[smem:$0x3FAD] =	sst s5  }
0xe: {  	[smem:$0x3FAE] =	sst s6  }
0xf: {  	[smem:$0x3FAF] =	sst s7  }
0x10: {  	[smem:$0x3FB0] =	sst s8  }
0x11: {  	[smem:$0x3FB1] =	sst s9;
	s0 =	simm.s32 @!p0 $0x0  }
0x12: {  	s1 =	sld [smem:$0x3F97];
	s0 =	simm.s32 @p0 $0x1  }
0x13: {  	[smem:$0x3FB2] =	sst s0;
	s0 =	simm.s32 @!p1 $0x0  }
0x14: {  	s2 =	sld [smem:$0x3F96];
	s0 =	simm.s32 @p1 $0x1  }
0x15: {  	[smem:$0x3FB3] =	sst s0;
	s0 =	simm.s32 @!p2 $0x0  }
0x16: {  	s3 =	sld [smem:$0x3FDB];
	s0 =	simm.s32 @p2 $0x1  }
0x17: {  	s4 =	simm.s32 $0x1BF5;
	[smem:$0x3FB5] =	sst s0  }
0x18: {  	s0 =	sld [smem:$0x3F98];
	_ =	swait.ge [sflag:s4], $0x0  }
0x19: {  	s7 =	sld [smem:$0x3F99]  }
0x1a: {  	s8 =	sadd.s32 $0xFFFFE003, lr  }
0x1b: {  	s9 =	sadd.s32 $0xFFFFFEF7, lr;
	s5 =	simm.s32 $0xFFFFFFFF;
	p2 =	slt.u32 s8, $0xFFFFF086  }
0x1c: {  	p1 =	slt.u32 s9, $0xF7A;
	s5 =	simm.s32 @!p2 $0x0  }
0x1d: {  	s5 =	simm.s32 @p1 $0x1;
	p0 =	seq.s32 s7, s2  }
0x1e: {  	s7 =	smul.u32 @!p0 $0xF7A, s2;
	p2 =	seq.s32 @!p0 s5, $0x0  }
0x1f: {  	s9 =	smul.u32 $0xF7A, s1;
	s8 =	simm.s32 @!p0 $0x1BF5;
	p2 =	por !p2, p0  }
0x20: {  	[sflag:s8] =	ssyncset.s32 @!p0 $0xFFFFF086;
	s6 =	sadd.s32 @!p0 s3, s7;
	s7 =	simm.s32 @!p0 $0x108  }
0x21: {  	s3 =	sadd.s32 s3, s9;
	s6 =	sadd.s32 @!p0 $0x88, s6;
	s7 =	simm.s32 @p2 $0x1082  }
0x22: {  	[simem:s7], [sflag:s8] =	dma.local @!p0 [hbm:s6], $0xF7A  }
0x23: {  	s9 =	sor.u32 $0xD0000000, s2;
	s6 =	simm.s32 $0x108;
	_ =	swait.ge @!p0 [sflag:s8], $0x0  }
0x24: {  	s3 =	sadd.s32 $0x88, s3;
	s6 =	simm.s32 @!p1 $0x1082;
	[sflag:s4] =	ssyncset.s32 $0xFFFFF086  }
0x25: {  	[simem:s6], [sflag:s4] =	dma.local [hbm:s3], $0xF7A  }
0x26: {  	[smem:$0x3F99] =	sst s1;
	(tag) =	ssettag s2;
	_ =	strace s9  }
0x27: {  	s1 =	sld [smem:$0x3FA9]  }
0x28: {  	s2 =	sld [smem:$0x3FAA]  }
0x29: {  	s4 =	sld [smem:$0x3FAC]  }
0x2a: {  	p0 =	seq.s32 s5, $0x0;
	s5 =	sld [smem:$0x3FAD]  }
0x2b: {  	s6 =	sld [smem:$0x3FAE]  }
0x2c: {  	s7 =	sld [smem:$0x3FAF]  }
0x2d: {  	s3 =	simm.s32 $0x108;
	s8 =	sld [smem:$0x3FB0]  }
0x2e: {  	s3 =	simm.s32 @!p0 $0x1082;
	s9 =	sld [smem:$0x3FB1]  }
0x2f: {  	lr =	sadd.s32 s0, s3;
	s0 =	sld [smem:$0x3FA8]  }
0x30: {  	s3 =	sld [smem:$0x3FAB]  }
0x31: {  	[smem:$0x3FB4] =	sst s10  }
0x32: {  	s10 =	sld [smem:$0x3FB2];
	_ =	sdelay $0x3  }
0x33: {  	p0 =	seq.s32 s10, $0x1;
	s10 =	sld [smem:$0x3FB4];
	_ =	sdelay $0x3  }
0x34: {  	[smem:$0x3FB4] =	sst s10  }
0x35: {  	s10 =	sld [smem:$0x3FB3];
	_ =	sdelay $0x3  }
0x36: {  	p1 =	seq.s32 s10, $0x1;
	s10 =	sld [smem:$0x3FB4];
	_ =	sdelay $0x3  }
0x37: {  	[smem:$0x3FB4] =	sst s10  }
0x38: {  	s10 =	sld [smem:$0x3FB5]  }
0x39: {  	_ = 	snop;
	(pc) =	sbr.ind lr, $3  }
0x3a: {  	_ = 	snop  }
0x3b: {  	_ = 	snop  }
0x3c: {  	p2 =	seq.s32 s10, $0x1;
	s10 =	sld [smem:$0x3FB4]  }
0x3d: {  	_ =	shalt  }
0x3e: {  	_ =	shalt  }
0x3f: {  	_ =	shalt  }
0x40: {  	_ =	shalt  }
0x41: {  	_ =	shalt  }
0x42: {  	_ =	shalt  }
0x43: {  	_ =	shalt  }
0x44: {  	_ =	shalt  }
0x45: {  	_ =	shalt  }
0x46: {  	_ =	shalt  }
0x47: {  	_ =	shalt  }
0x48: {  	_ =	shalt  }
0x49: {  	_ =	shalt  }
0x4a: {  	_ =	shalt  }
0x4b: {  	_ =	shalt  }
0x4c: {  	_ =	shalt  }
0x4d: {  	_ =	shalt  }
0x4e: {  	_ =	shalt  }
0x4f: {  	_ =	shalt  }
0x50: {  	_ =	shalt  }
0x51: {  	_ =	shalt  }
0x52: {  	_ =	shalt  }
0x53: {  	_ =	shalt  }
0x54: {  	_ =	shalt  }
0x55: {  	_ =	shalt  }
0x56: {  	_ =	shalt  }
0x57: {  	_ =	shalt  }
0x58: {  	_ =	shalt  }
0x59: {  	_ =	shalt  }
0x5a: {  	_ =	shalt  }
0x5b: {  	_ =	shalt  }
0x5c: {  	_ =	shalt  }
0x5d: {  	_ =	shalt  }
0x5e: {  	_ =	shalt  }
0x5f: {  	_ =	shalt  }
0x60: {  	_ =	shalt  }
0x61: {  	_ =	shalt  }
0x62: {  	_ =	shalt  }
0x63: {  	_ =	shalt  }
0x64: {  	_ =	shalt  }
0x65: {  	_ =	shalt  }
0x66: {  	_ =	shalt  }
0x67: {  	_ =	shalt  }
0x68: {  	_ =	shalt  }
0x69: {  	_ =	shalt  }
0x6a: {  	_ =	shalt  }
0x6b: {  	_ =	shalt  }
0x6c: {  	_ =	shalt  }
0x6d: {  	_ =	shalt  }
0x6e: {  	_ =	shalt  }
0x6f: {  	_ =	shalt  }
0x70: {  	_ =	shalt  }
0x71: {  	_ =	shalt  }
0x72: {  	_ =	shalt  }
0x73: {  	_ =	shalt  }
0x74: {  	_ =	shalt  }
0x75: {  	_ =	shalt  }
0x76: {  	_ =	shalt  }
0x77: {  	_ =	shalt  }
0x78: {  	_ =	shalt  }
0x79: {  	_ =	shalt  }
0x7a: {  	_ =	shalt  }
0x7b: {  	_ =	shalt  }
0x7c: {  	_ =	shalt  }
0x7d: {  	_ =	shalt  }
0x7e: {  	_ =	shalt  }
0x7f: {  	_ =	shalt  }
0x80: {  	_ =	shalt  }
0x81: {  	_ =	shalt  }
0x82: {  	_ =	shalt  }
0x83: {  	_ =	shalt  }
0x84: {  	_ =	shalt  }
0x85: {  	_ =	shalt  }
0x86: {  	_ =	shalt  }
0x87: {  	_ =	shalt  }
.Lfunc_end0:
.L_simem_size_0:
called_computation.2_lowered:
.L_overlay_start_0:
0x88: {  	s2 =	sld [smem:$0x3FD9]  }
0x89: {  	s3 =	sld [smem:$0x3FFE];
	_ =	sdelay $0x1  }
0x8a: {  	s1 =	srdreg.scid  }
0x8b: {  	s0 =	sand.u32 $0x1, s1  }
0x8c: {  	s17 =	sshll.u32 s0, $0xA;
	s2 =	sadd.s32 s3, s2  }
0x8d: {  	s2 =	sadd.s32 s2, s17  }
0x8e: {  	[smem:$0x3FC0] =	sst s2  }
0x8f: {  	_ = 	snop  }
0x90: {  	s2 =	sld [smem:$0x3FD0];
	(tm) =	ssettm $0x1  }
0x91: {  	s18 =	sld [smem:$0x3FFB];
	_ =	sdelay $0x3  }
0x92: {  	_ =	strace s18  }
0x93: {  	s3 =	sld [smem:$0x3FFC];
	_ =	sdelay $0x3  }
0x94: {  	_ =	strace s3  }
0x95: {  	s3 =	sld [smem:$0x3FFD];
	_ =	sdelay $0x3  }
0x96: {  	_ =	strace s3  }
0x97: {  	_ =	strace $0x8FFFFFFF  }
0x98: {  	s19 =	sld [smem:$0x3FDB];
	_ =	sdelay $0x1  }
0x99: {  	s4 =	simm.s32 $_scs_section_size  }
0x9a: {  	s5 =	simm.s32 $_size__tile_overlayer_lowered;
	s6 =	simm.s32 $_tile_overlayer_lowered  }
0x9b: {  	s22 =	simm.s32 $0x1BFF;
	s21 =	sshll.u32 s6, $0x1;
	s3 =	sadd.s32 s4, s19  }
0x9c: {  	s7 =	simm.s32 $0x0;
	s20 =	sshll.u32 s5, $0x1;
	s5 =	sadd.s32 s21, s3  }
0x9d: {  	[timem:s7], [sflag:s22] =	dma.local [hbm:s5], s20  }
0x9e: {  	_ =	swait.ge [sflag:s22], s20  }
0x9f: {  	s4 =	ssub.s32 $0x0, s20;
	[sflag:s22] =	ssyncset.done $0x0  }
0xa0: {  	[sflag:s22] =	ssyncadd.s32 s4;
	_ =	sdelay $0x1  }
0xa1: {  	s23 =	simm.s32 $0x1B8B  }
0xa2: {  	_ =	swait.ge [sflag:s23], $0x1  }
0xa3: {  	[sflag:s23] =	ssyncset.done $0x0  }
0xa4: {  	s25 =	simm.s32 $0x1B8E;
	s24 =	sld [smem:$0x3FFE];
	[sflag:s23] =	ssyncadd.s32 $0xFFFFFFFF  }
0xa5: {  	s26 =	simm.s32 $execute0_lowered;
	[smem:$0x3FD2] =	sst s25  }
0xa6: {  	s5 =	sshll.u32 s26, $0x1;
	_ =	strace $0x8000004C;
	[dreg:$0x1] =	wrdreg $0xFFFFFFFF  }
0xa7: {  	s28 =	simm.s32 $_size_execute0_lowered;
	s3 =	sadd.s32 s3, s5;
	[dreg:$0x0] =	wrdreg $0x0  }
0xa8: {  	s5 =	sshll.u32 s28, $0x1;
	[dreg:$0x2] =	wrdreg s3  }
0xa9: {  	[dreg:$0x3] =	wrdreg s5  }
0xaa: {  	[dreg:$0x4] =	wrdreg $0xC0  }
0xab: {  	_ =	task [dreg:s7], $0x5FFFF  }
0xac: {  	[dreg:$0x1] =	wrdreg $0xFFFFFFFF  }
0xad: {  	[dreg:$0x0] =	wrdreg $0x60  }
0xae: {  	[dreg:$0x2] =	wrdreg s24  }
0xaf: {  	[dreg:$0x3] =	wrdreg s2  }
0xb0: {  	[dreg:$0x4] =	wrdreg $0xA3000  }
0xb1: {  	[dreg:$0x5] =	wrdreg $0x9  }
0xb2: {  	_ =	task.clear_ibuf [dreg:s7], $0x6FFFF;
	_ =	strace $0x9000004C  }
0xb3: {  	s29 =	simm.s32 $0x9;
	_ =	strace $0x8000004E  }
0xb4: {  	_ =	swait.ge [sflag:s29], $0x1  }
0xb5: {  	[sflag:s29] =	ssyncadd.s32 $0xFFFFFFFF  }
0xb6: {  	_ =	strace $0x9000004E  }
0xb7: {  	_ =	sfence  }
0xb8: {  	s30 =	sld [smem:$0x0];
	_ =	sdelay $0x2  }
0xb9: {  	s31 =	sshll.u32 s1, $0xD;
	s1 =	sshrl.u32 s1, $0x2  }
0xba: {  	s3 =	sand.u32 $0x4000, s31;
	s1 =	sadd.s32 s1, s30  }
0xbb: {  	s0 =	sor.u32 s3, s0;
	s1 =	sshll.u32 s1, $0x11  }
0xbc: {  	s0 =	sor.u32 s1, s0  }
0xbd: {  	s0 =	sadd.s32 $0x8F2B, s0  }
0xbe: {  	[sflag:s0] =	ssyncadd.remote.s32 $0x1  }
0xbf: {  	_ =	sfence.sel $0xFFFF  }
0xc0: {  	[dreg:$0x0] =	wrdreg $0xFFFFFFFF;
	(pc) =	sbr.abs _section_cstart, $3  }
0xc1: {  	[dreg:$0x1] =	wrdreg $0xFFFFFFFF  }
0xc2: {  	_ =	task.clear_ibuf [dreg:s7], $0x2FFFF;
	_ =	strace $0x9FFFFFFF  }
0xc3: {  	(tm) =	ssettm $0x7FFFFFFF  }
tec
execute0_lowered:
.L_overlay_start_1:
0x0: {  	(tag) =	ssettag $0x1  }
0x1: {  	s5 =	rddreg [dreg:$0x0]  }
0x2: {  	s6 =	rddreg [dreg:$0x1]  }
0x3: {  	s1 =	rddreg [dreg:$0x2]  }
0x4: {  	s0 =	rddreg [dreg:$0x3]  }
0x5: {  	s2 =	simm.s32 $0x0;
	s4 =	srdreg.scid;
	s15 =	simm.s32 $0x2880  }
0x6: {  	s16 =	simm.s32 $0x5300;
	s17 =	simm.s32 $0x1;
	s18 =	simm.s32 $0x2980  }
0x7: {  	s19 =	simm.s32 $0x2;
	s20 =	simm.s32 $0x2A00;
	s21 =	simm.s32 $0x4  }
0x8: {  	s22 =	simm.s32 $0x5;
	s23 =	simm.s32 $0x2900;
	s24 =	simm.s32 $0x7B00  }
0x9: {  	s28 =	simm.s32 $0x0;
	[smem:$0x7FF] =	sst s2;
	s3 =	sadd.s32 $0x3C00, s5  }
0xa: {  	s7 =	sadd.s32 $0x2BC00, s5;
	s8 =	sadd.s32 $0x53C00, s5;
	s9 =	sand.u32 $0x1, s4  }
0xb: {  	s4 =	stileid.u32;
	s14 =	sadd.s32 $0x7BC00, s5;
	_ =	strace $0x8000004D  }
0xc: {  	s10 =	ssub.s32 $0x2, s9;
	s11 =	sshll.u32 s9, $0x4;
	s13 =	smul.u32 $0x50000, s4  }
0xd: {  	p0 =	seq.s32 s9, $0x0;
	s29 =	smul.u32 $0x2800, s4;
	s9 =	simm.s32 $0x7  }
0xe: {  	s31 =	sshll.u32 s4, $0x6;
	s12 =	sshrl.u32 s10, $0x1;
	s11 =	sor.u32 s4, s11  }
0xf: {  	s7 =	smov.u32 @p0 s3;
	s14 =	smov.u32 @p0 s8;
	s25 =	smul.u32 $0x500, s11  }
.Ltmp0:
0x10: {  	s10 =	ssub.s32 s10, s12;
	s26 =	sshrl.u32 s13, $0x2;
	(pc) =	sbr.rel .LBB2_1-.Ltmp0, $4  }
0x11: {  	s7 =	sadd.s32 s7, s29;
	s8 =	sadd.s32 s14, s29;
	s12 =	simm.s32 $0x50  }
0x12: {  	s13 =	simm.s32 $0x2800;
	s14 =	simm.s32 $0x2B00;
	s30 =	sadd.s32 s26, s1  }
0x13: {  	s26 =	simm.s32 $0x2A80;
	s5 =	sadd.s32 s6, s25;
	s6 =	smax.u32 s10, $0x1  }
0x14: {  	s10 =	sor.u32 $0x1C07, s31;
	s11 =	sshrl.u32 s30, $0x3;
	s25 =	simm.s32 $0x3  }
.LBB2_4:
0x15: {  	_ =	swait.ge [sflag:s19], $0x2800  }
0x16: {  	[sflag:s19] =	ssyncset.done $0x0  }
0x17: {  	[sflag:s19] =	ssyncadd.s32 $0xFFFFD800  }
0x18: {  	[spmem:s1] =	stream.indirect.scatter.add.f32 [tilespmem:s16], [sflag:$0x5], $0x80, s20, s12, $0xb8;
	[tilespmem:$0x1E300] =	vst v63  }
0x19: {  	_ =	swait.ge [sflag:s21], $0x2800  }
0x1a: {  	[sflag:s21] =	ssyncset.done $0x0  }
0x1b: {  	[sflag:s21] =	ssyncadd.s32 $0xFFFFD800  }
0x1c: {  	_ =	swait.ge [sflag:s22], $0x2800  }
0x1d: {  	s28 =	sadd.s32 $0x1, s28;
	[sflag:s22] =	ssyncset.done $0x0  }
0x1e: {  	p0 =	sne.s32 s28, s6;
	[sflag:s22] =	ssyncadd.s32 $0xFFFFD800  }
.Ltmp1:
0x1f: {  	[bflag:$0x0] =	sbarrier.arrive $0xFFFF;
	(pc) =	sbr.rel @!p0 .LBB2_5-.Ltmp1, $4  }
0x20: {  	[hbm:s8], [sflag:s10] =	dma.local [spmem:s11], $0x2800  }
0x21: {  	_ =	swait.ge [sflag:s9], $0x2800  }
0x22: {  	[sflag:s9] =	ssyncset.done $0x0  }
0x23: {  	[sflag:s9] =	ssyncadd.s32 $0xFFFFD800  }
.LBB2_1:
0x24: {  	[tilespmem:s2], [sflag:$0x7] =	stream.linear.gather [hbm4b:s5+s2], $0x2800, $0x38;
	[tilespmem:$0x1E300] =	vst v63  }
0x25: {  	_ =	swait.ge [sflag:s9], $0x2800  }
0x26: {  	[sflag:s9] =	ssyncset.done $0x0  }
0x27: {  	[sflag:s9] =	ssyncadd.s32 $0xFFFFD800  }
0x28: {  	[spmem:s11], [sflag:s10] =	dma.local [hbm:s7], $0x2800  }
0x29: {  	_ =	swait.ge [sflag:s9], $0x2800  }
0x2a: {  	[sflag:s9] =	ssyncset.done $0x0  }
0x2b: {  	[sflag:s9] =	ssyncadd.s32 $0xFFFFD800  }
0x2c: {  	[bflag:$0x0] =	sbarrier.arrive $0xFFFF  }
0x2d: {  	v0 =	vld [tilespmem:$0x0];
	_ =	sdelay $0x1  }
0x2e: {  	v1 =	vld [tilespmem:$0x10];
	_ =	sdelay $0x1  }
0x2f: {  	v2 =	vld [tilespmem:$0x20]  }
0x30: {  	v3 =	vshrl.u32 v0, $0xE  }
0x31: {  	v40 =	vld [tilespmem:$0x30];
	v0 =	vand.u32 $0x3FFF, v0;
	[tilespmem:$0x2800] =	vst v3  }
0x32: {  	v41 =	vshrl.u32 v1, $0xE;
	[tilespmem:$0x2980] =	vst v0  }
0x33: {  	v43 =	vld [tilespmem:$0x40];
	v42 =	vand.u32 $0x3FFF, v1;
	[tilespmem:$0x2810] =	vst v41  }
0x34: {  	v44 =	vshrl.u32 v2, $0xE;
	[tilespmem:$0x2990] =	vst v42  }
0x35: {  	v45 =	vand.u32 $0x3FFF, v2;
	[tilespmem:$0x2820] =	vst v44  }
0x36: {  	v46 =	vshrl.u32 v40, $0xE;
	[tilespmem:$0x29A0] =	vst v45  }
0x37: {  	v47 =	vand.u32 $0x3FFF, v40;
	[tilespmem:$0x2830] =	vst v46  }
0x38: {  	v48 =	vshrl.u32 v43, $0xE;
	[tilespmem:$0x29B0] =	vst v47  }
0x39: {  	v49 =	vand.u32 $0x3FFF, v43;
	[tilespmem:$0x2840] =	vst v48  }
0x3a: {  	[tilespmem:$0x29C0] =	vst v49  }
0x3b: {  	[tilespmem:s14], [sflag:$0x1] =	stream.indirect.gather [hbm4b:s3+s12], $0x80, s13, s12, $0xb8;
	[tilespmem:$0x1E300] =	vst v63  }
0x3c: {  	v50 =	vld [tilespmem:$0x50];
	_ =	sdelay $0x1  }
0x3d: {  	v51 =	vld [tilespmem:$0x60];
	_ =	sdelay $0x1  }
0x3e: {  	v52 =	vld [tilespmem:$0x70]  }
0x3f: {  	v53 =	vshrl.u32 v50, $0xE  }
0x40: {  	v54 =	vld [tilespmem:$0x80];
	v0 =	vand.u32 $0x3FFF, v50;
	[tilespmem:$0x2880] =	vst v53  }
0x41: {  	v55 =	vshrl.u32 v51, $0xE;
	[tilespmem:$0x2A00] =	vst v0  }
0x42: {  	v57 =	vld [tilespmem:$0x90];
	v56 =	vand.u32 $0x3FFF, v51;
	[tilespmem:$0x2890] =	vst v55  }
0x43: {  	v58 =	vshrl.u32 v52, $0xE;
	[tilespmem:$0x2A10] =	vst v56  }
0x44: {  	v59 =	vand.u32 $0x3FFF, v52;
	[tilespmem:$0x28A0] =	vst v58  }
0x45: {  	v60 =	vshrl.u32 v54, $0xE;
	[tilespmem:$0x2A20] =	vst v59  }
0x46: {  	v61 =	vand.u32 $0x3FFF, v54;
	[tilespmem:$0x28B0] =	vst v60  }
0x47: {  	v62 =	vshrl.u32 v57, $0xE;
	[tilespmem:$0x2A30] =	vst v61  }
0x48: {  	v63 =	vand.u32 $0x3FFF, v57;
	[tilespmem:$0x28C0] =	vst v62  }
0x49: {  	s29 =	simm.s32 $0xFFFFFFFF;
	s30 =	simm.s32 $0xC0;
	[tilespmem:$0x2A40] =	vst v63  }
0x4a: {  	[tilespmem:s16], [sflag:$0x2] =	stream.indirect.gather [hbm4b:s3+s12], $0x80, s15, s12, $0xb8;
	[tilespmem:$0x1E300] =	vst v63  }
.LBB2_2:
0x4b: {  	_ =	swait.ge [sflag:s17], $0x2800  }
0x4c: {  	p0 =	sgt.u32 s29, $0x7F;
	p1 =	seq.s32 s29, $0x7D;
	[sflag:s17] =	ssyncset.done $0x0  }
.Ltmp2:
0x4d: {  	s31 =	simm.s32 @!p0 $0x6;
	[sflag:s17] =	ssyncadd.s32 $0xFFFFD800;
	(pc) =	sbr.rel @p1 .LBB2_4-.Ltmp2, $4  }
0x4e: {  	[spmem:s1] =	stream.indirect.scatter.add.f32 [tilespmem:s14], [sflag:$0x4], $0x80, s18, s12, $0xb8;
	[tilespmem:$0x1E300] =	vst v63  }
0x4f: {  	_ =	swait.ge @!p0 [sflag:s31], $0x2800  }
0x50: {  	[sflag:s31] =	ssyncset.done @!p0 $0x0  }
0x51: {  	[sflag:s31] =	ssyncadd.s32 @!p0 $0xFFFFD800  }
0x52: {  	v0 =	vld [tilespmem:s30+$0xFFFFFFE0];
	_ =	sdelay $0x4  }
0x53: {  	v1 =	vshrl.u32 v0, $0xE  }
0x54: {  	v0 =	vand.u32 $0x3FFF, v0;
	[tilespmem:$0x2900] =	vst v1  }
0x55: {  	[tilespmem:$0x2A80] =	vst v0  }
0x56: {  	v0 =	vld [tilespmem:s30+$0xFFFFFFF0];
	_ =	sdelay $0x4  }
0x57: {  	v48 =	vshrl.u32 v0, $0xE  }
0x58: {  	v0 =	vand.u32 $0x3FFF, v0;
	[tilespmem:$0x2910] =	vst v48  }
0x59: {  	[tilespmem:$0x2A90] =	vst v0  }
0x5a: {  	v0 =	vld [tilespmem:s30+$0x0];
	_ =	sdelay $0x4  }
0x5b: {  	v49 =	vshrl.u32 v0, $0xE  }
0x5c: {  	v0 =	vand.u32 $0x3FFF, v0;
	[tilespmem:$0x2920] =	vst v49  }
0x5d: {  	[tilespmem:$0x2AA0] =	vst v0  }
0x5e: {  	v0 =	vld [tilespmem:s30+$0x10];
	_ =	sdelay $0x4  }
0x5f: {  	v50 =	vshrl.u32 v0, $0xE  }
0x60: {  	v0 =	vand.u32 $0x3FFF, v0;
	[tilespmem:$0x2930] =	vst v50  }
0x61: {  	[tilespmem:$0x2AB0] =	vst v0  }
0x62: {  	v0 =	vld [tilespmem:s30+$0x20];
	_ =	sdelay $0x4  }
0x63: {  	v51 =	vshrl.u32 v0, $0xE  }
0x64: {  	v0 =	vand.u32 $0x3FFF, v0;
	[tilespmem:$0x2940] =	vst v51  }
0x65: {  	[tilespmem:$0x2AC0] =	vst v0  }
0x66: {  	[tilespmem:s24], [sflag:$0x3] =	stream.indirect.gather [hbm4b:s3+s12], $0x80, s23, s12, $0xb8;
	[tilespmem:$0x1E300] =	vst v63  }
0x67: {  	_ =	swait.ge [sflag:s19], $0x2800  }
0x68: {  	[sflag:s19] =	ssyncset.done $0x0  }
0x69: {  	[sflag:s19] =	ssyncadd.s32 $0xFFFFD800  }
0x6a: {  	[spmem:s1] =	stream.indirect.scatter.add.f32 [tilespmem:s16], [sflag:$0x5], $0x80, s20, s12, $0xb8;
	[tilespmem:$0x1E300] =	vst v63  }
0x6b: {  	_ =	swait.ge [sflag:s21], $0x2800  }
0x6c: {  	[sflag:s21] =	ssyncset.done $0x0  }
0x6d: {  	[sflag:s21] =	ssyncadd.s32 $0xFFFFD800  }
0x6e: {  	v52 =	vld [tilespmem:s30+$0x30];
	_ =	sdelay $0x4  }
0x6f: {  	v53 =	vshrl.u32 v52, $0xE  }
0x70: {  	v0 =	vand.u32 $0x3FFF, v52;
	[tilespmem:$0x2800] =	vst v53  }
0x71: {  	[tilespmem:$0x2980] =	vst v0  }
0x72: {  	v0 =	vld [tilespmem:s30+$0x40];
	_ =	sdelay $0x4  }
0x73: {  	v54 =	vshrl.u32 v0, $0xE  }
0x74: {  	v0 =	vand.u32 $0x3FFF, v0;
	[tilespmem:$0x2810] =	vst v54  }
0x75: {  	[tilespmem:$0x2990] =	vst v0  }
0x76: {  	v0 =	vld [tilespmem:s30+$0x50];
	_ =	sdelay $0x4  }
0x77: {  	v55 =	vshrl.u32 v0, $0xE  }
0x78: {  	v0 =	vand.u32 $0x3FFF, v0;
	[tilespmem:$0x2820] =	vst v55  }
0x79: {  	[tilespmem:$0x29A0] =	vst v0  }
0x7a: {  	v0 =	vld [tilespmem:s30+$0x60];
	_ =	sdelay $0x4  }
0x7b: {  	v56 =	vshrl.u32 v0, $0xE  }
0x7c: {  	v0 =	vand.u32 $0x3FFF, v0;
	[tilespmem:$0x2830] =	vst v56  }
0x7d: {  	[tilespmem:$0x29B0] =	vst v0  }
0x7e: {  	v0 =	vld [tilespmem:s30+$0x70];
	_ =	sdelay $0x4  }
0x7f: {  	v57 =	vshrl.u32 v0, $0xE  }
0x80: {  	v0 =	vand.u32 $0x3FFF, v0;
	[tilespmem:$0x2840] =	vst v57  }
0x81: {  	[tilespmem:$0x29C0] =	vst v0  }
0x82: {  	[tilespmem:s14], [sflag:$0x1] =	stream.indirect.gather [hbm4b:s3+s12], $0x80, s13, s12, $0xb8;
	[tilespmem:$0x1E300] =	vst v63  }
0x83: {  	_ =	swait.ge [sflag:s25], $0x2800  }
0x84: {  	[sflag:s25] =	ssyncset.done $0x0  }
0x85: {  	[sflag:s25] =	ssyncadd.s32 $0xFFFFD800  }
0x86: {  	[spmem:s1] =	stream.indirect.scatter.add.f32 [tilespmem:s24], [sflag:$0x6], $0x80, s26, s12, $0xb8;
	[tilespmem:$0x1E300] =	vst v63  }
0x87: {  	_ =	swait.ge [sflag:s22], $0x2800  }
0x88: {  	[sflag:s22] =	ssyncset.done $0x0  }
0x89: {  	[sflag:s22] =	ssyncadd.s32 $0xFFFFD800  }
0x8a: {  	v58 =	vld [tilespmem:s30+$0x80];
	_ =	sdelay $0x4  }
0x8b: {  	v59 =	vshrl.u32 v58, $0xE  }
0x8c: {  	v0 =	vand.u32 $0x3FFF, v58;
	[tilespmem:$0x2880] =	vst v59  }
0x8d: {  	[tilespmem:$0x2A00] =	vst v0  }
0x8e: {  	v0 =	vld [tilespmem:s30+$0x90];
	_ =	sdelay $0x4  }
0x8f: {  	v60 =	vshrl.u32 v0, $0xE  }
0x90: {  	v0 =	vand.u32 $0x3FFF, v0;
	[tilespmem:$0x2890] =	vst v60  }
0x91: {  	[tilespmem:$0x2A10] =	vst v0  }
0x92: {  	v0 =	vld [tilespmem:s30+$0xA0];
	_ =	sdelay $0x4  }
0x93: {  	v61 =	vshrl.u32 v0, $0xE  }
0x94: {  	v0 =	vand.u32 $0x3FFF, v0;
	[tilespmem:$0x28A0] =	vst v61  }
0x95: {  	[tilespmem:$0x2A20] =	vst v0  }
0x96: {  	v0 =	vld [tilespmem:s30+$0xB0];
	_ =	sdelay $0x4  }
0x97: {  	v62 =	vshrl.u32 v0, $0xE  }
0x98: {  	v0 =	vand.u32 $0x3FFF, v0;
	[tilespmem:$0x28B0] =	vst v62  }
0x99: {  	[tilespmem:$0x2A30] =	vst v0  }
0x9a: {  	v0 =	vld [tilespmem:s30+$0xC0];
	_ =	sdelay $0x3  }
.Ltmp3:
0x9b: {  	_ = 	snop;
	(pc) =	sbr.rel .LBB2_2-.Ltmp3, $4  }
0x9c: {  	v63 =	vshrl.u32 v0, $0xE  }
0x9d: {  	v0 =	vand.u32 $0x3FFF, v0;
	[tilespmem:$0x28C0] =	vst v63  }
0x9e: {  	s29 =	sadd.s32 $0x3, s29;
	s30 =	sadd.s32 $0xF0, s30;
	[tilespmem:$0x2A40] =	vst v0  }
0x9f: {  	[tilespmem:s16], [sflag:$0x2] =	stream.indirect.gather [hbm4b:s3+s12], $0x80, s15, s12, $0xb8;
	[tilespmem:$0x1E300] =	vst v63  }
.LBB2_5:
0xa0: {  	_ =	sfence.sel $0x180000  }
0xa1: {  	[bflag:$0x0] =	sbarrier.arrive $0xFFFF  }
0xa2: {  	p0 =	sne.s32 s4, $0x0;
	_ =	strace $0x9000004D  }
0xa3: {  	s0 =	sadd.s32 @!p0 $0x100000, s0;
	[bflag:$0x2] =	sbarrier.arrive $0xFFFF  }
0xa4: {  	[sflag:s0] =	ssyncadd.tile.s32 @!p0 $0x1;
	_ =	shalt  }
.Lfunc_end2:
_tile_overlayer_lowered:
.L_overlay_start_2:
0xa5: {  	(tag) =	ssettag $0x2  }
0xa6: {  	s0 =	rddreg [dreg:$0x0];
	s2 =	stileid.u32  }
0xa7: {  	s1 =	rddreg [dreg:$0x1];
	p0 =	sne.s32 s2, $0x0  }
0xa8: {  	s3 =	rddreg [dreg:$0x2];
	[bflag:$0x3] =	sbarrier.arrive $0xFFFF;
	s2 =	simm.s32 @!p0 $0x1C07  }
0xa9: {  	[timem:s3], [sflag:s2] =	dma.local @!p0 [hbm:s0], s1  }
0xaa: {  	s0 =	simm.s32 @!p0 $0x7  }
0xab: {  	_ =	swait.ge @!p0 [sflag:s0], s1  }
0xac: {  	s1 =	ssub.s32 @!p0 $0x0, s1;
	[sflag:s0] =	ssyncset.done @!p0 $0x0  }
0xad: {  	[sflag:s0] =	ssyncadd.s32 @!p0 s1  }
0xae: {  	[bflag:$0x3] =	sbarrier.arrive $0xFFFF  }
0xaf: {  	_ =	shalt  }

// kernel: kernel.20.cloned.1.call-start
scs
__scs_entry_jumppad:
0x0: {  	(pc) =	sbr.rel $0x88, $3  }
0x1: {  	(tag) =	ssettag $0x0;
	lr =	simm.s32 $0x1  }
0x2: {  	[smem:$0x3F99] =	sst lr;
	_ =	strace $0xD0000000  }
0x3: {  	_ = 	snop  }
0x4: {  	_ = 	snop  }
0x5: {  	_ = 	snop  }
0x6: {  	_ = 	snop  }
0x7: {  	_ = 	snop  }
__scs_overlays_trampoline_lowered:
0x8: {  	[smem:$0x3FA8] =	sst s0  }
0x9: {  	[smem:$0x3FA9] =	sst s1  }
0xa: {  	[smem:$0x3FAA] =	sst s2  }
0xb: {  	[smem:$0x3FAB] =	sst s3  }
0xc: {  	[smem:$0x3FAC] =	sst s4  }
0xd: {  	[smem:$0x3FAD] =	sst s5  }
0xe: {  	[smem:$0x3FAE] =	sst s6  }
0xf: {  	[smem:$0x3FAF] =	sst s7  }
0x10: {  	[smem:$0x3FB0] =	sst s8  }
0x11: {  	[smem:$0x3FB1] =	sst s9;
	s0 =	simm.s32 @!p0 $0x0  }
0x12: {  	s1 =	sld [smem:$0x3F97];
	s0 =	simm.s32 @p0 $0x1  }
0x13: {  	[smem:$0x3FB2] =	sst s0;
	s0 =	simm.s32 @!p1 $0x0  }
0x14: {  	s2 =	sld [smem:$0x3F96];
	s0 =	simm.s32 @p1 $0x1  }
0x15: {  	[smem:$0x3FB3] =	sst s0;
	s0 =	simm.s32 @!p2 $0x0  }
0x16: {  	s3 =	sld [smem:$0x3FDB];
	s0 =	simm.s32 @p2 $0x1  }
0x17: {  	s4 =	simm.s32 $0x1BF5;
	[smem:$0x3FB5] =	sst s0  }
0x18: {  	s0 =	sld [smem:$0x3F98];
	_ =	swait.ge [sflag:s4], $0x0  }
0x19: {  	s7 =	sld [smem:$0x3F99]  }
0x1a: {  	s8 =	sadd.s32 $0xFFFFE003, lr  }
0x1b: {  	s9 =	sadd.s32 $0xFFFFFEF7, lr;
	s5 =	simm.s32 $0xFFFFFFFF;
	p2 =	slt.u32 s8, $0xFFFFF086  }
0x1c: {  	p1 =	slt.u32 s9, $0xF7A;
	s5 =	simm.s32 @!p2 $0x0  }
0x1d: {  	s5 =	simm.s32 @p1 $0x1;
	p0 =	seq.s32 s7, s2  }
0x1e: {  	s7 =	smul.u32 @!p0 $0xF7A, s2;
	p2 =	seq.s32 @!p0 s5, $0x0  }
0x1f: {  	s9 =	smul.u32 $0xF7A, s1;
	s8 =	simm.s32 @!p0 $0x1BF5;
	p2 =	por !p2, p0  }
0x20: {  	[sflag:s8] =	ssyncset.s32 @!p0 $0xFFFFF086;
	s6 =	sadd.s32 @!p0 s3, s7;
	s7 =	simm.s32 @!p0 $0x108  }
0x21: {  	s3 =	sadd.s32 s3, s9;
	s6 =	sadd.s32 @!p0 $0x88, s6;
	s7 =	simm.s32 @p2 $0x1082  }
0x22: {  	[simem:s7], [sflag:s8] =	dma.local @!p0 [hbm:s6], $0xF7A  }
0x23: {  	s9 =	sor.u32 $0xD0000000, s2;
	s6 =	simm.s32 $0x108;
	_ =	swait.ge @!p0 [sflag:s8], $0x0  }
0x24: {  	s3 =	sadd.s32 $0x88, s3;
	s6 =	simm.s32 @!p1 $0x1082;
	[sflag:s4] =	ssyncset.s32 $0xFFFFF086  }
0x25: {  	[simem:s6], [sflag:s4] =	dma.local [hbm:s3], $0xF7A  }
0x26: {  	[smem:$0x3F99] =	sst s1;
	(tag) =	ssettag s2;
	_ =	strace s9  }
0x27: {  	s1 =	sld [smem:$0x3FA9]  }
0x28: {  	s2 =	sld [smem:$0x3FAA]  }
0x29: {  	s4 =	sld [smem:$0x3FAC]  }
0x2a: {  	p0 =	seq.s32 s5, $0x0;
	s5 =	sld [smem:$0x3FAD]  }
0x2b: {  	s6 =	sld [smem:$0x3FAE]  }
0x2c: {  	s7 =	sld [smem:$0x3FAF]  }
0x2d: {  	s3 =	simm.s32 $0x108;
	s8 =	sld [smem:$0x3FB0]  }
0x2e: {  	s3 =	simm.s32 @!p0 $0x1082;
	s9 =	sld [smem:$0x3FB1]  }
0x2f: {  	lr =	sadd.s32 s0, s3;
	s0 =	sld [smem:$0x3FA8]  }
0x30: {  	s3 =	sld [smem:$0x3FAB]  }
0x31: {  	[smem:$0x3FB4] =	sst s10  }
0x32: {  	s10 =	sld [smem:$0x3FB2];
	_ =	sdelay $0x3  }
0x33: {  	p0 =	seq.s32 s10, $0x1;
	s10 =	sld [smem:$0x3FB4];
	_ =	sdelay $0x3  }
0x34: {  	[smem:$0x3FB4] =	sst s10  }
0x35: {  	s10 =	sld [smem:$0x3FB3];
	_ =	sdelay $0x3  }
0x36: {  	p1 =	seq.s32 s10, $0x1;
	s10 =	sld [smem:$0x3FB4];
	_ =	sdelay $0x3  }
0x37: {  	[smem:$0x3FB4] =	sst s10  }
0x38: {  	s10 =	sld [smem:$0x3FB5]  }
0x39: {  	_ = 	snop;
	(pc) =	sbr.ind lr, $3  }
0x3a: {  	_ = 	snop  }
0x3b: {  	_ = 	snop  }
0x3c: {  	p2 =	seq.s32 s10, $0x1;
	s10 =	sld [smem:$0x3FB4]  }
0x3d: {  	_ =	shalt  }
0x3e: {  	_ =	shalt  }
0x3f: {  	_ =	shalt  }
0x40: {  	_ =	shalt  }
0x41: {  	_ =	shalt  }
0x42: {  	_ =	shalt  }
0x43: {  	_ =	shalt  }
0x44: {  	_ =	shalt  }
0x45: {  	_ =	shalt  }
0x46: {  	_ =	shalt  }
0x47: {  	_ =	shalt  }
0x48: {  	_ =	shalt  }
0x49: {  	_ =	shalt  }
0x4a: {  	_ =	shalt  }
0x4b: {  	_ =	shalt  }
0x4c: {  	_ =	shalt  }
0x4d: {  	_ =	shalt  }
0x4e: {  	_ =	shalt  }
0x4f: {  	_ =	shalt  }
0x50: {  	_ =	shalt  }
0x51: {  	_ =	shalt  }
0x52: {  	_ =	shalt  }
0x53: {  	_ =	shalt  }
0x54: {  	_ =	shalt  }
0x55: {  	_ =	shalt  }
0x56: {  	_ =	shalt  }
0x57: {  	_ =	shalt  }
0x58: {  	_ =	shalt  }
0x59: {  	_ =	shalt  }
0x5a: {  	_ =	shalt  }
0x5b: {  	_ =	shalt  }
0x5c: {  	_ =	shalt  }
0x5d: {  	_ =	shalt  }
0x5e: {  	_ =	shalt  }
0x5f: {  	_ =	shalt  }
0x60: {  	_ =	shalt  }
0x61: {  	_ =	shalt  }
0x62: {  	_ =	shalt  }
0x63: {  	_ =	shalt  }
0x64: {  	_ =	shalt  }
0x65: {  	_ =	shalt  }
0x66: {  	_ =	shalt  }
0x67: {  	_ =	shalt  }
0x68: {  	_ =	shalt  }
0x69: {  	_ =	shalt  }
0x6a: {  	_ =	shalt  }
0x6b: {  	_ =	shalt  }
0x6c: {  	_ =	shalt  }
0x6d: {  	_ =	shalt  }
0x6e: {  	_ =	shalt  }
0x6f: {  	_ =	shalt  }
0x70: {  	_ =	shalt  }
0x71: {  	_ =	shalt  }
0x72: {  	_ =	shalt  }
0x73: {  	_ =	shalt  }
0x74: {  	_ =	shalt  }
0x75: {  	_ =	shalt  }
0x76: {  	_ =	shalt  }
0x77: {  	_ =	shalt  }
0x78: {  	_ =	shalt  }
0x79: {  	_ =	shalt  }
0x7a: {  	_ =	shalt  }
0x7b: {  	_ =	shalt  }
0x7c: {  	_ =	shalt  }
0x7d: {  	_ =	shalt  }
0x7e: {  	_ =	shalt  }
0x7f: {  	_ =	shalt  }
0x80: {  	_ =	shalt  }
0x81: {  	_ =	shalt  }
0x82: {  	_ =	shalt  }
0x83: {  	_ =	shalt  }
0x84: {  	_ =	shalt  }
0x85: {  	_ =	shalt  }
0x86: {  	_ =	shalt  }
0x87: {  	_ =	shalt  }
.Lfunc_end0:
.L_simem_size_0:
called_computation.3_lowered:
.L_overlay_start_0:
0x88: {  	s2 =	sld [smem:$0x3FD9]  }
0x89: {  	s3 =	sld [smem:$0x3FFE];
	_ =	sdelay $0x1  }
0x8a: {  	s1 =	srdreg.scid  }
0x8b: {  	s0 =	sand.u32 $0x1, s1  }
0x8c: {  	s17 =	sshll.u32 s0, $0xA;
	s2 =	sadd.s32 s3, s2  }
0x8d: {  	s2 =	sadd.s32 s2, s17  }
0x8e: {  	[smem:$0x3FC0] =	sst s2  }
0x8f: {  	_ = 	snop  }
0x90: {  	s2 =	sld [smem:$0x3FD0];
	(tm) =	ssettm $0x1  }
0x91: {  	s18 =	sld [smem:$0x3FFB];
	_ =	sdelay $0x3  }
0x92: {  	_ =	strace s18  }
0x93: {  	s3 =	sld [smem:$0x3FFC];
	_ =	sdelay $0x3  }
0x94: {  	_ =	strace s3  }
0x95: {  	s3 =	sld [smem:$0x3FFD];
	_ =	sdelay $0x3  }
0x96: {  	_ =	strace s3  }
0x97: {  	_ =	strace $0x8FFFFFFF  }
0x98: {  	s19 =	sld [smem:$0x3FDB];
	_ =	sdelay $0x1  }
0x99: {  	s4 =	simm.s32 $_scs_section_size  }
0x9a: {  	s5 =	simm.s32 $_size__tile_overlayer_lowered;
	s6 =	simm.s32 $_tile_overlayer_lowered  }
0x9b: {  	s22 =	simm.s32 $0x1BFF;
	s21 =	sshll.u32 s6, $0x1;
	s3 =	sadd.s32 s4, s19  }
0x9c: {  	s7 =	simm.s32 $0x0;
	s20 =	sshll.u32 s5, $0x1;
	s5 =	sadd.s32 s21, s3  }
0x9d: {  	[timem:s7], [sflag:s22] =	dma.local [hbm:s5], s20  }
0x9e: {  	_ =	swait.ge [sflag:s22], s20  }
0x9f: {  	s4 =	ssub.s32 $0x0, s20;
	[sflag:s22] =	ssyncset.done $0x0  }
0xa0: {  	[sflag:s22] =	ssyncadd.s32 s4;
	_ =	sdelay $0x1  }
0xa1: {  	s23 =	simm.s32 $0x1B8B  }
0xa2: {  	_ =	swait.ge [sflag:s23], $0x1  }
0xa3: {  	[sflag:s23] =	ssyncset.done $0x0  }
0xa4: {  	s25 =	simm.s32 $0x1B8E;
	s24 =	sld [smem:$0x3FFE];
	[sflag:s23] =	ssyncadd.s32 $0xFFFFFFFF  }
0xa5: {  	s26 =	simm.s32 $execute0_lowered;
	[smem:$0x3FD2] =	sst s25  }
0xa6: {  	s5 =	sshll.u32 s26, $0x1;
	_ =	strace $0x8000004F;
	[dreg:$0x1] =	wrdreg $0xFFFFFFFF  }
0xa7: {  	s28 =	simm.s32 $_size_execute0_lowered;
	s3 =	sadd.s32 s3, s5;
	[dreg:$0x0] =	wrdreg $0x0  }
0xa8: {  	s5 =	sshll.u32 s28, $0x1;
	[dreg:$0x2] =	wrdreg s3  }
0xa9: {  	[dreg:$0x3] =	wrdreg s5  }
0xaa: {  	[dreg:$0x4] =	wrdreg $0xC0  }
0xab: {  	_ =	task [dreg:s7], $0x5FFFF  }
0xac: {  	[dreg:$0x1] =	wrdreg $0xFFFFFFFF  }
0xad: {  	[dreg:$0x0] =	wrdreg $0x60  }
0xae: {  	[dreg:$0x2] =	wrdreg s24  }
0xaf: {  	[dreg:$0x3] =	wrdreg s2  }
0xb0: {  	[dreg:$0x4] =	wrdreg $0xA3000  }
0xb1: {  	[dreg:$0x5] =	wrdreg $0x9  }
0xb2: {  	_ =	task.clear_ibuf [dreg:s7], $0x6FFFF;
	_ =	strace $0x9000004F  }
0xb3: {  	s29 =	simm.s32 $0x9;
	_ =	strace $0x80000051  }
0xb4: {  	_ =	swait.ge [sflag:s29], $0x1  }
0xb5: {  	[sflag:s29] =	ssyncadd.s32 $0xFFFFFFFF  }
0xb6: {  	_ =	strace $0x90000051  }
0xb7: {  	_ =	sfence  }
0xb8: {  	s30 =	sld [smem:$0x0];
	_ =	sdelay $0x2  }
0xb9: {  	s31 =	sshll.u32 s1, $0xD;
	s1 =	sshrl.u32 s1, $0x2  }
0xba: {  	s3 =	sand.u32 $0x4000, s31;
	s1 =	sadd.s32 s1, s30  }
0xbb: {  	s0 =	sor.u32 s3, s0;
	s1 =	sshll.u32 s1, $0x11  }
0xbc: {  	s0 =	sor.u32 s1, s0  }
0xbd: {  	s0 =	sadd.s32 $0x8F2B, s0  }
0xbe: {  	[sflag:s0] =	ssyncadd.remote.s32 $0x1  }
0xbf: {  	_ =	sfence.sel $0xFFFF  }
0xc0: {  	[dreg:$0x0] =	wrdreg $0xFFFFFFFF;
	(pc) =	sbr.abs _section_cstart, $3  }
0xc1: {  	[dreg:$0x1] =	wrdreg $0xFFFFFFFF  }
0xc2: {  	_ =	task.clear_ibuf [dreg:s7], $0x2FFFF;
	_ =	strace $0x9FFFFFFF  }
0xc3: {  	(tm) =	ssettm $0x7FFFFFFF  }
tec
execute0_lowered:
.L_overlay_start_1:
0x0: {  	(tag) =	ssettag $0x1  }
0x1: {  	s5 =	rddreg [dreg:$0x0]  }
0x2: {  	s6 =	rddreg [dreg:$0x1]  }
0x3: {  	s1 =	rddreg [dreg:$0x2]  }
0x4: {  	s0 =	rddreg [dreg:$0x3]  }
0x5: {  	s2 =	simm.s32 $0x0;
	s4 =	srdreg.scid;
	s15 =	simm.s32 $0x2880  }
0x6: {  	s16 =	simm.s32 $0x5300;
	s17 =	simm.s32 $0x1;
	s18 =	simm.s32 $0x2980  }
0x7: {  	s19 =	simm.s32 $0x2;
	s20 =	simm.s32 $0x2A00;
	s21 =	simm.s32 $0x4  }
0x8: {  	s22 =	simm.s32 $0x5;
	s23 =	simm.s32 $0x2900;
	s24 =	simm.s32 $0x7B00  }
0x9: {  	s28 =	simm.s32 $0x0;
	[smem:$0x7FF] =	sst s2;
	s3 =	sadd.s32 $0x3C00, s5  }
0xa: {  	s7 =	sadd.s32 $0x2BC00, s5;
	s8 =	sadd.s32 $0x53C00, s5;
	s9 =	sand.u32 $0x1, s4  }
0xb: {  	s4 =	stileid.u32;
	s14 =	sadd.s32 $0x7BC00, s5;
	_ =	strace $0x80000050  }
0xc: {  	s10 =	ssub.s32 $0x2, s9;
	s11 =	sshll.u32 s9, $0x4;
	s13 =	smul.u32 $0x50000, s4  }
0xd: {  	p0 =	seq.s32 s9, $0x0;
	s29 =	smul.u32 $0x2800, s4;
	s9 =	simm.s32 $0x7  }
0xe: {  	s31 =	sshll.u32 s4, $0x6;
	s12 =	sshrl.u32 s10, $0x1;
	s11 =	sor.u32 s4, s11  }
0xf: {  	s7 =	smov.u32 @p0 s3;
	s14 =	smov.u32 @p0 s8;
	s25 =	smul.u32 $0x500, s11  }
.Ltmp0:
0x10: {  	s10 =	ssub.s32 s10, s12;
	s26 =	sshrl.u32 s13, $0x2;
	(pc) =	sbr.rel .LBB2_1-.Ltmp0, $4  }
0x11: {  	s7 =	sadd.s32 s7, s29;
	s8 =	sadd.s32 s14, s29;
	s12 =	simm.s32 $0x50  }
0x12: {  	s13 =	simm.s32 $0x2800;
	s14 =	simm.s32 $0x2B00;
	s30 =	sadd.s32 s26, s1  }
0x13: {  	s26 =	simm.s32 $0x2A80;
	s5 =	sadd.s32 s6, s25;
	s6 =	smax.u32 s10, $0x1  }
0x14: {  	s10 =	sor.u32 $0x1C07, s31;
	s11 =	sshrl.u32 s30, $0x3;
	s25 =	simm.s32 $0x3  }
.LBB2_4:
0x15: {  	_ =	swait.ge [sflag:s19], $0x2800  }
0x16: {  	[sflag:s19] =	ssyncset.done $0x0  }
0x17: {  	[sflag:s19] =	ssyncadd.s32 $0xFFFFD800  }
0x18: {  	[spmem:s1] =	stream.indirect.scatter.add.f32 [tilespmem:s16], [sflag:$0x5], $0x80, s20, s12, $0xb8;
	[tilespmem:$0x1E300] =	vst v63  }
0x19: {  	_ =	swait.ge [sflag:s21], $0x2800  }
0x1a: {  	[sflag:s21] =	ssyncset.done $0x0  }
0x1b: {  	[sflag:s21] =	ssyncadd.s32 $0xFFFFD800  }
0x1c: {  	_ =	swait.ge [sflag:s22], $0x2800  }
0x1d: {  	s28 =	sadd.s32 $0x1, s28;
	[sflag:s22] =	ssyncset.done $0x0  }
0x1e: {  	p0 =	sne.s32 s28, s6;
	[sflag:s22] =	ssyncadd.s32 $0xFFFFD800  }
.Ltmp1:
0x1f: {  	[bflag:$0x0] =	sbarrier.arrive $0xFFFF;
	(pc) =	sbr.rel @!p0 .LBB2_5-.Ltmp1, $4  }
0x20: {  	[hbm:s8], [sflag:s10] =	dma.local [spmem:s11], $0x2800  }
0x21: {  	_ =	swait.ge [sflag:s9], $0x2800  }
0x22: {  	[sflag:s9] =	ssyncset.done $0x0  }
0x23: {  	[sflag:s9] =	ssyncadd.s32 $0xFFFFD800  }
.LBB2_1:
0x24: {  	[tilespmem:s2], [sflag:$0x7] =	stream.linear.gather [hbm4b:s5+s2], $0x2800, $0x38;
	[tilespmem:$0x1E300] =	vst v63  }
0x25: {  	_ =	swait.ge [sflag:s9], $0x2800  }
0x26: {  	[sflag:s9] =	ssyncset.done $0x0  }
0x27: {  	[sflag:s9] =	ssyncadd.s32 $0xFFFFD800  }
0x28: {  	[spmem:s11], [sflag:s10] =	dma.local [hbm:s7], $0x2800  }
0x29: {  	_ =	swait.ge [sflag:s9], $0x2800  }
0x2a: {  	[sflag:s9] =	ssyncset.done $0x0  }
0x2b: {  	[sflag:s9] =	ssyncadd.s32 $0xFFFFD800  }
0x2c: {  	[bflag:$0x0] =	sbarrier.arrive $0xFFFF  }
0x2d: {  	v0 =	vld [tilespmem:$0x0];
	_ =	sdelay $0x1  }
0x2e: {  	v1 =	vld [tilespmem:$0x10];
	_ =	sdelay $0x1  }
0x2f: {  	v2 =	vld [tilespmem:$0x20]  }
0x30: {  	v3 =	vshrl.u32 v0, $0xE  }
0x31: {  	v40 =	vld [tilespmem:$0x30];
	v0 =	vand.u32 $0x3FFF, v0;
	[tilespmem:$0x2800] =	vst v3  }
0x32: {  	v41 =	vshrl.u32 v1, $0xE;
	[tilespmem:$0x2980] =	vst v0  }
0x33: {  	v43 =	vld [tilespmem:$0x40];
	v42 =	vand.u32 $0x3FFF, v1;
	[tilespmem:$0x2810] =	vst v41  }
0x34: {  	v44 =	vshrl.u32 v2, $0xE;
	[tilespmem:$0x2990] =	vst v42  }
0x35: {  	v45 =	vand.u32 $0x3FFF, v2;
	[tilespmem:$0x2820] =	vst v44  }
0x36: {  	v46 =	vshrl.u32 v40, $0xE;
	[tilespmem:$0x29A0] =	vst v45  }
0x37: {  	v47 =	vand.u32 $0x3FFF, v40;
	[tilespmem:$0x2830] =	vst v46  }
0x38: {  	v48 =	vshrl.u32 v43, $0xE;
	[tilespmem:$0x29B0] =	vst v47  }
0x39: {  	v49 =	vand.u32 $0x3FFF, v43;
	[tilespmem:$0x2840] =	vst v48  }
0x3a: {  	[tilespmem:$0x29C0] =	vst v49  }
0x3b: {  	[tilespmem:s14], [sflag:$0x1] =	stream.indirect.gather [hbm4b:s3+s12], $0x80, s13, s12, $0xb8;
	[tilespmem:$0x1E300] =	vst v63  }
0x3c: {  	v50 =	vld [tilespmem:$0x50];
	_ =	sdelay $0x1  }
0x3d: {  	v51 =	vld [tilespmem:$0x60];
	_ =	sdelay $0x1  }
0x3e: {  	v52 =	vld [tilespmem:$0x70]  }
0x3f: {  	v53 =	vshrl.u32 v50, $0xE  }
0x40: {  	v54 =	vld [tilespmem:$0x80];
	v0 =	vand.u32 $0x3FFF, v50;
	[tilespmem:$0x2880] =	vst v53  }
0x41: {  	v55 =	vshrl.u32 v51, $0xE;
	[tilespmem:$0x2A00] =	vst v0  }
0x42: {  	v57 =	vld [tilespmem:$0x90];
	v56 =	vand.u32 $0x3FFF, v51;
	[tilespmem:$0x2890] =	vst v55  }
0x43: {  	v58 =	vshrl.u32 v52, $0xE;
	[tilespmem:$0x2A10] =	vst v56  }
0x44: {  	v59 =	vand.u32 $0x3FFF, v52;
	[tilespmem:$0x28A0] =	vst v58  }
0x45: {  	v60 =	vshrl.u32 v54, $0xE;
	[tilespmem:$0x2A20] =	vst v59  }
0x46: {  	v61 =	vand.u32 $0x3FFF, v54;
	[tilespmem:$0x28B0] =	vst v60  }
0x47: {  	v62 =	vshrl.u32 v57, $0xE;
	[tilespmem:$0x2A30] =	vst v61  }
0x48: {  	v63 =	vand.u32 $0x3FFF, v57;
	[tilespmem:$0x28C0] =	vst v62  }
0x49: {  	s29 =	simm.s32 $0xFFFFFFFF;
	s30 =	simm.s32 $0xC0;
	[tilespmem:$0x2A40] =	vst v63  }
0x4a: {  	[tilespmem:s16], [sflag:$0x2] =	stream.indirect.gather [hbm4b:s3+s12], $0x80, s15, s12, $0xb8;
	[tilespmem:$0x1E300] =	vst v63  }
.LBB2_2:
0x4b: {  	_ =	swait.ge [sflag:s17], $0x2800  }
0x4c: {  	p0 =	sgt.u32 s29, $0x7F;
	p1 =	seq.s32 s29, $0x7D;
	[sflag:s17] =	ssyncset.done $0x0  }
.Ltmp2:
0x4d: {  	s31 =	simm.s32 @!p0 $0x6;
	[sflag:s17] =	ssyncadd.s32 $0xFFFFD800;
	(pc) =	sbr.rel @p1 .LBB2_4-.Ltmp2, $4  }
0x4e: {  	[spmem:s1] =	stream.indirect.scatter.add.f32 [tilespmem:s14], [sflag:$0x4], $0x80, s18, s12, $0xb8;
	[tilespmem:$0x1E300] =	vst v63  }
0x4f: {  	_ =	swait.ge @!p0 [sflag:s31], $0x2800  }
0x50: {  	[sflag:s31] =	ssyncset.done @!p0 $0x0  }
0x51: {  	[sflag:s31] =	ssyncadd.s32 @!p0 $0xFFFFD800  }
0x52: {  	v0 =	vld [tilespmem:s30+$0xFFFFFFE0];
	_ =	sdelay $0x4  }
0x53: {  	v1 =	vshrl.u32 v0, $0xE  }
0x54: {  	v0 =	vand.u32 $0x3FFF, v0;
	[tilespmem:$0x2900] =	vst v1  }
0x55: {  	[tilespmem:$0x2A80] =	vst v0  }
0x56: {  	v0 =	vld [tilespmem:s30+$0xFFFFFFF0];
	_ =	sdelay $0x4  }
0x57: {  	v48 =	vshrl.u32 v0, $0xE  }
0x58: {  	v0 =	vand.u32 $0x3FFF, v0;
	[tilespmem:$0x2910] =	vst v48  }
0x59: {  	[tilespmem:$0x2A90] =	vst v0  }
0x5a: {  	v0 =	vld [tilespmem:s30+$0x0];
	_ =	sdelay $0x4  }
0x5b: {  	v49 =	vshrl.u32 v0, $0xE  }
0x5c: {  	v0 =	vand.u32 $0x3FFF, v0;
	[tilespmem:$0x2920] =	vst v49  }
0x5d: {  	[tilespmem:$0x2AA0] =	vst v0  }
0x5e: {  	v0 =	vld [tilespmem:s30+$0x10];
	_ =	sdelay $0x4  }
0x5f: {  	v50 =	vshrl.u32 v0, $0xE  }
0x60: {  	v0 =	vand.u32 $0x3FFF, v0;
	[tilespmem:$0x2930] =	vst v50  }
0x61: {  	[tilespmem:$0x2AB0] =	vst v0  }
0x62: {  	v0 =	vld [tilespmem:s30+$0x20];
	_ =	sdelay $0x4  }
0x63: {  	v51 =	vshrl.u32 v0, $0xE  }
0x64: {  	v0 =	vand.u32 $0x3FFF, v0;
	[tilespmem:$0x2940] =	vst v51  }
0x65: {  	[tilespmem:$0x2AC0] =	vst v0  }
0x66: {  	[tilespmem:s24], [sflag:$0x3] =	stream.indirect.gather [hbm4b:s3+s12], $0x80, s23, s12, $0xb8;
	[tilespmem:$0x1E300] =	vst v63  }
0x67: {  	_ =	swait.ge [sflag:s19], $0x2800  }
0x68: {  	[sflag:s19] =	ssyncset.done $0x0  }
0x69: {  	[sflag:s19] =	ssyncadd.s32 $0xFFFFD800  }
0x6a: {  	[spmem:s1] =	stream.indirect.scatter.add.f32 [tilespmem:s16], [sflag:$0x5], $0x80, s20, s12, $0xb8;
	[tilespmem:$0x1E300] =	vst v63  }
0x6b: {  	_ =	swait.ge [sflag:s21], $0x2800  }
0x6c: {  	[sflag:s21] =	ssyncset.done $0x0  }
0x6d: {  	[sflag:s21] =	ssyncadd.s32 $0xFFFFD800  }
0x6e: {  	v52 =	vld [tilespmem:s30+$0x30];
	_ =	sdelay $0x4  }
0x6f: {  	v53 =	vshrl.u32 v52, $0xE  }
0x70: {  	v0 =	vand.u32 $0x3FFF, v52;
	[tilespmem:$0x2800] =	vst v53  }
0x71: {  	[tilespmem:$0x2980] =	vst v0  }
0x72: {  	v0 =	vld [tilespmem:s30+$0x40];
	_ =	sdelay $0x4  }
0x73: {  	v54 =	vshrl.u32 v0, $0xE  }
0x74: {  	v0 =	vand.u32 $0x3FFF, v0;
	[tilespmem:$0x2810] =	vst v54  }
0x75: {  	[tilespmem:$0x2990] =	vst v0  }
0x76: {  	v0 =	vld [tilespmem:s30+$0x50];
	_ =	sdelay $0x4  }
0x77: {  	v55 =	vshrl.u32 v0, $0xE  }
0x78: {  	v0 =	vand.u32 $0x3FFF, v0;
	[tilespmem:$0x2820] =	vst v55  }
0x79: {  	[tilespmem:$0x29A0] =	vst v0  }
0x7a: {  	v0 =	vld [tilespmem:s30+$0x60];
	_ =	sdelay $0x4  }
0x7b: {  	v56 =	vshrl.u32 v0, $0xE  }
0x7c: {  	v0 =	vand.u32 $0x3FFF, v0;
	[tilespmem:$0x2830] =	vst v56  }
0x7d: {  	[tilespmem:$0x29B0] =	vst v0  }
0x7e: {  	v0 =	vld [tilespmem:s30+$0x70];
	_ =	sdelay $0x4  }
0x7f: {  	v57 =	vshrl.u32 v0, $0xE  }
0x80: {  	v0 =	vand.u32 $0x3FFF, v0;
	[tilespmem:$0x2840] =	vst v57  }
0x81: {  	[tilespmem:$0x29C0] =	vst v0  }
0x82: {  	[tilespmem:s14], [sflag:$0x1] =	stream.indirect.gather [hbm4b:s3+s12], $0x80, s13, s12, $0xb8;
	[tilespmem:$0x1E300] =	vst v63  }
0x83: {  	_ =	swait.ge [sflag:s25], $0x2800  }
0x84: {  	[sflag:s25] =	ssyncset.done $0x0  }
0x85: {  	[sflag:s25] =	ssyncadd.s32 $0xFFFFD800  }
0x86: {  	[spmem:s1] =	stream.indirect.scatter.add.f32 [tilespmem:s24], [sflag:$0x6], $0x80, s26, s12, $0xb8;
	[tilespmem:$0x1E300] =	vst v63  }
0x87: {  	_ =	swait.ge [sflag:s22], $0x2800  }
0x88: {  	[sflag:s22] =	ssyncset.done $0x0  }
0x89: {  	[sflag:s22] =	ssyncadd.s32 $0xFFFFD800  }
0x8a: {  	v58 =	vld [tilespmem:s30+$0x80];
	_ =	sdelay $0x4  }
0x8b: {  	v59 =	vshrl.u32 v58, $0xE  }
0x8c: {  	v0 =	vand.u32 $0x3FFF, v58;
	[tilespmem:$0x2880] =	vst v59  }
0x8d: {  	[tilespmem:$0x2A00] =	vst v0  }
0x8e: {  	v0 =	vld [tilespmem:s30+$0x90];
	_ =	sdelay $0x4  }
0x8f: {  	v60 =	vshrl.u32 v0, $0xE  }
0x90: {  	v0 =	vand.u32 $0x3FFF, v0;
	[tilespmem:$0x2890] =	vst v60  }
0x91: {  	[tilespmem:$0x2A10] =	vst v0  }
0x92: {  	v0 =	vld [tilespmem:s30+$0xA0];
	_ =	sdelay $0x4  }
0x93: {  	v61 =	vshrl.u32 v0, $0xE  }
0x94: {  	v0 =	vand.u32 $0x3FFF, v0;
	[tilespmem:$0x28A0] =	vst v61  }
0x95: {  	[tilespmem:$0x2A20] =	vst v0  }
0x96: {  	v0 =	vld [tilespmem:s30+$0xB0];
	_ =	sdelay $0x4  }
0x97: {  	v62 =	vshrl.u32 v0, $0xE  }
0x98: {  	v0 =	vand.u32 $0x3FFF, v0;
	[tilespmem:$0x28B0] =	vst v62  }
0x99: {  	[tilespmem:$0x2A30] =	vst v0  }
0x9a: {  	v0 =	vld [tilespmem:s30+$0xC0];
	_ =	sdelay $0x3  }
.Ltmp3:
0x9b: {  	_ = 	snop;
	(pc) =	sbr.rel .LBB2_2-.Ltmp3, $4  }
0x9c: {  	v63 =	vshrl.u32 v0, $0xE  }
0x9d: {  	v0 =	vand.u32 $0x3FFF, v0;
	[tilespmem:$0x28C0] =	vst v63  }
0x9e: {  	s29 =	sadd.s32 $0x3, s29;
	s30 =	sadd.s32 $0xF0, s30;
	[tilespmem:$0x2A40] =	vst v0  }
0x9f: {  	[tilespmem:s16], [sflag:$0x2] =	stream.indirect.gather [hbm4b:s3+s12], $0x80, s15, s12, $0xb8;
	[tilespmem:$0x1E300] =	vst v63  }
.LBB2_5:
0xa0: {  	_ =	sfence.sel $0x180000  }
0xa1: {  	[bflag:$0x0] =	sbarrier.arrive $0xFFFF  }
0xa2: {  	p0 =	sne.s32 s4, $0x0;
	_ =	strace $0x90000050  }
0xa3: {  	s0 =	sadd.s32 @!p0 $0x100000, s0;
	[bflag:$0x2] =	sbarrier.arrive $0xFFFF  }
0xa4: {  	[sflag:s0] =	ssyncadd.tile.s32 @!p0 $0x1;
	_ =	shalt  }
.Lfunc_end2:
_tile_overlayer_lowered:
.L_overlay_start_2:
0xa5: {  	(tag) =	ssettag $0x2  }
0xa6: {  	s0 =	rddreg [dreg:$0x0];
	s2 =	stileid.u32  }
0xa7: {  	s1 =	rddreg [dreg:$0x1];
	p0 =	sne.s32 s2, $0x0  }
0xa8: {  	s3 =	rddreg [dreg:$0x2];
	[bflag:$0x3] =	sbarrier.arrive $0xFFFF;
	s2 =	simm.s32 @!p0 $0x1C07  }
0xa9: {  	[timem:s3], [sflag:s2] =	dma.local @!p0 [hbm:s0], s1  }
0xaa: {  	s0 =	simm.s32 @!p0 $0x7  }
0xab: {  	_ =	swait.ge @!p0 [sflag:s0], s1  }
0xac: {  	s1 =	ssub.s32 @!p0 $0x0, s1;
	[sflag:s0] =	ssyncset.done @!p0 $0x0  }
0xad: {  	[sflag:s0] =	ssyncadd.s32 @!p0 s1  }
0xae: {  	[bflag:$0x3] =	sbarrier.arrive $0xFFFF  }
0xaf: {  	_ =	shalt  }

</sc_bundles>
